<compile_context>
chip_gen: v7x
topology: tpu7x:2x2x1
jax: 0.10.2.dev20260603
libtpu: 0.0.44.dev20260713+nightly
codegen_flags: <defaults>
</compile_context>

<pallas_src>
import functools

import numpy as np
import jax
import jax.numpy as jnp
from jax import lax
from jax.experimental import pallas as pl
from jax.experimental.pallas import tpu as pltpu
from jax.experimental.pallas import tpu_sc as plsc

B, H, W = 8, 28, 28
C2, C3 = 128, 256
C = C2 + C3
NQ = B * H * W
QT = 448
NQT = NQ // QT
QG = 128
NQG = NQ // QG
NC = 16384
CT = 2048
NCT = NC // CT
OUT = 224
KNN = 9

_HIGH = jax.lax.Precision.HIGHEST


def _dot(a, b, dn, prec=_HIGH):
    return lax.dot_general(a, b, dimension_numbers=dn,
                           preferred_element_type=jnp.float32,
                           precision=prec)


_DN_T = (((1,), (1,)), ((), ()))


def _map_matrix():
    R = np.zeros((OUT, H), dtype=np.float64)
    scale = H / OUT
    for x in range(OUT):
        pos = (x + 0.5) * scale - 0.5
        w = np.maximum(0.0, 1.0 - np.abs(pos - np.arange(H)))
        R[x] = w / w.sum()
    sigma = 4.0
    ks = 2 * int(4.0 * sigma + 0.5) + 1
    r = ks // 2
    t = np.arange(ks, dtype=np.float64) - r
    g = np.exp(-0.5 * (t / sigma) ** 2)
    g = g / g.sum()
    G = np.zeros((OUT, OUT), dtype=np.float64)
    for x in range(OUT):
        lo = max(0, x - r)
        hi = min(OUT, x + r + 1)
        G[x, lo:hi] = g[lo - x + r:hi - x + r]
    return (G @ R).astype(np.float32)


_A_MAP = _map_matrix()


def _pool_body(x2_ref, x3_ref, o2_ref, o3_ref):
    def pool(x, h, w, c):
        zr = jnp.zeros((1, w, c), jnp.float32)
        xp = jnp.concatenate([zr, x, zr], axis=0)
        zc = jnp.zeros((h + 2, 1, c), jnp.float32)
        xp = jnp.concatenate([zc, xp, zc], axis=1)
        acc = jnp.zeros((h, w, c), jnp.float32)
        for i in range(3):
            for j in range(3):
                acc = acc + xp[i:i + h, j:j + w, :]
        return acc * (1.0 / 9.0)

    o2_ref[0] = pool(x2_ref[0], H, W, C2)
    o3_ref[0] = pool(x3_ref[0], H // 2, W // 2, C3)


def _pool(f2t, f3t):
    return pl.pallas_call(
        _pool_body,
        grid=(B,),
        in_specs=[
            pl.BlockSpec((1, H, W, C2), lambda b: (b, 0, 0, 0)),
            pl.BlockSpec((1, H // 2, W // 2, C3), lambda b: (b, 0, 0, 0)),
        ],
        out_specs=[
            pl.BlockSpec((1, H, W, C2), lambda b: (b, 0, 0, 0)),
            pl.BlockSpec((1, H // 2, W // 2, C3), lambda b: (b, 0, 0, 0)),
        ],
        out_shape=[
            jax.ShapeDtypeStruct((B, H, W, C2), jnp.float32),
            jax.ShapeDtypeStruct((B, H // 2, W // 2, C3), jnp.float32),
        ],
    )(f2t, f3t)


def _knn_body(emb_ref, cs_ref, score_ref, minv, chi, clo, b2s):
    c = pl.program_id(0)
    q = pl.program_id(1)

    @pl.when(q == 0)
    def _():
        ch = cs_ref[...]
        b2s[...] = jnp.broadcast_to(
            jnp.sum(ch * ch, axis=1)[None, :], (8, CT))
        cn = ch * (-2.0)
        hi = cn.astype(jnp.bfloat16)
        chi[...] = hi
        clo[...] = (cn - hi.astype(jnp.float32)).astype(jnp.bfloat16)

    dflt = jax.lax.Precision.DEFAULT
    eq = emb_ref[...]
    a2 = jnp.sum(eq * eq, axis=1)
    e_hi = eq.astype(jnp.bfloat16)
    c_hi = chi[...]
    c_lo = clo[...]
    ab = (_dot(e_hi, c_hi, _DN_T, prec=dflt)
          + _dot(e_hi, c_lo, _DN_T, prec=dflt))
    m = jnp.min(b2s[0:1, :] + ab, axis=1)
    prev_v = jnp.where(c == 0, jnp.inf, minv[q, 0, :])
    new_v = jnp.minimum(m, prev_v)

    @pl.when(c == NCT - 1)
    def _():
        score_ref[0, 0, :] = jnp.sqrt(jnp.maximum(a2 + new_v, 1e-12))

    @pl.when(c < NCT - 1)
    def _():
        minv[q, 0, :] = new_v


def _knn(emb, coreset):
    return pl.pallas_call(
        _knn_body,
        grid=(NCT, NQT),
        in_specs=[
            pl.BlockSpec((QT, C), lambda c, q: (q, 0)),
            pl.BlockSpec((CT, C), lambda c, q: (c, 0)),
        ],
        out_specs=pl.BlockSpec((1, 1, QT), lambda c, q: (q, 0, 0)),
        out_shape=jax.ShapeDtypeStruct((NQT, 1, QT), jnp.float32),
        scratch_shapes=[
            pltpu.VMEM((NQT, 1, QT), jnp.float32),
            pltpu.VMEM((CT, C), jnp.bfloat16),
            pltpu.VMEM((CT, C), jnp.bfloat16),
            pltpu.VMEM((8, CT), jnp.float32),
        ],
    )(emb, coreset)


def _score_body(ps_ref, emb_ref, cs_ref, dnn_ref, dmp_ref, mpf_s,
                nns_ref, runm_ref):
    i = pl.program_id(0)
    s = i // NCT
    cidx = i % NCT
    chunk = cs_ref[...]
    b2 = jnp.sum(chunk * chunk, axis=1)

    @pl.when(i == 0)
    def _():
        ps = ps_ref[...]
        mx = jnp.max(ps, axis=1)
        iota_p = lax.broadcasted_iota(jnp.int32, (B, H * W), 1)
        mp = jnp.min(jnp.where(ps == mx[:, None], iota_p, NQ), axis=1)
        row = lax.broadcasted_iota(jnp.int32, (B, 1), 0)[:, 0] * (H * W) + mp

        def g(qq, acc):
            gid = qq * QG + lax.broadcasted_iota(jnp.int32, (1, QG), 1)
            ohq = (gid == row[:, None]).astype(jnp.float32)
            eqq = emb_ref[pl.ds(qq * QG, QG), :]
            return acc + _dot(ohq, eqq, (((1,), (0,)), ((), ())))

        mpf_s[...] = lax.fori_loop(
            0, NQG, g, jnp.zeros((B, C), jnp.float32))

    @pl.when(s == 0)
    def _():
        mpf = mpf_s[...]
        m2 = jnp.sum(mpf * mpf, axis=1)
        dm = m2[:, None] + b2[None, :] - 2.0 * _dot(
            mpf, chunk, (((1,), (1,)), ((), ())))
        dmp_ref[:, pl.ds(cidx * CT, CT)] = jnp.sqrt(jnp.maximum(dm, 1e-12))
        mc = jnp.min(dm, axis=1)
        am = jnp.argmin(dm, axis=1).astype(jnp.int32)
        prev = jnp.where(i == 0, jnp.inf, runm_ref[:, 0])
        upd = mc < prev
        iota_ct = lax.broadcasted_iota(jnp.int32, (B, CT), 1)
        oh = jnp.where(upd[:, None] & (iota_ct == am[:, None]), 1.0, 0.0)
        cand = _dot(oh, chunk, (((1,), (0,)), ((), ())))
        prev_nns = jnp.where(i == 0, 0.0, nns_ref[...])
        nns_ref[...] = jnp.where(upd[:, None], cand, prev_nns)
        runm_ref[...] = jnp.broadcast_to(
            jnp.where(upd, mc, prev)[:, None], (B, QG))

    @pl.when(s == 1)
    def _():
        nns = nns_ref[...]
        n2 = jnp.sum(nns * nns, axis=1)
        dn = n2[:, None] + b2[None, :] - 2.0 * _dot(
            nns, chunk, (((1,), (1,)), ((), ())))
        dnn_ref[:, pl.ds(cidx * CT, CT)] = jnp.sqrt(jnp.maximum(dn, 1e-12))


def _score(ps, emb, coreset):
    return pl.pallas_call(
        _score_body,
        grid=(2 * NCT,),
        in_specs=[
            pl.BlockSpec((B, H * W), lambda i: (0, 0)),
            pl.BlockSpec((NQ, C), lambda i: (0, 0)),
            pl.BlockSpec((CT, C), lambda i: (i % NCT, 0)),
        ],
        out_specs=[
            pl.BlockSpec((B, NC), lambda i: (0, 0)),
            pl.BlockSpec((B, NC), lambda i: (0, 0)),
        ],
        out_shape=[
            jax.ShapeDtypeStruct((B, NC), jnp.float32),
            jax.ShapeDtypeStruct((B, NC), jnp.float32),
        ],
        scratch_shapes=[
            pltpu.VMEM((B, C), jnp.float32),
            pltpu.VMEM((B, C), jnp.float32),
            pltpu.VMEM((B, QG), jnp.float32),
        ],
    )(ps, emb, coreset)


_L = 16


def _sc_tail(dnn_flat, dmpf_flat, ps_flat):
    mesh = plsc.VectorSubcoreMesh(
        core_axis_name="c", subcore_axis_name="s",
        num_cores=2, num_subcores=16)

    @functools.partial(
        pl.kernel,
        out_type=jax.ShapeDtypeStruct((B * _L,), jnp.float32),
        mesh=mesh,
        scratch_types=[
            pltpu.VMEM((NC,), jnp.float32),
            pltpu.VMEM((NC,), jnp.float32),
            pltpu.VMEM((H * W,), jnp.float32),
            pltpu.VMEM((_L,), jnp.float32),
            pltpu.VMEM((_L,), jnp.float32),
            pltpu.VMEM((_L,), jnp.int32),
        ],
        compiler_params=pltpu.CompilerParams(needs_layout_passes=False),
    )
    def tail(dnn_hbm, dmpf_hbm, ps_hbm, out_hbm, dnn_v, dmpf_v, ps_v, out_v,
             f1_v, i1_v):
        wid = lax.axis_index("s") * 2 + lax.axis_index("c")

        lane = lax.iota(jnp.int32, _L)

        def bfly(x, scr, op):
            for cstep in (1, 2, 4, 8):
                scr[...] = x
                other = plsc.load_gather(
                    scr, [jnp.bitwise_xor(lane, cstep)])
                x = op(x, other)
            return x

        if True:
            b = wid % B
            pltpu.sync_copy(dnn_hbm.at[pl.ds(b * NC, NC)], dnn_v)
            pltpu.sync_copy(dmpf_hbm.at[pl.ds(b * NC, NC)], dmpf_v)
            pltpu.sync_copy(ps_hbm.at[pl.ds(b * (H * W), H * W)], ps_v)

            def smax(v, acc):
                return jnp.maximum(acc, ps_v[pl.ds(v * _L, _L)])
            score_v = bfly(
                lax.fori_loop(0, (H * W) // _L, smax,
                              jnp.full((_L,), -jnp.inf, jnp.float32)),
                f1_v, jnp.maximum)

            dsup = jnp.zeros((_L,), jnp.float32)
            for k in range(KNN):
                def mstep(v, carry):
                    m, pi, vcur = carry
                    for u in range(4):
                        x = dnn_v[pl.ds((v * 4 + u) * _L, _L)]
                        cmp = x < m
                        m = jnp.where(cmp, x, m)
                        pi = jnp.where(cmp, vcur + u, pi)
                    return (m, pi, vcur + 4)
                m, pi, _ = lax.fori_loop(
                    0, NC // (4 * _L), mstep,
                    (jnp.full((_L,), jnp.inf, jnp.float32),
                     jnp.zeros((_L,), jnp.int32),
                     jnp.zeros((_L,), jnp.int32)))
                pay = pi * _L + lane
                for cstep in (1, 2, 4, 8):
                    f1_v[...] = m
                    i1_v[...] = pay
                    om = plsc.load_gather(
                        f1_v, [jnp.bitwise_xor(lane, cstep)])
                    op = plsc.load_gather(
                        i1_v, [jnp.bitwise_xor(lane, cstep)])
                    take = (om < m) | ((om == m) & (op < pay))
                    m = jnp.where(take, om, m)
                    pay = jnp.where(take, op, pay)
                dval = plsc.load_gather(dmpf_v, [pay])
                dsup = jnp.where(lane == k, dval, dsup)
                plsc.store_scatter(dnn_v, [pay],
                                   jnp.full((_L,), jnp.inf, jnp.float32),
                                   mask=lane == 0)

            valid = lane < KNN
            mx = bfly(jnp.where(valid, dsup, -jnp.inf), f1_v, jnp.maximum)
            e = jnp.where(valid, jnp.exp(dsup - mx), 0.0)
            tot = bfly(e, f1_v, lambda a, bb: a + bb)
            out_v[...] = (1.0 - e / tot) * score_v
            pltpu.sync_copy(out_v, out_hbm.at[pl.ds(b * _L, _L)])

    return tail(dnn_flat, dmpf_flat, ps_flat)


def _amap_body(ps_ref, a_ref, o_ref):
    a = a_ref[...]
    p = ps_ref[0]
    t = _dot(a, p, (((1,), (0,)), ((), ())))
    o_ref[0] = _dot(t, a, (((1,), (1,)), ((), ())))


def _amap(ps_img, a_mat):
    return pl.pallas_call(
        _amap_body,
        grid=(B,),
        in_specs=[
            pl.BlockSpec((1, H, W), lambda b: (b, 0, 0)),
            pl.BlockSpec((OUT, H), lambda b: (0, 0)),
        ],
        out_specs=pl.BlockSpec((1, OUT, OUT), lambda b: (b, 0, 0)),
        out_shape=jax.ShapeDtypeStruct((B, OUT, OUT), jnp.float32),
    )(ps_img, a_mat)


def kernel(feat_layer2, feat_layer3, embedding_coreset):
    f2t = jnp.transpose(feat_layer2, (0, 2, 3, 1))
    f3t = jnp.transpose(feat_layer3, (0, 2, 3, 1))
    p2, p3 = _pool(f2t, f3t)
    up3 = jnp.broadcast_to(
        p3[:, :, None, :, None, :],
        (B, H // 2, 2, W // 2, 2, C3)).reshape(B, H, W, C3)
    emb = jnp.concatenate(
        [p2.reshape(NQ, C2), up3.reshape(NQ, C3)], axis=1)
    scores = _knn(emb, embedding_coreset)
    ps = scores.reshape(B, H * W)
    dnn, dmp = _score(ps, emb, embedding_coreset)
    a16 = _sc_tail(dnn.reshape(-1), dmp.reshape(-1), ps.reshape(-1))
    a_score = a16.reshape(B, _L)[:, 0]
    amap = _amap(ps.reshape(B, H, W), jnp.asarray(_A_MAP))
    return amap.reshape(B, 1, OUT, OUT), a_score

# --- scband reference (transcript-rebuilt; emitter-appended) ---
"""Pipeline reference for scband-patchcore-model-7129645711947 (READ-ONLY COPY).

The authoritative reference and input builder live on the scoring server;
editing this copy changes nothing except your own understanding.
"""

import jax, jax.numpy as jnp
import numpy as np

SIGMA = 4.0

def avg_pool3(x):
    s = jax.lax.reduce_window(x, 0.0, jax.lax.add, (1, 1, 3, 3), (1, 1, 1, 1), [(0, 0), (0, 0), (1, 1), (1, 1)])
    return s / 9.0

def cdist(a, b):
    a2 = jnp.sum(a * a, axis=-1)[..., :, None]
    b2 = jnp.sum(b * b, axis=-1)[..., None, :]
    ab = jnp.einsum('...id,...jd->...ij', a, b)
    return jnp.sqrt(jnp.clip(a2 + b2 - 2.0 * ab, 1e-12, None))

def gaussian_blur(x):
    ks = 2 * int(4.0 * SIGMA + 0.5) + 1
    r = ks // 2
    t = jnp.arange(ks, dtype=jnp.float32) - r
    g = jnp.exp(-0.5 * (t / SIGMA) ** 2)
    g = g / jnp.sum(g)
    dn = ('NCHW', 'OIHW', 'NCHW')
    x = jax.lax.conv_general_dilated(x, g.reshape(1, 1, ks, 1), (1, 1), [(r, r), (0, 0)], dimension_numbers=dn)
    x = jax.lax.conv_general_dilated(x, g.reshape(1, 1, 1, ks), (1, 1), [(0, 0), (r, r)], dimension_numbers=dn)
    return x

def setup_inputs(seed: int = 0):
    key = jax.random.key(seed)
    k1, k2, k3 = jax.random.split(key, 3)
    feat_layer2 = jax.random.normal(k1, (8, 128, 28, 28), dtype=jnp.float32)
    feat_layer3 = jax.random.normal(k2, (8, 256, 14, 14), dtype=jnp.float32)
    embedding_coreset = jax.random.normal(k3, (16384, 384), dtype=jnp.float32)
    return {"feat_layer2": feat_layer2, "feat_layer3": feat_layer3, "embedding_coreset": embedding_coreset}

def reference(feat_layer2, feat_layer3, embedding_coreset):
    # feature pooler (AvgPool2d(3,1,1), count_include_pad=True)
    f2 = avg_pool3(feat_layer2)
    f3 = avg_pool3(feat_layer3)
    # generate_embedding: nearest-upsample layer3 to layer2 spatial size, concat on channels
    f3 = jnp.repeat(jnp.repeat(f3, 2, axis=2), 2, axis=3)
    emb = jnp.concatenate([f2, f3], axis=1)
    b, c, h, w = emb.shape
    # reshape_embedding: [B, C, H, W] -> [B*H*W, C]
    embedding = jnp.transpose(emb, (0, 2, 3, 1)).reshape(-1, c)
    # nearest_neighbors (n_neighbors=1): brute-force euclidean
    dists = cdist(embedding, embedding_coreset)
    patch_scores = jnp.min(dists, axis=1).reshape(b, -1)
    locations = jnp.argmin(dists, axis=1).reshape(b, -1)
    # compute_anomaly_score (num_neighbors=9)
    bidx = jnp.arange(b)
    max_patches = jnp.argmax(patch_scores, axis=1)
    mpf = embedding.reshape(b, -1, c)[bidx, max_patches]
    score = patch_scores[bidx, max_patches]
    nn_index = locations[bidx, max_patches]
    nn_sample = embedding_coreset[nn_index, :]
    _, support_samples = jax.lax.top_k(-cdist(nn_sample, embedding_coreset), 9)
    d_sup = cdist(mpf[:, None, :], embedding_coreset[support_samples])
    weights = (1.0 - jax.nn.softmax(d_sup[:, 0, :], axis=1))[..., 0]
    anomaly_score = weights * score
    # anomaly map: bilinear upsample to input size + gaussian blur (sigma=4)
    ps = patch_scores.reshape(b, 1, h, w)
    amap = jax.image.resize(ps, (b, 1, 224, 224), method='bilinear')
    anomaly_map = gaussian_blur(amap)
    return (anomaly_map, anomaly_score)

if __name__ == "__main__":
    import jax
    _d = setup_inputs()
    print(jax.jit(kernel)(*tuple(_d.values())))

</pallas_src>

<mosaic_0001>
#map = affine_map<(d0, d1) -> (0)>
module attributes {stable_mosaic.version = 14 : i64} {
  func.func @tail(%arg0: i32, %arg1: i32, %arg2: memref<131072xf32, #tpu.memory_space<hbm>>, %arg3: memref<131072xf32, #tpu.memory_space<hbm>>, %arg4: memref<6272xf32, #tpu.memory_space<hbm>>, %arg5: memref<128xf32, #tpu.memory_space<hbm>>, %arg6: memref<16384xf32, #tpu.memory_space<vmem>>, %arg7: memref<16384xf32, #tpu.memory_space<vmem>>, %arg8: memref<784xf32, #tpu.memory_space<vmem>>, %arg9: memref<16xf32, #tpu.memory_space<vmem>>, %arg10: memref<16xf32, #tpu.memory_space<vmem>>, %arg11: memref<16xi32, #tpu.memory_space<vmem>>) attributes {dimension_semantics = [#tpu.dimension_semantics<core_parallel>, #tpu.dimension_semantics<subcore_parallel>], iteration_bounds = array<i64: 2, 16>, scalar_prefetch = 0 : i64, scratch_operands = 6 : i64, tpu.core_type = #tpu.core_type<sc_vector_subcore>, window_params = [{transform_indices = #map}, {transform_indices = #map}, {transform_indices = #map}, {transform_indices = #map}]} {
    %mul3A = arith.constant 2 : i32
    %mul3A_0 = arith.muli %arg1, %mul3A : i32
    %add3A = arith.addi %mul3A_0, %arg0 : i32
    %iota3A = tpu.iota {dimensions = array<i32: 0>} : vector<16xi32>
    %jit3A = arith.constant 8 : i32
    %eq3A = arith.constant 0 : i32
    %eq3A_1 = arith.cmpi eq, %jit3A, %eq3A : i32
    %jit3A_2 = arith.constant 1 : i32
    %select_n3A = arith.select %eq3A_1, %jit3A_2, %jit3A : i32
    %rem3A = arith.remsi %add3A, %select_n3A : i32
    %ne3A = arith.constant 0 : i32
    %ne3A_3 = arith.cmpi ne, %rem3A, %ne3A : i32
    %lt3A = arith.constant 0 : i32
    %lt3A_4 = arith.cmpi slt, %rem3A, %lt3A : i32
    %lt3A_5 = arith.constant 0 : i32
    %lt3A_6 = arith.cmpi slt, %select_n3A, %lt3A_5 : i32
    %ne3A_7 = arith.xori %lt3A_4, %lt3A_6 : i1
    %and3A = arith.andi %ne3A_7, %ne3A_3 : i1
    %add3A_8 = arith.addi %rem3A, %select_n3A : i32
    %select_n3A_9 = arith.select %and3A, %add3A_8, %rem3A : i32
    %mul3A_10 = arith.constant 16384 : i32
    %mul3A_11 = arith.muli %select_n3A_9, %mul3A_10 : i32
    "tpu.region"() ({
      %run_scoped3A = tpu.sem_alloc : memref<!tpu.dma_semaphore, #tpu.memory_space<semaphore_mem>>
      %dma_start3A = tpu.memref_slice %arg2[%mul3A_11] : memref<131072xf32, #tpu.memory_space<hbm>> -> memref<16384xf32, #tpu.memory_space<hbm>>
      %dma_start3A_1038 = tpu.memref_slice %arg2[%mul3A_11] : memref<131072xf32, #tpu.memory_space<hbm>> -> memref<16384xf32, #tpu.memory_space<hbm>>
      tpu.enqueue_dma source(%dma_start3A_1038 : memref<16384xf32, #tpu.memory_space<hbm>>) target(%arg6 : memref<16384xf32, #tpu.memory_space<vmem>>) target_semaphore(%run_scoped3A : memref<!tpu.dma_semaphore, #tpu.memory_space<semaphore_mem>>)
      %dma_wait3A = tpu.memref_slice %arg2[%mul3A_11] : memref<131072xf32, #tpu.memory_space<hbm>> -> memref<16384xf32, #tpu.memory_space<hbm>>
      %dma_wait3A_1039 = tpu.memref_slice %arg2[%mul3A_11] : memref<131072xf32, #tpu.memory_space<hbm>> -> memref<16384xf32, #tpu.memory_space<hbm>>
      tpu.wait_dma2 semaphore(%run_scoped3A : memref<!tpu.dma_semaphore, #tpu.memory_space<semaphore_mem>>) src(%dma_wait3A_1039 : memref<16384xf32, #tpu.memory_space<hbm>>) dst(%arg6 : memref<16384xf32, #tpu.memory_space<vmem>>)
      tpu.yield
    }) : () -> ()
    %mul3A_12 = arith.constant 16384 : i32
    %mul3A_13 = arith.muli %select_n3A_9, %mul3A_12 : i32
    "tpu.region"() ({
      %run_scoped3A = tpu.sem_alloc : memref<!tpu.dma_semaphore, #tpu.memory_space<semaphore_mem>>
      %dma_start3A = tpu.memref_slice %arg3[%mul3A_13] : memref<131072xf32, #tpu.memory_space<hbm>> -> memref<16384xf32, #tpu.memory_space<hbm>>
      %dma_start3A_1038 = tpu.memref_slice %arg3[%mul3A_13] : memref<131072xf32, #tpu.memory_space<hbm>> -> memref<16384xf32, #tpu.memory_space<hbm>>
      tpu.enqueue_dma source(%dma_start3A_1038 : memref<16384xf32, #tpu.memory_space<hbm>>) target(%arg7 : memref<16384xf32, #tpu.memory_space<vmem>>) target_semaphore(%run_scoped3A : memref<!tpu.dma_semaphore, #tpu.memory_space<semaphore_mem>>)
      %dma_wait3A = tpu.memref_slice %arg3[%mul3A_13] : memref<131072xf32, #tpu.memory_space<hbm>> -> memref<16384xf32, #tpu.memory_space<hbm>>
      %dma_wait3A_1039 = tpu.memref_slice %arg3[%mul3A_13] : memref<131072xf32, #tpu.memory_space<hbm>> -> memref<16384xf32, #tpu.memory_space<hbm>>
      tpu.wait_dma2 semaphore(%run_scoped3A : memref<!tpu.dma_semaphore, #tpu.memory_space<semaphore_mem>>) src(%dma_wait3A_1039 : memref<16384xf32, #tpu.memory_space<hbm>>) dst(%arg7 : memref<16384xf32, #tpu.memory_space<vmem>>)
      tpu.yield
    }) : () -> ()
    %mul3A_14 = arith.constant 784 : i32
    %mul3A_15 = arith.muli %select_n3A_9, %mul3A_14 : i32
    "tpu.region"() ({
      %run_scoped3A = tpu.sem_alloc : memref<!tpu.dma_semaphore, #tpu.memory_space<semaphore_mem>>
      %dma_start3A = tpu.memref_slice %arg4[%mul3A_15] : memref<6272xf32, #tpu.memory_space<hbm>> -> memref<784xf32, #tpu.memory_space<hbm>>
      %dma_start3A_1038 = tpu.memref_slice %arg4[%mul3A_15] : memref<6272xf32, #tpu.memory_space<hbm>> -> memref<784xf32, #tpu.memory_space<hbm>>
      tpu.enqueue_dma source(%dma_start3A_1038 : memref<784xf32, #tpu.memory_space<hbm>>) target(%arg8 : memref<784xf32, #tpu.memory_space<vmem>>) target_semaphore(%run_scoped3A : memref<!tpu.dma_semaphore, #tpu.memory_space<semaphore_mem>>)
      %dma_wait3A = tpu.memref_slice %arg4[%mul3A_15] : memref<6272xf32, #tpu.memory_space<hbm>> -> memref<784xf32, #tpu.memory_space<hbm>>
      %dma_wait3A_1039 = tpu.memref_slice %arg4[%mul3A_15] : memref<6272xf32, #tpu.memory_space<hbm>> -> memref<784xf32, #tpu.memory_space<hbm>>
      tpu.wait_dma2 semaphore(%run_scoped3A : memref<!tpu.dma_semaphore, #tpu.memory_space<semaphore_mem>>) src(%dma_wait3A_1039 : memref<784xf32, #tpu.memory_space<hbm>>) dst(%arg8 : memref<784xf32, #tpu.memory_space<vmem>>)
      tpu.yield
    }) : () -> ()
    %broadcast_in_dim3A = arith.constant 0xFF800000 : f32
    %broadcast_in_dim3A_16 = vector.broadcast %broadcast_in_dim3A : f32 to vector<16xf32>
    %scan3A = arith.constant 0 : i32
    %scan3A_17 = arith.constant 49 : i32
    %scan3A_18 = arith.addi %scan3A, %scan3A_17 : i32
    %scan3A_19 = arith.constant 1 : i32
    %scan3A_20 = scf.for %scan3A_1038 = %scan3A to %scan3A_18 step %scan3A_19 iter_args(%scan3A_1039 = %broadcast_in_dim3A_16) -> (vector<16xf32>)  : i32 {
      %mul3A_1040 = arith.constant 16 : i32
      %mul3A_1041 = arith.muli %scan3A_1038, %mul3A_1040 : i32
      %get3A = arith.index_cast %mul3A_1041 : i32 to index
      %get3A_1042 = tpu.vector_load %arg8[%get3A] {strides = array<i32>} : memref<784xf32, #tpu.memory_space<vmem>>, vector<16xf32>,
      %max3A_1043 = arith.maximumf %scan3A_1039, %get3A_1042 : vector<16xf32>
      scf.yield %max3A_1043 : vector<16xf32>
    }
    %scan3A_21 = arith.constant 49 : i32
    %swap3A = arith.constant 0 : index
    %swap3A_22 = tpu.vector_load %arg10[%swap3A] {strides = array<i32>} : memref<16xf32, #tpu.memory_space<vmem>>, vector<16xf32>,
    tpu.vector_store %arg10[%swap3A], %scan3A_20 {strides = array<i32>} : memref<16xf32, #tpu.memory_space<vmem>>, vector<16xf32>,
    %xor3A = arith.constant 1 : i32
    %xor3A_23 = vector.broadcast %xor3A : i32 to vector<16xi32>
    %xor3A_24 = arith.xori %iota3A, %xor3A_23 : vector<16xi32>
    %gather3A = tpu.vector_load_idx %arg10[%xor3A_24] : memref<16xf32, #tpu.memory_space<vmem>>[vector<16xi32>], vector<16xf32>,
    %max3A = arith.maximumf %scan3A_20, %gather3A : vector<16xf32>
    %swap3A_25 = arith.constant 0 : index
    %swap3A_26 = tpu.vector_load %arg10[%swap3A_25] {strides = array<i32>} : memref<16xf32, #tpu.memory_space<vmem>>, vector<16xf32>,
    tpu.vector_store %arg10[%swap3A_25], %max3A {strides = array<i32>} : memref<16xf32, #tpu.memory_space<vmem>>, vector<16xf32>,
    %xor3A_27 = arith.constant 2 : i32
    %xor3A_28 = vector.broadcast %xor3A_27 : i32 to vector<16xi32>
    %xor3A_29 = arith.xori %iota3A, %xor3A_28 : vector<16xi32>
    %gather3A_30 = tpu.vector_load_idx %arg10[%xor3A_29] : memref<16xf32, #tpu.memory_space<vmem>>[vector<16xi32>], vector<16xf32>,
    %max3A_31 = arith.maximumf %max3A, %gather3A_30 : vector<16xf32>
    %swap3A_32 = arith.constant 0 : index
    %swap3A_33 = tpu.vector_load %arg10[%swap3A_32] {strides = array<i32>} : memref<16xf32, #tpu.memory_space<vmem>>, vector<16xf32>,
    tpu.vector_store %arg10[%swap3A_32], %max3A_31 {strides = array<i32>} : memref<16xf32, #tpu.memory_space<vmem>>, vector<16xf32>,
    %xor3A_34 = arith.constant 4 : i32
    %xor3A_35 = vector.broadcast %xor3A_34 : i32 to vector<16xi32>
    %xor3A_36 = arith.xori %iota3A, %xor3A_35 : vector<16xi32>
    %gather3A_37 = tpu.vector_load_idx %arg10[%xor3A_36] : memref<16xf32, #tpu.memory_space<vmem>>[vector<16xi32>], vector<16xf32>,
    %max3A_38 = arith.maximumf %max3A_31, %gather3A_37 : vector<16xf32>
    %swap3A_39 = arith.constant 0 : index
    %swap3A_40 = tpu.vector_load %arg10[%swap3A_39] {strides = array<i32>} : memref<16xf32, #tpu.memory_space<vmem>>, vector<16xf32>,
    tpu.vector_store %arg10[%swap3A_39], %max3A_38 {strides = array<i32>} : memref<16xf32, #tpu.memory_space<vmem>>, vector<16xf32>,
    %xor3A_41 = arith.constant 8 : i32
    %xor3A_42 = vector.broadcast %xor3A_41 : i32 to vector<16xi32>
    %xor3A_43 = arith.xori %iota3A, %xor3A_42 : vector<16xi32>
    %gather3A_44 = tpu.vector_load_idx %arg10[%xor3A_43] : memref<16xf32, #tpu.memory_space<vmem>>[vector<16xi32>], vector<16xf32>,
    %max3A_45 = arith.maximumf %max3A_38, %gather3A_44 : vector<16xf32>
    %broadcast_in_dim3A_46 = arith.constant 0.000000e+00 : f32
    %broadcast_in_dim3A_47 = vector.broadcast %broadcast_in_dim3A_46 : f32 to vector<16xf32>
    %broadcast_in_dim3A_48 = arith.constant 0x7F800000 : f32
    %broadcast_in_dim3A_49 = vector.broadcast %broadcast_in_dim3A_48 : f32 to vector<16xf32>
    %broadcast_in_dim3A_50 = arith.constant 0 : i32
    %broadcast_in_dim3A_51 = vector.broadcast %broadcast_in_dim3A_50 : i32 to vector<16xi32>
    %broadcast_in_dim3A_52 = arith.constant 0 : i32
    %broadcast_in_dim3A_53 = vector.broadcast %broadcast_in_dim3A_52 : i32 to vector<16xi32>
    %scan3A_54 = arith.constant 0 : i32
    %scan3A_55 = arith.constant 256 : i32
    %scan3A_56 = arith.addi %scan3A_54, %scan3A_55 : i32
    %scan3A_57 = arith.constant 1 : i32
    %scan3A_58:3 = scf.for %scan3A_1038 = %scan3A_54 to %scan3A_56 step %scan3A_57 iter_args(%scan3A_1039 = %broadcast_in_dim3A_49, %scan3A_1040 = %broadcast_in_dim3A_51, %scan3A_1041 = %broadcast_in_dim3A_53) -> (vector<16xf32>, vector<16xi32>, vector<16xi32>)  : i32 {
      %mul3A_1042 = arith.constant 4 : i32
      %mul3A_1043 = arith.muli %scan3A_1038, %mul3A_1042 : i32
      %add3A_1044 = arith.constant 0 : i32
      %add3A_1045 = arith.addi %mul3A_1043, %add3A_1044 : i32
      %mul3A_1046 = arith.constant 16 : i32
      %mul3A_1047 = arith.muli %add3A_1045, %mul3A_1046 : i32
      %get3A = arith.index_cast %mul3A_1047 : i32 to index
      %get3A_1048 = tpu.vector_load %arg6[%get3A] {strides = array<i32>} : memref<16384xf32, #tpu.memory_space<vmem>>, vector<16xf32>,
      %lt3A_1049 = arith.cmpf olt, %get3A_1048, %scan3A_1039 : vector<16xf32>
      %select_n3A_1050 = arith.select %lt3A_1049, %get3A_1048, %scan3A_1039 : vector<16xi1>, vector<16xf32>
      %add3A_1051 = arith.constant 0 : i32
      %add3A_1052 = vector.broadcast %add3A_1051 : i32 to vector<16xi32>
      %add3A_1053 = arith.addi %scan3A_1041, %add3A_1052 : vector<16xi32>
      %select_n3A_1054 = arith.select %lt3A_1049, %add3A_1053, %scan3A_1040 : vector<16xi1>, vector<16xi32>
      %mul3A_1055 = arith.constant 4 : i32
      %mul3A_1056 = arith.muli %scan3A_1038, %mul3A_1055 : i32
      %add3A_1057 = arith.constant 1 : i32
      %add3A_1058 = arith.addi %mul3A_1056, %add3A_1057 : i32
      %mul3A_1059 = arith.constant 16 : i32
      %mul3A_1060 = arith.muli %add3A_1058, %mul3A_1059 : i32
      %get3A_1061 = arith.index_cast %mul3A_1060 : i32 to index
      %get3A_1062 = tpu.vector_load %arg6[%get3A_1061] {strides = array<i32>} : memref<16384xf32, #tpu.memory_space<vmem>>, vector<16xf32>,
      %lt3A_1063 = arith.cmpf olt, %get3A_1062, %select_n3A_1050 : vector<16xf32>
      %select_n3A_1064 = arith.select %lt3A_1063, %get3A_1062, %select_n3A_1050 : vector<16xi1>, vector<16xf32>
      %add3A_1065 = arith.constant 1 : i32
      %add3A_1066 = vector.broadcast %add3A_1065 : i32 to vector<16xi32>
      %add3A_1067 = arith.addi %scan3A_1041, %add3A_1066 : vector<16xi32>
      %select_n3A_1068 = arith.select %lt3A_1063, %add3A_1067, %select_n3A_1054 : vector<16xi1>, vector<16xi32>
      %mul3A_1069 = arith.constant 4 : i32
      %mul3A_1070 = arith.muli %scan3A_1038, %mul3A_1069 : i32
      %add3A_1071 = arith.constant 2 : i32
      %add3A_1072 = arith.addi %mul3A_1070, %add3A_1071 : i32
      %mul3A_1073 = arith.constant 16 : i32
      %mul3A_1074 = arith.muli %add3A_1072, %mul3A_1073 : i32
      %get3A_1075 = arith.index_cast %mul3A_1074 : i32 to index
      %get3A_1076 = tpu.vector_load %arg6[%get3A_1075] {strides = array<i32>} : memref<16384xf32, #tpu.memory_space<vmem>>, vector<16xf32>,
      %lt3A_1077 = arith.cmpf olt, %get3A_1076, %select_n3A_1064 : vector<16xf32>
      %select_n3A_1078 = arith.select %lt3A_1077, %get3A_1076, %select_n3A_1064 : vector<16xi1>, vector<16xf32>
      %add3A_1079 = arith.constant 2 : i32
      %add3A_1080 = vector.broadcast %add3A_1079 : i32 to vector<16xi32>
      %add3A_1081 = arith.addi %scan3A_1041, %add3A_1080 : vector<16xi32>
      %select_n3A_1082 = arith.select %lt3A_1077, %add3A_1081, %select_n3A_1068 : vector<16xi1>, vector<16xi32>
      %mul3A_1083 = arith.constant 4 : i32
      %mul3A_1084 = arith.muli %scan3A_1038, %mul3A_1083 : i32
      %add3A_1085 = arith.constant 3 : i32
      %add3A_1086 = arith.addi %mul3A_1084, %add3A_1085 : i32
      %mul3A_1087 = arith.constant 16 : i32
      %mul3A_1088 = arith.muli %add3A_1086, %mul3A_1087 : i32
      %get3A_1089 = arith.index_cast %mul3A_1088 : i32 to index
      %get3A_1090 = tpu.vector_load %arg6[%get3A_1089] {strides = array<i32>} : memref<16384xf32, #tpu.memory_space<vmem>>, vector<16xf32>,
      %lt3A_1091 = arith.cmpf olt, %get3A_1090, %select_n3A_1078 : vector<16xf32>
      %select_n3A_1092 = arith.select %lt3A_1091, %get3A_1090, %select_n3A_1078 : vector<16xi1>, vector<16xf32>
      %add3A_1093 = arith.constant 3 : i32
      %add3A_1094 = vector.broadcast %add3A_1093 : i32 to vector<16xi32>
      %add3A_1095 = arith.addi %scan3A_1041, %add3A_1094 : vector<16xi32>
      %select_n3A_1096 = arith.select %lt3A_1091, %add3A_1095, %select_n3A_1082 : vector<16xi1>, vector<16xi32>
      %add3A_1097 = arith.constant 4 : i32
      %add3A_1098 = vector.broadcast %add3A_1097 : i32 to vector<16xi32>
      %add3A_1099 = arith.addi %scan3A_1041, %add3A_1098 : vector<16xi32>
      scf.yield %select_n3A_1092, %select_n3A_1096, %add3A_1099 : vector<16xf32>, vector<16xi32>, vector<16xi32>
    }
    %scan3A_59 = arith.constant 256 : i32
    %mul3A_60 = arith.constant 16 : i32
    %mul3A_61 = vector.broadcast %mul3A_60 : i32 to vector<16xi32>
    %mul3A_62 = arith.muli %scan3A_58#1, %mul3A_61 : vector<16xi32>
    %add3A_63 = arith.addi %mul3A_62, %iota3A : vector<16xi32>
    %swap3A_64 = arith.constant 0 : index
    %swap3A_65 = tpu.vector_load %arg10[%swap3A_64] {strides = array<i32>} : memref<16xf32, #tpu.memory_space<vmem>>, vector<16xf32>,
    tpu.vector_store %arg10[%swap3A_64], %scan3A_58#0 {strides = array<i32>} : memref<16xf32, #tpu.memory_space<vmem>>, vector<16xf32>,
    %swap3A_66 = arith.constant 0 : index
    %swap3A_67 = tpu.vector_load %arg11[%swap3A_66] {strides = array<i32>} : memref<16xi32, #tpu.memory_space<vmem>>, vector<16xi32>,
    tpu.vector_store %arg11[%swap3A_66], %add3A_63 {strides = array<i32>} : memref<16xi32, #tpu.memory_space<vmem>>, vector<16xi32>,
    %xor3A_68 = arith.constant 1 : i32
    %xor3A_69 = vector.broadcast %xor3A_68 : i32 to vector<16xi32>
    %xor3A_70 = arith.xori %iota3A, %xor3A_69 : vector<16xi32>
    %gather3A_71 = tpu.vector_load_idx %arg10[%xor3A_70] : memref<16xf32, #tpu.memory_space<vmem>>[vector<16xi32>], vector<16xf32>,
    %xor3A_72 = arith.constant 1 : i32
    %xor3A_73 = vector.broadcast %xor3A_72 : i32 to vector<16xi32>
    %xor3A_74 = arith.xori %iota3A, %xor3A_73 : vector<16xi32>
    %gather3A_75 = tpu.vector_load_idx %arg11[%xor3A_74] : memref<16xi32, #tpu.memory_space<vmem>>[vector<16xi32>], vector<16xi32>,
    %lt3A_76 = arith.cmpf olt, %gather3A_71, %scan3A_58#0 : vector<16xf32>
    %eq3A_77 = arith.cmpf oeq, %gather3A_71, %scan3A_58#0 : vector<16xf32>
    %lt3A_78 = arith.cmpi slt, %gather3A_75, %add3A_63 : vector<16xi32>
    %and3A_79 = arith.andi %eq3A_77, %lt3A_78 : vector<16xi1>
    %or3A = arith.ori %lt3A_76, %and3A_79 : vector<16xi1>
    %select_n3A_80 = arith.select %or3A, %gather3A_71, %scan3A_58#0 : vector<16xi1>, vector<16xf32>
    %select_n3A_81 = arith.select %or3A, %gather3A_75, %add3A_63 : vector<16xi1>, vector<16xi32>
    %swap3A_82 = arith.constant 0 : index
    %swap3A_83 = tpu.vector_load %arg10[%swap3A_82] {strides = array<i32>} : memref<16xf32, #tpu.memory_space<vmem>>, vector<16xf32>,
    tpu.vector_store %arg10[%swap3A_82], %select_n3A_80 {strides = array<i32>} : memref<16xf32, #tpu.memory_space<vmem>>, vector<16xf32>,
    %swap3A_84 = arith.constant 0 : index
    %swap3A_85 = tpu.vector_load %arg11[%swap3A_84] {strides = array<i32>} : memref<16xi32, #tpu.memory_space<vmem>>, vector<16xi32>,
    tpu.vector_store %arg11[%swap3A_84], %select_n3A_81 {strides = array<i32>} : memref<16xi32, #tpu.memory_space<vmem>>, vector<16xi32>,
    %xor3A_86 = arith.constant 2 : i32
    %xor3A_87 = vector.broadcast %xor3A_86 : i32 to vector<16xi32>
    %xor3A_88 = arith.xori %iota3A, %xor3A_87 : vector<16xi32>
    %gather3A_89 = tpu.vector_load_idx %arg10[%xor3A_88] : memref<16xf32, #tpu.memory_space<vmem>>[vector<16xi32>], vector<16xf32>,
    %xor3A_90 = arith.constant 2 : i32
    %xor3A_91 = vector.broadcast %xor3A_90 : i32 to vector<16xi32>
    %xor3A_92 = arith.xori %iota3A, %xor3A_91 : vector<16xi32>
    %gather3A_93 = tpu.vector_load_idx %arg11[%xor3A_92] : memref<16xi32, #tpu.memory_space<vmem>>[vector<16xi32>], vector<16xi32>,
    %lt3A_94 = arith.cmpf olt, %gather3A_89, %select_n3A_80 : vector<16xf32>
    %eq3A_95 = arith.cmpf oeq, %gather3A_89, %select_n3A_80 : vector<16xf32>
    %lt3A_96 = arith.cmpi slt, %gather3A_93, %select_n3A_81 : vector<16xi32>
    %and3A_97 = arith.andi %eq3A_95, %lt3A_96 : vector<16xi1>
    %or3A_98 = arith.ori %lt3A_94, %and3A_97 : vector<16xi1>
    %select_n3A_99 = arith.select %or3A_98, %gather3A_89, %select_n3A_80 : vector<16xi1>, vector<16xf32>
    %select_n3A_100 = arith.select %or3A_98, %gather3A_93, %select_n3A_81 : vector<16xi1>, vector<16xi32>
    %swap3A_101 = arith.constant 0 : index
    %swap3A_102 = tpu.vector_load %arg10[%swap3A_101] {strides = array<i32>} : memref<16xf32, #tpu.memory_space<vmem>>, vector<16xf32>,
    tpu.vector_store %arg10[%swap3A_101], %select_n3A_99 {strides = array<i32>} : memref<16xf32, #tpu.memory_space<vmem>>, vector<16xf32>,
    %swap3A_103 = arith.constant 0 : index
    %swap3A_104 = tpu.vector_load %arg11[%swap3A_103] {strides = array<i32>} : memref<16xi32, #tpu.memory_space<vmem>>, vector<16xi32>,
    tpu.vector_store %arg11[%swap3A_103], %select_n3A_100 {strides = array<i32>} : memref<16xi32, #tpu.memory_space<vmem>>, vector<16xi32>,
    %xor3A_105 = arith.constant 4 : i32
    %xor3A_106 = vector.broadcast %xor3A_105 : i32 to vector<16xi32>
    %xor3A_107 = arith.xori %iota3A, %xor3A_106 : vector<16xi32>
    %gather3A_108 = tpu.vector_load_idx %arg10[%xor3A_107] : memref<16xf32, #tpu.memory_space<vmem>>[vector<16xi32>], vector<16xf32>,
    %xor3A_109 = arith.constant 4 : i32
    %xor3A_110 = vector.broadcast %xor3A_109 : i32 to vector<16xi32>
    %xor3A_111 = arith.xori %iota3A, %xor3A_110 : vector<16xi32>
    %gather3A_112 = tpu.vector_load_idx %arg11[%xor3A_111] : memref<16xi32, #tpu.memory_space<vmem>>[vector<16xi32>], vector<16xi32>,
    %lt3A_113 = arith.cmpf olt, %gather3A_108, %select_n3A_99 : vector<16xf32>
    %eq3A_114 = arith.cmpf oeq, %gather3A_108, %select_n3A_99 : vector<16xf32>
    %lt3A_115 = arith.cmpi slt, %gather3A_112, %select_n3A_100 : vector<16xi32>
    %and3A_116 = arith.andi %eq3A_114, %lt3A_115 : vector<16xi1>
    %or3A_117 = arith.ori %lt3A_113, %and3A_116 : vector<16xi1>
    %select_n3A_118 = arith.select %or3A_117, %gather3A_108, %select_n3A_99 : vector<16xi1>, vector<16xf32>
    %select_n3A_119 = arith.select %or3A_117, %gather3A_112, %select_n3A_100 : vector<16xi1>, vector<16xi32>
    %swap3A_120 = arith.constant 0 : index
    %swap3A_121 = tpu.vector_load %arg10[%swap3A_120] {strides = array<i32>} : memref<16xf32, #tpu.memory_space<vmem>>, vector<16xf32>,
    tpu.vector_store %arg10[%swap3A_120], %select_n3A_118 {strides = array<i32>} : memref<16xf32, #tpu.memory_space<vmem>>, vector<16xf32>,
    %swap3A_122 = arith.constant 0 : index
    %swap3A_123 = tpu.vector_load %arg11[%swap3A_122] {strides = array<i32>} : memref<16xi32, #tpu.memory_space<vmem>>, vector<16xi32>,
    tpu.vector_store %arg11[%swap3A_122], %select_n3A_119 {strides = array<i32>} : memref<16xi32, #tpu.memory_space<vmem>>, vector<16xi32>,
    %xor3A_124 = arith.constant 8 : i32
    %xor3A_125 = vector.broadcast %xor3A_124 : i32 to vector<16xi32>
    %xor3A_126 = arith.xori %iota3A, %xor3A_125 : vector<16xi32>
    %gather3A_127 = tpu.vector_load_idx %arg10[%xor3A_126] : memref<16xf32, #tpu.memory_space<vmem>>[vector<16xi32>], vector<16xf32>,
    %xor3A_128 = arith.constant 8 : i32
    %xor3A_129 = vector.broadcast %xor3A_128 : i32 to vector<16xi32>
    %xor3A_130 = arith.xori %iota3A, %xor3A_129 : vector<16xi32>
    %gather3A_131 = tpu.vector_load_idx %arg11[%xor3A_130] : memref<16xi32, #tpu.memory_space<vmem>>[vector<16xi32>], vector<16xi32>,
    %lt3A_132 = arith.cmpf olt, %gather3A_127, %select_n3A_118 : vector<16xf32>
    %eq3A_133 = arith.cmpf oeq, %gather3A_127, %select_n3A_118 : vector<16xf32>
    %lt3A_134 = arith.cmpi slt, %gather3A_131, %select_n3A_119 : vector<16xi32>
    %and3A_135 = arith.andi %eq3A_133, %lt3A_134 : vector<16xi1>
    %or3A_136 = arith.ori %lt3A_132, %and3A_135 : vector<16xi1>
    %select_n3A_137 = arith.select %or3A_136, %gather3A_127, %select_n3A_118 : vector<16xi1>, vector<16xf32>
    %select_n3A_138 = arith.select %or3A_136, %gather3A_131, %select_n3A_119 : vector<16xi1>, vector<16xi32>
    %gather3A_139 = tpu.vector_load_idx %arg7[%select_n3A_138] : memref<16384xf32, #tpu.memory_space<vmem>>[vector<16xi32>], vector<16xf32>,
    %eq3A_140 = arith.constant 0 : i32
    %eq3A_141 = vector.broadcast %eq3A_140 : i32 to vector<16xi32>
    %eq3A_142 = arith.cmpi eq, %iota3A, %eq3A_141 : vector<16xi32>
    %select_n3A_143 = arith.select %eq3A_142, %gather3A_139, %broadcast_in_dim3A_47 : vector<16xi1>, vector<16xf32>
    %broadcast_in_dim3A_144 = arith.constant 0x7F800000 : f32
    %broadcast_in_dim3A_145 = vector.broadcast %broadcast_in_dim3A_144 : f32 to vector<16xf32>
    %eq3A_146 = arith.constant 0 : i32
    %eq3A_147 = vector.broadcast %eq3A_146 : i32 to vector<16xi32>
    %eq3A_148 = arith.cmpi eq, %iota3A, %eq3A_147 : vector<16xi32>
    tpu.vector_store_idx %arg6[%select_n3A_138], %broadcast_in_dim3A_145 masked %eq3A_148 : memref<16384xf32, #tpu.memory_space<vmem>>[vector<16xi32>], vector<16xf32>, vector<16xi1>
    %broadcast_in_dim3A_149 = arith.constant 0x7F800000 : f32
    %broadcast_in_dim3A_150 = vector.broadcast %broadcast_in_dim3A_149 : f32 to vector<16xf32>
    %broadcast_in_dim3A_151 = arith.constant 0 : i32
    %broadcast_in_dim3A_152 = vector.broadcast %broadcast_in_dim3A_151 : i32 to vector<16xi32>
    %broadcast_in_dim3A_153 = arith.constant 0 : i32
    %broadcast_in_dim3A_154 = vector.broadcast %broadcast_in_dim3A_153 : i32 to vector<16xi32>
    %scan3A_155 = arith.constant 0 : i32
    %scan3A_156 = arith.constant 256 : i32
    %scan3A_157 = arith.addi %scan3A_155, %scan3A_156 : i32
    %scan3A_158 = arith.constant 1 : i32
    %scan3A_159:3 = scf.for %scan3A_1038 = %scan3A_155 to %scan3A_157 step %scan3A_158 iter_args(%scan3A_1039 = %broadcast_in_dim3A_150, %scan3A_1040 = %broadcast_in_dim3A_152, %scan3A_1041 = %broadcast_in_dim3A_154) -> (vector<16xf32>, vector<16xi32>, vector<16xi32>)  : i32 {
      %mul3A_1042 = arith.constant 4 : i32
      %mul3A_1043 = arith.muli %scan3A_1038, %mul3A_1042 : i32
      %add3A_1044 = arith.constant 0 : i32
      %add3A_1045 = arith.addi %mul3A_1043, %add3A_1044 : i32
      %mul3A_1046 = arith.constant 16 : i32
      %mul3A_1047 = arith.muli %add3A_1045, %mul3A_1046 : i32
      %get3A = arith.index_cast %mul3A_1047 : i32 to index
      %get3A_1048 = tpu.vector_load %arg6[%get3A] {strides = array<i32>} : memref<16384xf32, #tpu.memory_space<vmem>>, vector<16xf32>,
      %lt3A_1049 = arith.cmpf olt, %get3A_1048, %scan3A_1039 : vector<16xf32>
      %select_n3A_1050 = arith.select %lt3A_1049, %get3A_1048, %scan3A_1039 : vector<16xi1>, vector<16xf32>
      %add3A_1051 = arith.constant 0 : i32
      %add3A_1052 = vector.broadcast %add3A_1051 : i32 to vector<16xi32>
      %add3A_1053 = arith.addi %scan3A_1041, %add3A_1052 : vector<16xi32>
      %select_n3A_1054 = arith.select %lt3A_1049, %add3A_1053, %scan3A_1040 : vector<16xi1>, vector<16xi32>
      %mul3A_1055 = arith.constant 4 : i32
      %mul3A_1056 = arith.muli %scan3A_1038, %mul3A_1055 : i32
      %add3A_1057 = arith.constant 1 : i32
      %add3A_1058 = arith.addi %mul3A_1056, %add3A_1057 : i32
      %mul3A_1059 = arith.constant 16 : i32
      %mul3A_1060 = arith.muli %add3A_1058, %mul3A_1059 : i32
      %get3A_1061 = arith.index_cast %mul3A_1060 : i32 to index
      %get3A_1062 = tpu.vector_load %arg6[%get3A_1061] {strides = array<i32>} : memref<16384xf32, #tpu.memory_space<vmem>>, vector<16xf32>,
      %lt3A_1063 = arith.cmpf olt, %get3A_1062, %select_n3A_1050 : vector<16xf32>
      %select_n3A_1064 = arith.select %lt3A_1063, %get3A_1062, %select_n3A_1050 : vector<16xi1>, vector<16xf32>
      %add3A_1065 = arith.constant 1 : i32
      %add3A_1066 = vector.broadcast %add3A_1065 : i32 to vector<16xi32>
      %add3A_1067 = arith.addi %scan3A_1041, %add3A_1066 : vector<16xi32>
      %select_n3A_1068 = arith.select %lt3A_1063, %add3A_1067, %select_n3A_1054 : vector<16xi1>, vector<16xi32>
      %mul3A_1069 = arith.constant 4 : i32
      %mul3A_1070 = arith.muli %scan3A_1038, %mul3A_1069 : i32
      %add3A_1071 = arith.constant 2 : i32
      %add3A_1072 = arith.addi %mul3A_1070, %add3A_1071 : i32
      %mul3A_1073 = arith.constant 16 : i32
      %mul3A_1074 = arith.muli %add3A_1072, %mul3A_1073 : i32
      %get3A_1075 = arith.index_cast %mul3A_1074 : i32 to index
      %get3A_1076 = tpu.vector_load %arg6[%get3A_1075] {strides = array<i32>} : memref<16384xf32, #tpu.memory_space<vmem>>, vector<16xf32>,
      %lt3A_1077 = arith.cmpf olt, %get3A_1076, %select_n3A_1064 : vector<16xf32>
      %select_n3A_1078 = arith.select %lt3A_1077, %get3A_1076, %select_n3A_1064 : vector<16xi1>, vector<16xf32>
      %add3A_1079 = arith.constant 2 : i32
      %add3A_1080 = vector.broadcast %add3A_1079 : i32 to vector<16xi32>
      %add3A_1081 = arith.addi %scan3A_1041, %add3A_1080 : vector<16xi32>
      %select_n3A_1082 = arith.select %lt3A_1077, %add3A_1081, %select_n3A_1068 : vector<16xi1>, vector<16xi32>
      %mul3A_1083 = arith.constant 4 : i32
      %mul3A_1084 = arith.muli %scan3A_1038, %mul3A_1083 : i32
      %add3A_1085 = arith.constant 3 : i32
      %add3A_1086 = arith.addi %mul3A_1084, %add3A_1085 : i32
      %mul3A_1087 = arith.constant 16 : i32
      %mul3A_1088 = arith.muli %add3A_1086, %mul3A_1087 : i32
      %get3A_1089 = arith.index_cast %mul3A_1088 : i32 to index
      %get3A_1090 = tpu.vector_load %arg6[%get3A_1089] {strides = array<i32>} : memref<16384xf32, #tpu.memory_space<vmem>>, vector<16xf32>,
      %lt3A_1091 = arith.cmpf olt, %get3A_1090, %select_n3A_1078 : vector<16xf32>
      %select_n3A_1092 = arith.select %lt3A_1091, %get3A_1090, %select_n3A_1078 : vector<16xi1>, vector<16xf32>
      %add3A_1093 = arith.constant 3 : i32
      %add3A_1094 = vector.broadcast %add3A_1093 : i32 to vector<16xi32>
      %add3A_1095 = arith.addi %scan3A_1041, %add3A_1094 : vector<16xi32>
      %select_n3A_1096 = arith.select %lt3A_1091, %add3A_1095, %select_n3A_1082 : vector<16xi1>, vector<16xi32>
      %add3A_1097 = arith.constant 4 : i32
      %add3A_1098 = vector.broadcast %add3A_1097 : i32 to vector<16xi32>
      %add3A_1099 = arith.addi %scan3A_1041, %add3A_1098 : vector<16xi32>
      scf.yield %select_n3A_1092, %select_n3A_1096, %add3A_1099 : vector<16xf32>, vector<16xi32>, vector<16xi32>
    }
    %scan3A_160 = arith.constant 256 : i32
    %mul3A_161 = arith.constant 16 : i32
    %mul3A_162 = vector.broadcast %mul3A_161 : i32 to vector<16xi32>
    %mul3A_163 = arith.muli %scan3A_159#1, %mul3A_162 : vector<16xi32>
    %add3A_164 = arith.addi %mul3A_163, %iota3A : vector<16xi32>
    %swap3A_165 = arith.constant 0 : index
    %swap3A_166 = tpu.vector_load %arg10[%swap3A_165] {strides = array<i32>} : memref<16xf32, #tpu.memory_space<vmem>>, vector<16xf32>,
    tpu.vector_store %arg10[%swap3A_165], %scan3A_159#0 {strides = array<i32>} : memref<16xf32, #tpu.memory_space<vmem>>, vector<16xf32>,
    %swap3A_167 = arith.constant 0 : index
    %swap3A_168 = tpu.vector_load %arg11[%swap3A_167] {strides = array<i32>} : memref<16xi32, #tpu.memory_space<vmem>>, vector<16xi32>,
    tpu.vector_store %arg11[%swap3A_167], %add3A_164 {strides = array<i32>} : memref<16xi32, #tpu.memory_space<vmem>>, vector<16xi32>,
    %xor3A_169 = arith.constant 1 : i32
    %xor3A_170 = vector.broadcast %xor3A_169 : i32 to vector<16xi32>
    %xor3A_171 = arith.xori %iota3A, %xor3A_170 : vector<16xi32>
    %gather3A_172 = tpu.vector_load_idx %arg10[%xor3A_171] : memref<16xf32, #tpu.memory_space<vmem>>[vector<16xi32>], vector<16xf32>,
    %xor3A_173 = arith.constant 1 : i32
    %xor3A_174 = vector.broadcast %xor3A_173 : i32 to vector<16xi32>
    %xor3A_175 = arith.xori %iota3A, %xor3A_174 : vector<16xi32>
    %gather3A_176 = tpu.vector_load_idx %arg11[%xor3A_175] : memref<16xi32, #tpu.memory_space<vmem>>[vector<16xi32>], vector<16xi32>,
    %lt3A_177 = arith.cmpf olt, %gather3A_172, %scan3A_159#0 : vector<16xf32>
    %eq3A_178 = arith.cmpf oeq, %gather3A_172, %scan3A_159#0 : vector<16xf32>
    %lt3A_179 = arith.cmpi slt, %gather3A_176, %add3A_164 : vector<16xi32>
    %and3A_180 = arith.andi %eq3A_178, %lt3A_179 : vector<16xi1>
    %or3A_181 = arith.ori %lt3A_177, %and3A_180 : vector<16xi1>
    %select_n3A_182 = arith.select %or3A_181, %gather3A_172, %scan3A_159#0 : vector<16xi1>, vector<16xf32>
    %select_n3A_183 = arith.select %or3A_181, %gather3A_176, %add3A_164 : vector<16xi1>, vector<16xi32>
    %swap3A_184 = arith.constant 0 : index
    %swap3A_185 = tpu.vector_load %arg10[%swap3A_184] {strides = array<i32>} : memref<16xf32, #tpu.memory_space<vmem>>, vector<16xf32>,
    tpu.vector_store %arg10[%swap3A_184], %select_n3A_182 {strides = array<i32>} : memref<16xf32, #tpu.memory_space<vmem>>, vector<16xf32>,
    %swap3A_186 = arith.constant 0 : index
    %swap3A_187 = tpu.vector_load %arg11[%swap3A_186] {strides = array<i32>} : memref<16xi32, #tpu.memory_space<vmem>>, vector<16xi32>,
    tpu.vector_store %arg11[%swap3A_186], %select_n3A_183 {strides = array<i32>} : memref<16xi32, #tpu.memory_space<vmem>>, vector<16xi32>,
    %xor3A_188 = arith.constant 2 : i32
    %xor3A_189 = vector.broadcast %xor3A_188 : i32 to vector<16xi32>
    %xor3A_190 = arith.xori %iota3A, %xor3A_189 : vector<16xi32>
    %gather3A_191 = tpu.vector_load_idx %arg10[%xor3A_190] : memref<16xf32, #tpu.memory_space<vmem>>[vector<16xi32>], vector<16xf32>,
    %xor3A_192 = arith.constant 2 : i32
    %xor3A_193 = vector.broadcast %xor3A_192 : i32 to vector<16xi32>
    %xor3A_194 = arith.xori %iota3A, %xor3A_193 : vector<16xi32>
    %gather3A_195 = tpu.vector_load_idx %arg11[%xor3A_194] : memref<16xi32, #tpu.memory_space<vmem>>[vector<16xi32>], vector<16xi32>,
    %lt3A_196 = arith.cmpf olt, %gather3A_191, %select_n3A_182 : vector<16xf32>
    %eq3A_197 = arith.cmpf oeq, %gather3A_191, %select_n3A_182 : vector<16xf32>
    %lt3A_198 = arith.cmpi slt, %gather3A_195, %select_n3A_183 : vector<16xi32>
    %and3A_199 = arith.andi %eq3A_197, %lt3A_198 : vector<16xi1>
    %or3A_200 = arith.ori %lt3A_196, %and3A_199 : vector<16xi1>
    %select_n3A_201 = arith.select %or3A_200, %gather3A_191, %select_n3A_182 : vector<16xi1>, vector<16xf32>
    %select_n3A_202 = arith.select %or3A_200, %gather3A_195, %select_n3A_183 : vector<16xi1>, vector<16xi32>
    %swap3A_203 = arith.constant 0 : index
    %swap3A_204 = tpu.vector_load %arg10[%swap3A_203] {strides = array<i32>} : memref<16xf32, #tpu.memory_space<vmem>>, vector<16xf32>,
    tpu.vector_store %arg10[%swap3A_203], %select_n3A_201 {strides = array<i32>} : memref<16xf32, #tpu.memory_space<vmem>>, vector<16xf32>,
    %swap3A_205 = arith.constant 0 : index
    %swap3A_206 = tpu.vector_load %arg11[%swap3A_205] {strides = array<i32>} : memref<16xi32, #tpu.memory_space<vmem>>, vector<16xi32>,
    tpu.vector_store %arg11[%swap3A_205], %select_n3A_202 {strides = array<i32>} : memref<16xi32, #tpu.memory_space<vmem>>, vector<16xi32>,
    %xor3A_207 = arith.constant 4 : i32
    %xor3A_208 = vector.broadcast %xor3A_207 : i32 to vector<16xi32>
    %xor3A_209 = arith.xori %iota3A, %xor3A_208 : vector<16xi32>
    %gather3A_210 = tpu.vector_load_idx %arg10[%xor3A_209] : memref<16xf32, #tpu.memory_space<vmem>>[vector<16xi32>], vector<16xf32>,
    %xor3A_211 = arith.constant 4 : i32
    %xor3A_212 = vector.broadcast %xor3A_211 : i32 to vector<16xi32>
    %xor3A_213 = arith.xori %iota3A, %xor3A_212 : vector<16xi32>
    %gather3A_214 = tpu.vector_load_idx %arg11[%xor3A_213] : memref<16xi32, #tpu.memory_space<vmem>>[vector<16xi32>], vector<16xi32>,
    %lt3A_215 = arith.cmpf olt, %gather3A_210, %select_n3A_201 : vector<16xf32>
    %eq3A_216 = arith.cmpf oeq, %gather3A_210, %select_n3A_201 : vector<16xf32>
    %lt3A_217 = arith.cmpi slt, %gather3A_214, %select_n3A_202 : vector<16xi32>
    %and3A_218 = arith.andi %eq3A_216, %lt3A_217 : vector<16xi1>
    %or3A_219 = arith.ori %lt3A_215, %and3A_218 : vector<16xi1>
    %select_n3A_220 = arith.select %or3A_219, %gather3A_210, %select_n3A_201 : vector<16xi1>, vector<16xf32>
    %select_n3A_221 = arith.select %or3A_219, %gather3A_214, %select_n3A_202 : vector<16xi1>, vector<16xi32>
    %swap3A_222 = arith.constant 0 : index
    %swap3A_223 = tpu.vector_load %arg10[%swap3A_222] {strides = array<i32>} : memref<16xf32, #tpu.memory_space<vmem>>, vector<16xf32>,
    tpu.vector_store %arg10[%swap3A_222], %select_n3A_220 {strides = array<i32>} : memref<16xf32, #tpu.memory_space<vmem>>, vector<16xf32>,
    %swap3A_224 = arith.constant 0 : index
    %swap3A_225 = tpu.vector_load %arg11[%swap3A_224] {strides = array<i32>} : memref<16xi32, #tpu.memory_space<vmem>>, vector<16xi32>,
    tpu.vector_store %arg11[%swap3A_224], %select_n3A_221 {strides = array<i32>} : memref<16xi32, #tpu.memory_space<vmem>>, vector<16xi32>,
    %xor3A_226 = arith.constant 8 : i32
    %xor3A_227 = vector.broadcast %xor3A_226 : i32 to vector<16xi32>
    %xor3A_228 = arith.xori %iota3A, %xor3A_227 : vector<16xi32>
    %gather3A_229 = tpu.vector_load_idx %arg10[%xor3A_228] : memref<16xf32, #tpu.memory_space<vmem>>[vector<16xi32>], vector<16xf32>,
    %xor3A_230 = arith.constant 8 : i32
    %xor3A_231 = vector.broadcast %xor3A_230 : i32 to vector<16xi32>
    %xor3A_232 = arith.xori %iota3A, %xor3A_231 : vector<16xi32>
    %gather3A_233 = tpu.vector_load_idx %arg11[%xor3A_232] : memref<16xi32, #tpu.memory_space<vmem>>[vector<16xi32>], vector<16xi32>,
    %lt3A_234 = arith.cmpf olt, %gather3A_229, %select_n3A_220 : vector<16xf32>
    %eq3A_235 = arith.cmpf oeq, %gather3A_229, %select_n3A_220 : vector<16xf32>
    %lt3A_236 = arith.cmpi slt, %gather3A_233, %select_n3A_221 : vector<16xi32>
    %and3A_237 = arith.andi %eq3A_235, %lt3A_236 : vector<16xi1>
    %or3A_238 = arith.ori %lt3A_234, %and3A_237 : vector<16xi1>
    %select_n3A_239 = arith.select %or3A_238, %gather3A_229, %select_n3A_220 : vector<16xi1>, vector<16xf32>
    %select_n3A_240 = arith.select %or3A_238, %gather3A_233, %select_n3A_221 : vector<16xi1>, vector<16xi32>
    %gather3A_241 = tpu.vector_load_idx %arg7[%select_n3A_240] : memref<16384xf32, #tpu.memory_space<vmem>>[vector<16xi32>], vector<16xf32>,
    %eq3A_242 = arith.constant 1 : i32
    %eq3A_243 = vector.broadcast %eq3A_242 : i32 to vector<16xi32>
    %eq3A_244 = arith.cmpi eq, %iota3A, %eq3A_243 : vector<16xi32>
    %select_n3A_245 = arith.select %eq3A_244, %gather3A_241, %select_n3A_143 : vector<16xi1>, vector<16xf32>
    %broadcast_in_dim3A_246 = arith.constant 0x7F800000 : f32
    %broadcast_in_dim3A_247 = vector.broadcast %broadcast_in_dim3A_246 : f32 to vector<16xf32>
    %eq3A_248 = arith.constant 0 : i32
    %eq3A_249 = vector.broadcast %eq3A_248 : i32 to vector<16xi32>
    %eq3A_250 = arith.cmpi eq, %iota3A, %eq3A_249 : vector<16xi32>
    tpu.vector_store_idx %arg6[%select_n3A_240], %broadcast_in_dim3A_247 masked %eq3A_250 : memref<16384xf32, #tpu.memory_space<vmem>>[vector<16xi32>], vector<16xf32>, vector<16xi1>
    %broadcast_in_dim3A_251 = arith.constant 0x7F800000 : f32
    %broadcast_in_dim3A_252 = vector.broadcast %broadcast_in_dim3A_251 : f32 to vector<16xf32>
    %broadcast_in_dim3A_253 = arith.constant 0 : i32
    %broadcast_in_dim3A_254 = vector.broadcast %broadcast_in_dim3A_253 : i32 to vector<16xi32>
    %broadcast_in_dim3A_255 = arith.constant 0 : i32
    %broadcast_in_dim3A_256 = vector.broadcast %broadcast_in_dim3A_255 : i32 to vector<16xi32>
    %scan3A_257 = arith.constant 0 : i32
    %scan3A_258 = arith.constant 256 : i32
    %scan3A_259 = arith.addi %scan3A_257, %scan3A_258 : i32
    %scan3A_260 = arith.constant 1 : i32
    %scan3A_261:3 = scf.for %scan3A_1038 = %scan3A_257 to %scan3A_259 step %scan3A_260 iter_args(%scan3A_1039 = %broadcast_in_dim3A_252, %scan3A_1040 = %broadcast_in_dim3A_254, %scan3A_1041 = %broadcast_in_dim3A_256) -> (vector<16xf32>, vector<16xi32>, vector<16xi32>)  : i32 {
      %mul3A_1042 = arith.constant 4 : i32
      %mul3A_1043 = arith.muli %scan3A_1038, %mul3A_1042 : i32
      %add3A_1044 = arith.constant 0 : i32
      %add3A_1045 = arith.addi %mul3A_1043, %add3A_1044 : i32
      %mul3A_1046 = arith.constant 16 : i32
      %mul3A_1047 = arith.muli %add3A_1045, %mul3A_1046 : i32
      %get3A = arith.index_cast %mul3A_1047 : i32 to index
      %get3A_1048 = tpu.vector_load %arg6[%get3A] {strides = array<i32>} : memref<16384xf32, #tpu.memory_space<vmem>>, vector<16xf32>,
      %lt3A_1049 = arith.cmpf olt, %get3A_1048, %scan3A_1039 : vector<16xf32>
      %select_n3A_1050 = arith.select %lt3A_1049, %get3A_1048, %scan3A_1039 : vector<16xi1>, vector<16xf32>
      %add3A_1051 = arith.constant 0 : i32
      %add3A_1052 = vector.broadcast %add3A_1051 : i32 to vector<16xi32>
      %add3A_1053 = arith.addi %scan3A_1041, %add3A_1052 : vector<16xi32>
      %select_n3A_1054 = arith.select %lt3A_1049, %add3A_1053, %scan3A_1040 : vector<16xi1>, vector<16xi32>
      %mul3A_1055 = arith.constant 4 : i32
      %mul3A_1056 = arith.muli %scan3A_1038, %mul3A_1055 : i32
      %add3A_1057 = arith.constant 1 : i32
      %add3A_1058 = arith.addi %mul3A_1056, %add3A_1057 : i32
      %mul3A_1059 = arith.constant 16 : i32
      %mul3A_1060 = arith.muli %add3A_1058, %mul3A_1059 : i32
      %get3A_1061 = arith.index_cast %mul3A_1060 : i32 to index
      %get3A_1062 = tpu.vector_load %arg6[%get3A_1061] {strides = array<i32>} : memref<16384xf32, #tpu.memory_space<vmem>>, vector<16xf32>,
      %lt3A_1063 = arith.cmpf olt, %get3A_1062, %select_n3A_1050 : vector<16xf32>
      %select_n3A_1064 = arith.select %lt3A_1063, %get3A_1062, %select_n3A_1050 : vector<16xi1>, vector<16xf32>
      %add3A_1065 = arith.constant 1 : i32
      %add3A_1066 = vector.broadcast %add3A_1065 : i32 to vector<16xi32>
      %add3A_1067 = arith.addi %scan3A_1041, %add3A_1066 : vector<16xi32>
      %select_n3A_1068 = arith.select %lt3A_1063, %add3A_1067, %select_n3A_1054 : vector<16xi1>, vector<16xi32>
      %mul3A_1069 = arith.constant 4 : i32
      %mul3A_1070 = arith.muli %scan3A_1038, %mul3A_1069 : i32
      %add3A_1071 = arith.constant 2 : i32
      %add3A_1072 = arith.addi %mul3A_1070, %add3A_1071 : i32
      %mul3A_1073 = arith.constant 16 : i32
      %mul3A_1074 = arith.muli %add3A_1072, %mul3A_1073 : i32
      %get3A_1075 = arith.index_cast %mul3A_1074 : i32 to index
      %get3A_1076 = tpu.vector_load %arg6[%get3A_1075] {strides = array<i32>} : memref<16384xf32, #tpu.memory_space<vmem>>, vector<16xf32>,
      %lt3A_1077 = arith.cmpf olt, %get3A_1076, %select_n3A_1064 : vector<16xf32>
      %select_n3A_1078 = arith.select %lt3A_1077, %get3A_1076, %select_n3A_1064 : vector<16xi1>, vector<16xf32>
      %add3A_1079 = arith.constant 2 : i32
      %add3A_1080 = vector.broadcast %add3A_1079 : i32 to vector<16xi32>
      %add3A_1081 = arith.addi %scan3A_1041, %add3A_1080 : vector<16xi32>
      %select_n3A_1082 = arith.select %lt3A_1077, %add3A_1081, %select_n3A_1068 : vector<16xi1>, vector<16xi32>
      %mul3A_1083 = arith.constant 4 : i32
      %mul3A_1084 = arith.muli %scan3A_1038, %mul3A_1083 : i32
      %add3A_1085 = arith.constant 3 : i32
      %add3A_1086 = arith.addi %mul3A_1084, %add3A_1085 : i32
      %mul3A_1087 = arith.constant 16 : i32
      %mul3A_1088 = arith.muli %add3A_1086, %mul3A_1087 : i32
      %get3A_1089 = arith.index_cast %mul3A_1088 : i32 to index
      %get3A_1090 = tpu.vector_load %arg6[%get3A_1089] {strides = array<i32>} : memref<16384xf32, #tpu.memory_space<vmem>>, vector<16xf32>,
      %lt3A_1091 = arith.cmpf olt, %get3A_1090, %select_n3A_1078 : vector<16xf32>
      %select_n3A_1092 = arith.select %lt3A_1091, %get3A_1090, %select_n3A_1078 : vector<16xi1>, vector<16xf32>
      %add3A_1093 = arith.constant 3 : i32
      %add3A_1094 = vector.broadcast %add3A_1093 : i32 to vector<16xi32>
      %add3A_1095 = arith.addi %scan3A_1041, %add3A_1094 : vector<16xi32>
      %select_n3A_1096 = arith.select %lt3A_1091, %add3A_1095, %select_n3A_1082 : vector<16xi1>, vector<16xi32>
      %add3A_1097 = arith.constant 4 : i32
      %add3A_1098 = vector.broadcast %add3A_1097 : i32 to vector<16xi32>
      %add3A_1099 = arith.addi %scan3A_1041, %add3A_1098 : vector<16xi32>
      scf.yield %select_n3A_1092, %select_n3A_1096, %add3A_1099 : vector<16xf32>, vector<16xi32>, vector<16xi32>
    }
    %scan3A_262 = arith.constant 256 : i32
    %mul3A_263 = arith.constant 16 : i32
    %mul3A_264 = vector.broadcast %mul3A_263 : i32 to vector<16xi32>
    %mul3A_265 = arith.muli %scan3A_261#1, %mul3A_264 : vector<16xi32>
    %add3A_266 = arith.addi %mul3A_265, %iota3A : vector<16xi32>
    %swap3A_267 = arith.constant 0 : index
    %swap3A_268 = tpu.vector_load %arg10[%swap3A_267] {strides = array<i32>} : memref<16xf32, #tpu.memory_space<vmem>>, vector<16xf32>,
    tpu.vector_store %arg10[%swap3A_267], %scan3A_261#0 {strides = array<i32>} : memref<16xf32, #tpu.memory_space<vmem>>, vector<16xf32>,
    %swap3A_269 = arith.constant 0 : index
    %swap3A_270 = tpu.vector_load %arg11[%swap3A_269] {strides = array<i32>} : memref<16xi32, #tpu.memory_space<vmem>>, vector<16xi32>,
    tpu.vector_store %arg11[%swap3A_269], %add3A_266 {strides = array<i32>} : memref<16xi32, #tpu.memory_space<vmem>>, vector<16xi32>,
    %xor3A_271 = arith.constant 1 : i32
    %xor3A_272 = vector.broadcast %xor3A_271 : i32 to vector<16xi32>
    %xor3A_273 = arith.xori %iota3A, %xor3A_272 : vector<16xi32>
    %gather3A_274 = tpu.vector_load_idx %arg10[%xor3A_273] : memref<16xf32, #tpu.memory_space<vmem>>[vector<16xi32>], vector<16xf32>,
    %xor3A_275 = arith.constant 1 : i32
    %xor3A_276 = vector.broadcast %xor3A_275 : i32 to vector<16xi32>
    %xor3A_277 = arith.xori %iota3A, %xor3A_276 : vector<16xi32>
    %gather3A_278 = tpu.vector_load_idx %arg11[%xor3A_277] : memref<16xi32, #tpu.memory_space<vmem>>[vector<16xi32>], vector<16xi32>,
    %lt3A_279 = arith.cmpf olt, %gather3A_274, %scan3A_261#0 : vector<16xf32>
    %eq3A_280 = arith.cmpf oeq, %gather3A_274, %scan3A_261#0 : vector<16xf32>
    %lt3A_281 = arith.cmpi slt, %gather3A_278, %add3A_266 : vector<16xi32>
    %and3A_282 = arith.andi %eq3A_280, %lt3A_281 : vector<16xi1>
    %or3A_283 = arith.ori %lt3A_279, %and3A_282 : vector<16xi1>
    %select_n3A_284 = arith.select %or3A_283, %gather3A_274, %scan3A_261#0 : vector<16xi1>, vector<16xf32>
    %select_n3A_285 = arith.select %or3A_283, %gather3A_278, %add3A_266 : vector<16xi1>, vector<16xi32>
    %swap3A_286 = arith.constant 0 : index
    %swap3A_287 = tpu.vector_load %arg10[%swap3A_286] {strides = array<i32>} : memref<16xf32, #tpu.memory_space<vmem>>, vector<16xf32>,
    tpu.vector_store %arg10[%swap3A_286], %select_n3A_284 {strides = array<i32>} : memref<16xf32, #tpu.memory_space<vmem>>, vector<16xf32>,
    %swap3A_288 = arith.constant 0 : index
    %swap3A_289 = tpu.vector_load %arg11[%swap3A_288] {strides = array<i32>} : memref<16xi32, #tpu.memory_space<vmem>>, vector<16xi32>,
    tpu.vector_store %arg11[%swap3A_288], %select_n3A_285 {strides = array<i32>} : memref<16xi32, #tpu.memory_space<vmem>>, vector<16xi32>,
    %xor3A_290 = arith.constant 2 : i32
    %xor3A_291 = vector.broadcast %xor3A_290 : i32 to vector<16xi32>
    %xor3A_292 = arith.xori %iota3A, %xor3A_291 : vector<16xi32>
    %gather3A_293 = tpu.vector_load_idx %arg10[%xor3A_292] : memref<16xf32, #tpu.memory_space<vmem>>[vector<16xi32>], vector<16xf32>,
    %xor3A_294 = arith.constant 2 : i32
    %xor3A_295 = vector.broadcast %xor3A_294 : i32 to vector<16xi32>
    %xor3A_296 = arith.xori %iota3A, %xor3A_295 : vector<16xi32>
    %gather3A_297 = tpu.vector_load_idx %arg11[%xor3A_296] : memref<16xi32, #tpu.memory_space<vmem>>[vector<16xi32>], vector<16xi32>,
    %lt3A_298 = arith.cmpf olt, %gather3A_293, %select_n3A_284 : vector<16xf32>
    %eq3A_299 = arith.cmpf oeq, %gather3A_293, %select_n3A_284 : vector<16xf32>
    %lt3A_300 = arith.cmpi slt, %gather3A_297, %select_n3A_285 : vector<16xi32>
    %and3A_301 = arith.andi %eq3A_299, %lt3A_300 : vector<16xi1>
    %or3A_302 = arith.ori %lt3A_298, %and3A_301 : vector<16xi1>
    %select_n3A_303 = arith.select %or3A_302, %gather3A_293, %select_n3A_284 : vector<16xi1>, vector<16xf32>
    %select_n3A_304 = arith.select %or3A_302, %gather3A_297, %select_n3A_285 : vector<16xi1>, vector<16xi32>
    %swap3A_305 = arith.constant 0 : index
    %swap3A_306 = tpu.vector_load %arg10[%swap3A_305] {strides = array<i32>} : memref<16xf32, #tpu.memory_space<vmem>>, vector<16xf32>,
    tpu.vector_store %arg10[%swap3A_305], %select_n3A_303 {strides = array<i32>} : memref<16xf32, #tpu.memory_space<vmem>>, vector<16xf32>,
    %swap3A_307 = arith.constant 0 : index
    %swap3A_308 = tpu.vector_load %arg11[%swap3A_307] {strides = array<i32>} : memref<16xi32, #tpu.memory_space<vmem>>, vector<16xi32>,
    tpu.vector_store %arg11[%swap3A_307], %select_n3A_304 {strides = array<i32>} : memref<16xi32, #tpu.memory_space<vmem>>, vector<16xi32>,
    %xor3A_309 = arith.constant 4 : i32
    %xor3A_310 = vector.broadcast %xor3A_309 : i32 to vector<16xi32>
    %xor3A_311 = arith.xori %iota3A, %xor3A_310 : vector<16xi32>
    %gather3A_312 = tpu.vector_load_idx %arg10[%xor3A_311] : memref<16xf32, #tpu.memory_space<vmem>>[vector<16xi32>], vector<16xf32>,
    %xor3A_313 = arith.constant 4 : i32
    %xor3A_314 = vector.broadcast %xor3A_313 : i32 to vector<16xi32>
    %xor3A_315 = arith.xori %iota3A, %xor3A_314 : vector<16xi32>
    %gather3A_316 = tpu.vector_load_idx %arg11[%xor3A_315] : memref<16xi32, #tpu.memory_space<vmem>>[vector<16xi32>], vector<16xi32>,
    %lt3A_317 = arith.cmpf olt, %gather3A_312, %select_n3A_303 : vector<16xf32>
    %eq3A_318 = arith.cmpf oeq, %gather3A_312, %select_n3A_303 : vector<16xf32>
    %lt3A_319 = arith.cmpi slt, %gather3A_316, %select_n3A_304 : vector<16xi32>
    %and3A_320 = arith.andi %eq3A_318, %lt3A_319 : vector<16xi1>
    %or3A_321 = arith.ori %lt3A_317, %and3A_320 : vector<16xi1>
    %select_n3A_322 = arith.select %or3A_321, %gather3A_312, %select_n3A_303 : vector<16xi1>, vector<16xf32>
    %select_n3A_323 = arith.select %or3A_321, %gather3A_316, %select_n3A_304 : vector<16xi1>, vector<16xi32>
    %swap3A_324 = arith.constant 0 : index
    %swap3A_325 = tpu.vector_load %arg10[%swap3A_324] {strides = array<i32>} : memref<16xf32, #tpu.memory_space<vmem>>, vector<16xf32>,
    tpu.vector_store %arg10[%swap3A_324], %select_n3A_322 {strides = array<i32>} : memref<16xf32, #tpu.memory_space<vmem>>, vector<16xf32>,
    %swap3A_326 = arith.constant 0 : index
    %swap3A_327 = tpu.vector_load %arg11[%swap3A_326] {strides = array<i32>} : memref<16xi32, #tpu.memory_space<vmem>>, vector<16xi32>,
    tpu.vector_store %arg11[%swap3A_326], %select_n3A_323 {strides = array<i32>} : memref<16xi32, #tpu.memory_space<vmem>>, vector<16xi32>,
    %xor3A_328 = arith.constant 8 : i32
    %xor3A_329 = vector.broadcast %xor3A_328 : i32 to vector<16xi32>
    %xor3A_330 = arith.xori %iota3A, %xor3A_329 : vector<16xi32>
    %gather3A_331 = tpu.vector_load_idx %arg10[%xor3A_330] : memref<16xf32, #tpu.memory_space<vmem>>[vector<16xi32>], vector<16xf32>,
    %xor3A_332 = arith.constant 8 : i32
    %xor3A_333 = vector.broadcast %xor3A_332 : i32 to vector<16xi32>
    %xor3A_334 = arith.xori %iota3A, %xor3A_333 : vector<16xi32>
    %gather3A_335 = tpu.vector_load_idx %arg11[%xor3A_334] : memref<16xi32, #tpu.memory_space<vmem>>[vector<16xi32>], vector<16xi32>,
    %lt3A_336 = arith.cmpf olt, %gather3A_331, %select_n3A_322 : vector<16xf32>
    %eq3A_337 = arith.cmpf oeq, %gather3A_331, %select_n3A_322 : vector<16xf32>
    %lt3A_338 = arith.cmpi slt, %gather3A_335, %select_n3A_323 : vector<16xi32>
    %and3A_339 = arith.andi %eq3A_337, %lt3A_338 : vector<16xi1>
    %or3A_340 = arith.ori %lt3A_336, %and3A_339 : vector<16xi1>
    %select_n3A_341 = arith.select %or3A_340, %gather3A_331, %select_n3A_322 : vector<16xi1>, vector<16xf32>
    %select_n3A_342 = arith.select %or3A_340, %gather3A_335, %select_n3A_323 : vector<16xi1>, vector<16xi32>
    %gather3A_343 = tpu.vector_load_idx %arg7[%select_n3A_342] : memref<16384xf32, #tpu.memory_space<vmem>>[vector<16xi32>], vector<16xf32>,
    %eq3A_344 = arith.constant 2 : i32
    %eq3A_345 = vector.broadcast %eq3A_344 : i32 to vector<16xi32>
    %eq3A_346 = arith.cmpi eq, %iota3A, %eq3A_345 : vector<16xi32>
    %select_n3A_347 = arith.select %eq3A_346, %gather3A_343, %select_n3A_245 : vector<16xi1>, vector<16xf32>
    %broadcast_in_dim3A_348 = arith.constant 0x7F800000 : f32
    %broadcast_in_dim3A_349 = vector.broadcast %broadcast_in_dim3A_348 : f32 to vector<16xf32>
    %eq3A_350 = arith.constant 0 : i32
    %eq3A_351 = vector.broadcast %eq3A_350 : i32 to vector<16xi32>
    %eq3A_352 = arith.cmpi eq, %iota3A, %eq3A_351 : vector<16xi32>
    tpu.vector_store_idx %arg6[%select_n3A_342], %broadcast_in_dim3A_349 masked %eq3A_352 : memref<16384xf32, #tpu.memory_space<vmem>>[vector<16xi32>], vector<16xf32>, vector<16xi1>
    %broadcast_in_dim3A_353 = arith.constant 0x7F800000 : f32
    %broadcast_in_dim3A_354 = vector.broadcast %broadcast_in_dim3A_353 : f32 to vector<16xf32>
    %broadcast_in_dim3A_355 = arith.constant 0 : i32
    %broadcast_in_dim3A_356 = vector.broadcast %broadcast_in_dim3A_355 : i32 to vector<16xi32>
    %broadcast_in_dim3A_357 = arith.constant 0 : i32
    %broadcast_in_dim3A_358 = vector.broadcast %broadcast_in_dim3A_357 : i32 to vector<16xi32>
    %scan3A_359 = arith.constant 0 : i32
    %scan3A_360 = arith.constant 256 : i32
    %scan3A_361 = arith.addi %scan3A_359, %scan3A_360 : i32
    %scan3A_362 = arith.constant 1 : i32
    %scan3A_363:3 = scf.for %scan3A_1038 = %scan3A_359 to %scan3A_361 step %scan3A_362 iter_args(%scan3A_1039 = %broadcast_in_dim3A_354, %scan3A_1040 = %broadcast_in_dim3A_356, %scan3A_1041 = %broadcast_in_dim3A_358) -> (vector<16xf32>, vector<16xi32>, vector<16xi32>)  : i32 {
      %mul3A_1042 = arith.constant 4 : i32
      %mul3A_1043 = arith.muli %scan3A_1038, %mul3A_1042 : i32
      %add3A_1044 = arith.constant 0 : i32
      %add3A_1045 = arith.addi %mul3A_1043, %add3A_1044 : i32
      %mul3A_1046 = arith.constant 16 : i32
      %mul3A_1047 = arith.muli %add3A_1045, %mul3A_1046 : i32
      %get3A = arith.index_cast %mul3A_1047 : i32 to index
      %get3A_1048 = tpu.vector_load %arg6[%get3A] {strides = array<i32>} : memref<16384xf32, #tpu.memory_space<vmem>>, vector<16xf32>,
      %lt3A_1049 = arith.cmpf olt, %get3A_1048, %scan3A_1039 : vector<16xf32>
      %select_n3A_1050 = arith.select %lt3A_1049, %get3A_1048, %scan3A_1039 : vector<16xi1>, vector<16xf32>
      %add3A_1051 = arith.constant 0 : i32
      %add3A_1052 = vector.broadcast %add3A_1051 : i32 to vector<16xi32>
      %add3A_1053 = arith.addi %scan3A_1041, %add3A_1052 : vector<16xi32>
      %select_n3A_1054 = arith.select %lt3A_1049, %add3A_1053, %scan3A_1040 : vector<16xi1>, vector<16xi32>
      %mul3A_1055 = arith.constant 4 : i32
      %mul3A_1056 = arith.muli %scan3A_1038, %mul3A_1055 : i32
      %add3A_1057 = arith.constant 1 : i32
      %add3A_1058 = arith.addi %mul3A_1056, %add3A_1057 : i32
      %mul3A_1059 = arith.constant 16 : i32
      %mul3A_1060 = arith.muli %add3A_1058, %mul3A_1059 : i32
      %get3A_1061 = arith.index_cast %mul3A_1060 : i32 to index
      %get3A_1062 = tpu.vector_load %arg6[%get3A_1061] {strides = array<i32>} : memref<16384xf32, #tpu.memory_space<vmem>>, vector<16xf32>,
      %lt3A_1063 = arith.cmpf olt, %get3A_1062, %select_n3A_1050 : vector<16xf32>
      %select_n3A_1064 = arith.select %lt3A_1063, %get3A_1062, %select_n3A_1050 : vector<16xi1>, vector<16xf32>
      %add3A_1065 = arith.constant 1 : i32
      %add3A_1066 = vector.broadcast %add3A_1065 : i32 to vector<16xi32>
      %add3A_1067 = arith.addi %scan3A_1041, %add3A_1066 : vector<16xi32>
      %select_n3A_1068 = arith.select %lt3A_1063, %add3A_1067, %select_n3A_1054 : vector<16xi1>, vector<16xi32>
      %mul3A_1069 = arith.constant 4 : i32
      %mul3A_1070 = arith.muli %scan3A_1038, %mul3A_1069 : i32
      %add3A_1071 = arith.constant 2 : i32
      %add3A_1072 = arith.addi %mul3A_1070, %add3A_1071 : i32
      %mul3A_1073 = arith.constant 16 : i32
      %mul3A_1074 = arith.muli %add3A_1072, %mul3A_1073 : i32
      %get3A_1075 = arith.index_cast %mul3A_1074 : i32 to index
      %get3A_1076 = tpu.vector_load %arg6[%get3A_1075] {strides = array<i32>} : memref<16384xf32, #tpu.memory_space<vmem>>, vector<16xf32>,
      %lt3A_1077 = arith.cmpf olt, %get3A_1076, %select_n3A_1064 : vector<16xf32>
      %select_n3A_1078 = arith.select %lt3A_1077, %get3A_1076, %select_n3A_1064 : vector<16xi1>, vector<16xf32>
      %add3A_1079 = arith.constant 2 : i32
      %add3A_1080 = vector.broadcast %add3A_1079 : i32 to vector<16xi32>
      %add3A_1081 = arith.addi %scan3A_1041, %add3A_1080 : vector<16xi32>
      %select_n3A_1082 = arith.select %lt3A_1077, %add3A_1081, %select_n3A_1068 : vector<16xi1>, vector<16xi32>
      %mul3A_1083 = arith.constant 4 : i32
      %mul3A_1084 = arith.muli %scan3A_1038, %mul3A_1083 : i32
      %add3A_1085 = arith.constant 3 : i32
      %add3A_1086 = arith.addi %mul3A_1084, %add3A_1085 : i32
      %mul3A_1087 = arith.constant 16 : i32
      %mul3A_1088 = arith.muli %add3A_1086, %mul3A_1087 : i32
      %get3A_1089 = arith.index_cast %mul3A_1088 : i32 to index
      %get3A_1090 = tpu.vector_load %arg6[%get3A_1089] {strides = array<i32>} : memref<16384xf32, #tpu.memory_space<vmem>>, vector<16xf32>,
      %lt3A_1091 = arith.cmpf olt, %get3A_1090, %select_n3A_1078 : vector<16xf32>
      %select_n3A_1092 = arith.select %lt3A_1091, %get3A_1090, %select_n3A_1078 : vector<16xi1>, vector<16xf32>
      %add3A_1093 = arith.constant 3 : i32
      %add3A_1094 = vector.broadcast %add3A_1093 : i32 to vector<16xi32>
      %add3A_1095 = arith.addi %scan3A_1041, %add3A_1094 : vector<16xi32>
      %select_n3A_1096 = arith.select %lt3A_1091, %add3A_1095, %select_n3A_1082 : vector<16xi1>, vector<16xi32>
      %add3A_1097 = arith.constant 4 : i32
      %add3A_1098 = vector.broadcast %add3A_1097 : i32 to vector<16xi32>
      %add3A_1099 = arith.addi %scan3A_1041, %add3A_1098 : vector<16xi32>
      scf.yield %select_n3A_1092, %select_n3A_1096, %add3A_1099 : vector<16xf32>, vector<16xi32>, vector<16xi32>
    }
    %scan3A_364 = arith.constant 256 : i32
    %mul3A_365 = arith.constant 16 : i32
    %mul3A_366 = vector.broadcast %mul3A_365 : i32 to vector<16xi32>
    %mul3A_367 = arith.muli %scan3A_363#1, %mul3A_366 : vector<16xi32>
    %add3A_368 = arith.addi %mul3A_367, %iota3A : vector<16xi32>
    %swap3A_369 = arith.constant 0 : index
    %swap3A_370 = tpu.vector_load %arg10[%swap3A_369] {strides = array<i32>} : memref<16xf32, #tpu.memory_space<vmem>>, vector<16xf32>,
    tpu.vector_store %arg10[%swap3A_369], %scan3A_363#0 {strides = array<i32>} : memref<16xf32, #tpu.memory_space<vmem>>, vector<16xf32>,
    %swap3A_371 = arith.constant 0 : index
    %swap3A_372 = tpu.vector_load %arg11[%swap3A_371] {strides = array<i32>} : memref<16xi32, #tpu.memory_space<vmem>>, vector<16xi32>,
    tpu.vector_store %arg11[%swap3A_371], %add3A_368 {strides = array<i32>} : memref<16xi32, #tpu.memory_space<vmem>>, vector<16xi32>,
    %xor3A_373 = arith.constant 1 : i32
    %xor3A_374 = vector.broadcast %xor3A_373 : i32 to vector<16xi32>
    %xor3A_375 = arith.xori %iota3A, %xor3A_374 : vector<16xi32>
    %gather3A_376 = tpu.vector_load_idx %arg10[%xor3A_375] : memref<16xf32, #tpu.memory_space<vmem>>[vector<16xi32>], vector<16xf32>,
    %xor3A_377 = arith.constant 1 : i32
    %xor3A_378 = vector.broadcast %xor3A_377 : i32 to vector<16xi32>
    %xor3A_379 = arith.xori %iota3A, %xor3A_378 : vector<16xi32>
    %gather3A_380 = tpu.vector_load_idx %arg11[%xor3A_379] : memref<16xi32, #tpu.memory_space<vmem>>[vector<16xi32>], vector<16xi32>,
    %lt3A_381 = arith.cmpf olt, %gather3A_376, %scan3A_363#0 : vector<16xf32>
    %eq3A_382 = arith.cmpf oeq, %gather3A_376, %scan3A_363#0 : vector<16xf32>
    %lt3A_383 = arith.cmpi slt, %gather3A_380, %add3A_368 : vector<16xi32>
    %and3A_384 = arith.andi %eq3A_382, %lt3A_383 : vector<16xi1>
    %or3A_385 = arith.ori %lt3A_381, %and3A_384 : vector<16xi1>
    %select_n3A_386 = arith.select %or3A_385, %gather3A_376, %scan3A_363#0 : vector<16xi1>, vector<16xf32>
    %select_n3A_387 = arith.select %or3A_385, %gather3A_380, %add3A_368 : vector<16xi1>, vector<16xi32>
    %swap3A_388 = arith.constant 0 : index
    %swap3A_389 = tpu.vector_load %arg10[%swap3A_388] {strides = array<i32>} : memref<16xf32, #tpu.memory_space<vmem>>, vector<16xf32>,
    tpu.vector_store %arg10[%swap3A_388], %select_n3A_386 {strides = array<i32>} : memref<16xf32, #tpu.memory_space<vmem>>, vector<16xf32>,
    %swap3A_390 = arith.constant 0 : index
    %swap3A_391 = tpu.vector_load %arg11[%swap3A_390] {strides = array<i32>} : memref<16xi32, #tpu.memory_space<vmem>>, vector<16xi32>,
    tpu.vector_store %arg11[%swap3A_390], %select_n3A_387 {strides = array<i32>} : memref<16xi32, #tpu.memory_space<vmem>>, vector<16xi32>,
    %xor3A_392 = arith.constant 2 : i32
    %xor3A_393 = vector.broadcast %xor3A_392 : i32 to vector<16xi32>
    %xor3A_394 = arith.xori %iota3A, %xor3A_393 : vector<16xi32>
    %gather3A_395 = tpu.vector_load_idx %arg10[%xor3A_394] : memref<16xf32, #tpu.memory_space<vmem>>[vector<16xi32>], vector<16xf32>,
    %xor3A_396 = arith.constant 2 : i32
    %xor3A_397 = vector.broadcast %xor3A_396 : i32 to vector<16xi32>
    %xor3A_398 = arith.xori %iota3A, %xor3A_397 : vector<16xi32>
    %gather3A_399 = tpu.vector_load_idx %arg11[%xor3A_398] : memref<16xi32, #tpu.memory_space<vmem>>[vector<16xi32>], vector<16xi32>,
    %lt3A_400 = arith.cmpf olt, %gather3A_395, %select_n3A_386 : vector<16xf32>
    %eq3A_401 = arith.cmpf oeq, %gather3A_395, %select_n3A_386 : vector<16xf32>
    %lt3A_402 = arith.cmpi slt, %gather3A_399, %select_n3A_387 : vector<16xi32>
    %and3A_403 = arith.andi %eq3A_401, %lt3A_402 : vector<16xi1>
    %or3A_404 = arith.ori %lt3A_400, %and3A_403 : vector<16xi1>
    %select_n3A_405 = arith.select %or3A_404, %gather3A_395, %select_n3A_386 : vector<16xi1>, vector<16xf32>
    %select_n3A_406 = arith.select %or3A_404, %gather3A_399, %select_n3A_387 : vector<16xi1>, vector<16xi32>
    %swap3A_407 = arith.constant 0 : index
    %swap3A_408 = tpu.vector_load %arg10[%swap3A_407] {strides = array<i32>} : memref<16xf32, #tpu.memory_space<vmem>>, vector<16xf32>,
    tpu.vector_store %arg10[%swap3A_407], %select_n3A_405 {strides = array<i32>} : memref<16xf32, #tpu.memory_space<vmem>>, vector<16xf32>,
    %swap3A_409 = arith.constant 0 : index
    %swap3A_410 = tpu.vector_load %arg11[%swap3A_409] {strides = array<i32>} : memref<16xi32, #tpu.memory_space<vmem>>, vector<16xi32>,
    tpu.vector_store %arg11[%swap3A_409], %select_n3A_406 {strides = array<i32>} : memref<16xi32, #tpu.memory_space<vmem>>, vector<16xi32>,
    %xor3A_411 = arith.constant 4 : i32
    %xor3A_412 = vector.broadcast %xor3A_411 : i32 to vector<16xi32>
    %xor3A_413 = arith.xori %iota3A, %xor3A_412 : vector<16xi32>
    %gather3A_414 = tpu.vector_load_idx %arg10[%xor3A_413] : memref<16xf32, #tpu.memory_space<vmem>>[vector<16xi32>], vector<16xf32>,
    %xor3A_415 = arith.constant 4 : i32
    %xor3A_416 = vector.broadcast %xor3A_415 : i32 to vector<16xi32>
    %xor3A_417 = arith.xori %iota3A, %xor3A_416 : vector<16xi32>
    %gather3A_418 = tpu.vector_load_idx %arg11[%xor3A_417] : memref<16xi32, #tpu.memory_space<vmem>>[vector<16xi32>], vector<16xi32>,
    %lt3A_419 = arith.cmpf olt, %gather3A_414, %select_n3A_405 : vector<16xf32>
    %eq3A_420 = arith.cmpf oeq, %gather3A_414, %select_n3A_405 : vector<16xf32>
    %lt3A_421 = arith.cmpi slt, %gather3A_418, %select_n3A_406 : vector<16xi32>
    %and3A_422 = arith.andi %eq3A_420, %lt3A_421 : vector<16xi1>
    %or3A_423 = arith.ori %lt3A_419, %and3A_422 : vector<16xi1>
    %select_n3A_424 = arith.select %or3A_423, %gather3A_414, %select_n3A_405 : vector<16xi1>, vector<16xf32>
    %select_n3A_425 = arith.select %or3A_423, %gather3A_418, %select_n3A_406 : vector<16xi1>, vector<16xi32>
    %swap3A_426 = arith.constant 0 : index
    %swap3A_427 = tpu.vector_load %arg10[%swap3A_426] {strides = array<i32>} : memref<16xf32, #tpu.memory_space<vmem>>, vector<16xf32>,
    tpu.vector_store %arg10[%swap3A_426], %select_n3A_424 {strides = array<i32>} : memref<16xf32, #tpu.memory_space<vmem>>, vector<16xf32>,
    %swap3A_428 = arith.constant 0 : index
    %swap3A_429 = tpu.vector_load %arg11[%swap3A_428] {strides = array<i32>} : memref<16xi32, #tpu.memory_space<vmem>>, vector<16xi32>,
    tpu.vector_store %arg11[%swap3A_428], %select_n3A_425 {strides = array<i32>} : memref<16xi32, #tpu.memory_space<vmem>>, vector<16xi32>,
    %xor3A_430 = arith.constant 8 : i32
    %xor3A_431 = vector.broadcast %xor3A_430 : i32 to vector<16xi32>
    %xor3A_432 = arith.xori %iota3A, %xor3A_431 : vector<16xi32>
    %gather3A_433 = tpu.vector_load_idx %arg10[%xor3A_432] : memref<16xf32, #tpu.memory_space<vmem>>[vector<16xi32>], vector<16xf32>,
    %xor3A_434 = arith.constant 8 : i32
    %xor3A_435 = vector.broadcast %xor3A_434 : i32 to vector<16xi32>
    %xor3A_436 = arith.xori %iota3A, %xor3A_435 : vector<16xi32>
    %gather3A_437 = tpu.vector_load_idx %arg11[%xor3A_436] : memref<16xi32, #tpu.memory_space<vmem>>[vector<16xi32>], vector<16xi32>,
    %lt3A_438 = arith.cmpf olt, %gather3A_433, %select_n3A_424 : vector<16xf32>
    %eq3A_439 = arith.cmpf oeq, %gather3A_433, %select_n3A_424 : vector<16xf32>
    %lt3A_440 = arith.cmpi slt, %gather3A_437, %select_n3A_425 : vector<16xi32>
    %and3A_441 = arith.andi %eq3A_439, %lt3A_440 : vector<16xi1>
    %or3A_442 = arith.ori %lt3A_438, %and3A_441 : vector<16xi1>
    %select_n3A_443 = arith.select %or3A_442, %gather3A_433, %select_n3A_424 : vector<16xi1>, vector<16xf32>
    %select_n3A_444 = arith.select %or3A_442, %gather3A_437, %select_n3A_425 : vector<16xi1>, vector<16xi32>
    %gather3A_445 = tpu.vector_load_idx %arg7[%select_n3A_444] : memref<16384xf32, #tpu.memory_space<vmem>>[vector<16xi32>], vector<16xf32>,
    %eq3A_446 = arith.constant 3 : i32
    %eq3A_447 = vector.broadcast %eq3A_446 : i32 to vector<16xi32>
    %eq3A_448 = arith.cmpi eq, %iota3A, %eq3A_447 : vector<16xi32>
    %select_n3A_449 = arith.select %eq3A_448, %gather3A_445, %select_n3A_347 : vector<16xi1>, vector<16xf32>
    %broadcast_in_dim3A_450 = arith.constant 0x7F800000 : f32
    %broadcast_in_dim3A_451 = vector.broadcast %broadcast_in_dim3A_450 : f32 to vector<16xf32>
    %eq3A_452 = arith.constant 0 : i32
    %eq3A_453 = vector.broadcast %eq3A_452 : i32 to vector<16xi32>
    %eq3A_454 = arith.cmpi eq, %iota3A, %eq3A_453 : vector<16xi32>
    tpu.vector_store_idx %arg6[%select_n3A_444], %broadcast_in_dim3A_451 masked %eq3A_454 : memref<16384xf32, #tpu.memory_space<vmem>>[vector<16xi32>], vector<16xf32>, vector<16xi1>
    %broadcast_in_dim3A_455 = arith.constant 0x7F800000 : f32
    %broadcast_in_dim3A_456 = vector.broadcast %broadcast_in_dim3A_455 : f32 to vector<16xf32>
    %broadcast_in_dim3A_457 = arith.constant 0 : i32
    %broadcast_in_dim3A_458 = vector.broadcast %broadcast_in_dim3A_457 : i32 to vector<16xi32>
    %broadcast_in_dim3A_459 = arith.constant 0 : i32
    %broadcast_in_dim3A_460 = vector.broadcast %broadcast_in_dim3A_459 : i32 to vector<16xi32>
    %scan3A_461 = arith.constant 0 : i32
    %scan3A_462 = arith.constant 256 : i32
    %scan3A_463 = arith.addi %scan3A_461, %scan3A_462 : i32
    %scan3A_464 = arith.constant 1 : i32
    %scan3A_465:3 = scf.for %scan3A_1038 = %scan3A_461 to %scan3A_463 step %scan3A_464 iter_args(%scan3A_1039 = %broadcast_in_dim3A_456, %scan3A_1040 = %broadcast_in_dim3A_458, %scan3A_1041 = %broadcast_in_dim3A_460) -> (vector<16xf32>, vector<16xi32>, vector<16xi32>)  : i32 {
      %mul3A_1042 = arith.constant 4 : i32
      %mul3A_1043 = arith.muli %scan3A_1038, %mul3A_1042 : i32
      %add3A_1044 = arith.constant 0 : i32
      %add3A_1045 = arith.addi %mul3A_1043, %add3A_1044 : i32
      %mul3A_1046 = arith.constant 16 : i32
      %mul3A_1047 = arith.muli %add3A_1045, %mul3A_1046 : i32
      %get3A = arith.index_cast %mul3A_1047 : i32 to index
      %get3A_1048 = tpu.vector_load %arg6[%get3A] {strides = array<i32>} : memref<16384xf32, #tpu.memory_space<vmem>>, vector<16xf32>,
      %lt3A_1049 = arith.cmpf olt, %get3A_1048, %scan3A_1039 : vector<16xf32>
      %select_n3A_1050 = arith.select %lt3A_1049, %get3A_1048, %scan3A_1039 : vector<16xi1>, vector<16xf32>
      %add3A_1051 = arith.constant 0 : i32
      %add3A_1052 = vector.broadcast %add3A_1051 : i32 to vector<16xi32>
      %add3A_1053 = arith.addi %scan3A_1041, %add3A_1052 : vector<16xi32>
      %select_n3A_1054 = arith.select %lt3A_1049, %add3A_1053, %scan3A_1040 : vector<16xi1>, vector<16xi32>
      %mul3A_1055 = arith.constant 4 : i32
      %mul3A_1056 = arith.muli %scan3A_1038, %mul3A_1055 : i32
      %add3A_1057 = arith.constant 1 : i32
      %add3A_1058 = arith.addi %mul3A_1056, %add3A_1057 : i32
      %mul3A_1059 = arith.constant 16 : i32
      %mul3A_1060 = arith.muli %add3A_1058, %mul3A_1059 : i32
      %get3A_1061 = arith.index_cast %mul3A_1060 : i32 to index
      %get3A_1062 = tpu.vector_load %arg6[%get3A_1061] {strides = array<i32>} : memref<16384xf32, #tpu.memory_space<vmem>>, vector<16xf32>,
      %lt3A_1063 = arith.cmpf olt, %get3A_1062, %select_n3A_1050 : vector<16xf32>
      %select_n3A_1064 = arith.select %lt3A_1063, %get3A_1062, %select_n3A_1050 : vector<16xi1>, vector<16xf32>
      %add3A_1065 = arith.constant 1 : i32
      %add3A_1066 = vector.broadcast %add3A_1065 : i32 to vector<16xi32>
      %add3A_1067 = arith.addi %scan3A_1041, %add3A_1066 : vector<16xi32>
      %select_n3A_1068 = arith.select %lt3A_1063, %add3A_1067, %select_n3A_1054 : vector<16xi1>, vector<16xi32>
      %mul3A_1069 = arith.constant 4 : i32
      %mul3A_1070 = arith.muli %scan3A_1038, %mul3A_1069 : i32
      %add3A_1071 = arith.constant 2 : i32
      %add3A_1072 = arith.addi %mul3A_1070, %add3A_1071 : i32
      %mul3A_1073 = arith.constant 16 : i32
      %mul3A_1074 = arith.muli %add3A_1072, %mul3A_1073 : i32
      %get3A_1075 = arith.index_cast %mul3A_1074 : i32 to index
      %get3A_1076 = tpu.vector_load %arg6[%get3A_1075] {strides = array<i32>} : memref<16384xf32, #tpu.memory_space<vmem>>, vector<16xf32>,
      %lt3A_1077 = arith.cmpf olt, %get3A_1076, %select_n3A_1064 : vector<16xf32>
      %select_n3A_1078 = arith.select %lt3A_1077, %get3A_1076, %select_n3A_1064 : vector<16xi1>, vector<16xf32>
      %add3A_1079 = arith.constant 2 : i32
      %add3A_1080 = vector.broadcast %add3A_1079 : i32 to vector<16xi32>
      %add3A_1081 = arith.addi %scan3A_1041, %add3A_1080 : vector<16xi32>
      %select_n3A_1082 = arith.select %lt3A_1077, %add3A_1081, %select_n3A_1068 : vector<16xi1>, vector<16xi32>
      %mul3A_1083 = arith.constant 4 : i32
      %mul3A_1084 = arith.muli %scan3A_1038, %mul3A_1083 : i32
      %add3A_1085 = arith.constant 3 : i32
      %add3A_1086 = arith.addi %mul3A_1084, %add3A_1085 : i32
      %mul3A_1087 = arith.constant 16 : i32
      %mul3A_1088 = arith.muli %add3A_1086, %mul3A_1087 : i32
      %get3A_1089 = arith.index_cast %mul3A_1088 : i32 to index
      %get3A_1090 = tpu.vector_load %arg6[%get3A_1089] {strides = array<i32>} : memref<16384xf32, #tpu.memory_space<vmem>>, vector<16xf32>,
      %lt3A_1091 = arith.cmpf olt, %get3A_1090, %select_n3A_1078 : vector<16xf32>
      %select_n3A_1092 = arith.select %lt3A_1091, %get3A_1090, %select_n3A_1078 : vector<16xi1>, vector<16xf32>
      %add3A_1093 = arith.constant 3 : i32
      %add3A_1094 = vector.broadcast %add3A_1093 : i32 to vector<16xi32>
      %add3A_1095 = arith.addi %scan3A_1041, %add3A_1094 : vector<16xi32>
      %select_n3A_1096 = arith.select %lt3A_1091, %add3A_1095, %select_n3A_1082 : vector<16xi1>, vector<16xi32>
      %add3A_1097 = arith.constant 4 : i32
      %add3A_1098 = vector.broadcast %add3A_1097 : i32 to vector<16xi32>
      %add3A_1099 = arith.addi %scan3A_1041, %add3A_1098 : vector<16xi32>
      scf.yield %select_n3A_1092, %select_n3A_1096, %add3A_1099 : vector<16xf32>, vector<16xi32>, vector<16xi32>
    }
    %scan3A_466 = arith.constant 256 : i32
    %mul3A_467 = arith.constant 16 : i32
    %mul3A_468 = vector.broadcast %mul3A_467 : i32 to vector<16xi32>
    %mul3A_469 = arith.muli %scan3A_465#1, %mul3A_468 : vector<16xi32>
    %add3A_470 = arith.addi %mul3A_469, %iota3A : vector<16xi32>
    %swap3A_471 = arith.constant 0 : index
    %swap3A_472 = tpu.vector_load %arg10[%swap3A_471] {strides = array<i32>} : memref<16xf32, #tpu.memory_space<vmem>>, vector<16xf32>,
    tpu.vector_store %arg10[%swap3A_471], %scan3A_465#0 {strides = array<i32>} : memref<16xf32, #tpu.memory_space<vmem>>, vector<16xf32>,
    %swap3A_473 = arith.constant 0 : index
    %swap3A_474 = tpu.vector_load %arg11[%swap3A_473] {strides = array<i32>} : memref<16xi32, #tpu.memory_space<vmem>>, vector<16xi32>,
    tpu.vector_store %arg11[%swap3A_473], %add3A_470 {strides = array<i32>} : memref<16xi32, #tpu.memory_space<vmem>>, vector<16xi32>,
    %xor3A_475 = arith.constant 1 : i32
    %xor3A_476 = vector.broadcast %xor3A_475 : i32 to vector<16xi32>
    %xor3A_477 = arith.xori %iota3A, %xor3A_476 : vector<16xi32>
    %gather3A_478 = tpu.vector_load_idx %arg10[%xor3A_477] : memref<16xf32, #tpu.memory_space<vmem>>[vector<16xi32>], vector<16xf32>,
    %xor3A_479 = arith.constant 1 : i32
    %xor3A_480 = vector.broadcast %xor3A_479 : i32 to vector<16xi32>
    %xor3A_481 = arith.xori %iota3A, %xor3A_480 : vector<16xi32>
    %gather3A_482 = tpu.vector_load_idx %arg11[%xor3A_481] : memref<16xi32, #tpu.memory_space<vmem>>[vector<16xi32>], vector<16xi32>,
    %lt3A_483 = arith.cmpf olt, %gather3A_478, %scan3A_465#0 : vector<16xf32>
    %eq3A_484 = arith.cmpf oeq, %gather3A_478, %scan3A_465#0 : vector<16xf32>
    %lt3A_485 = arith.cmpi slt, %gather3A_482, %add3A_470 : vector<16xi32>
    %and3A_486 = arith.andi %eq3A_484, %lt3A_485 : vector<16xi1>
    %or3A_487 = arith.ori %lt3A_483, %and3A_486 : vector<16xi1>
    %select_n3A_488 = arith.select %or3A_487, %gather3A_478, %scan3A_465#0 : vector<16xi1>, vector<16xf32>
    %select_n3A_489 = arith.select %or3A_487, %gather3A_482, %add3A_470 : vector<16xi1>, vector<16xi32>
    %swap3A_490 = arith.constant 0 : index
    %swap3A_491 = tpu.vector_load %arg10[%swap3A_490] {strides = array<i32>} : memref<16xf32, #tpu.memory_space<vmem>>, vector<16xf32>,
    tpu.vector_store %arg10[%swap3A_490], %select_n3A_488 {strides = array<i32>} : memref<16xf32, #tpu.memory_space<vmem>>, vector<16xf32>,
    %swap3A_492 = arith.constant 0 : index
    %swap3A_493 = tpu.vector_load %arg11[%swap3A_492] {strides = array<i32>} : memref<16xi32, #tpu.memory_space<vmem>>, vector<16xi32>,
    tpu.vector_store %arg11[%swap3A_492], %select_n3A_489 {strides = array<i32>} : memref<16xi32, #tpu.memory_space<vmem>>, vector<16xi32>,
    %xor3A_494 = arith.constant 2 : i32
    %xor3A_495 = vector.broadcast %xor3A_494 : i32 to vector<16xi32>
    %xor3A_496 = arith.xori %iota3A, %xor3A_495 : vector<16xi32>
    %gather3A_497 = tpu.vector_load_idx %arg10[%xor3A_496] : memref<16xf32, #tpu.memory_space<vmem>>[vector<16xi32>], vector<16xf32>,
    %xor3A_498 = arith.constant 2 : i32
    %xor3A_499 = vector.broadcast %xor3A_498 : i32 to vector<16xi32>
    %xor3A_500 = arith.xori %iota3A, %xor3A_499 : vector<16xi32>
    %gather3A_501 = tpu.vector_load_idx %arg11[%xor3A_500] : memref<16xi32, #tpu.memory_space<vmem>>[vector<16xi32>], vector<16xi32>,
    %lt3A_502 = arith.cmpf olt, %gather3A_497, %select_n3A_488 : vector<16xf32>
    %eq3A_503 = arith.cmpf oeq, %gather3A_497, %select_n3A_488 : vector<16xf32>
    %lt3A_504 = arith.cmpi slt, %gather3A_501, %select_n3A_489 : vector<16xi32>
    %and3A_505 = arith.andi %eq3A_503, %lt3A_504 : vector<16xi1>
    %or3A_506 = arith.ori %lt3A_502, %and3A_505 : vector<16xi1>
    %select_n3A_507 = arith.select %or3A_506, %gather3A_497, %select_n3A_488 : vector<16xi1>, vector<16xf32>
    %select_n3A_508 = arith.select %or3A_506, %gather3A_501, %select_n3A_489 : vector<16xi1>, vector<16xi32>
    %swap3A_509 = arith.constant 0 : index
    %swap3A_510 = tpu.vector_load %arg10[%swap3A_509] {strides = array<i32>} : memref<16xf32, #tpu.memory_space<vmem>>, vector<16xf32>,
    tpu.vector_store %arg10[%swap3A_509], %select_n3A_507 {strides = array<i32>} : memref<16xf32, #tpu.memory_space<vmem>>, vector<16xf32>,
    %swap3A_511 = arith.constant 0 : index
    %swap3A_512 = tpu.vector_load %arg11[%swap3A_511] {strides = array<i32>} : memref<16xi32, #tpu.memory_space<vmem>>, vector<16xi32>,
    tpu.vector_store %arg11[%swap3A_511], %select_n3A_508 {strides = array<i32>} : memref<16xi32, #tpu.memory_space<vmem>>, vector<16xi32>,
    %xor3A_513 = arith.constant 4 : i32
    %xor3A_514 = vector.broadcast %xor3A_513 : i32 to vector<16xi32>
    %xor3A_515 = arith.xori %iota3A, %xor3A_514 : vector<16xi32>
    %gather3A_516 = tpu.vector_load_idx %arg10[%xor3A_515] : memref<16xf32, #tpu.memory_space<vmem>>[vector<16xi32>], vector<16xf32>,
    %xor3A_517 = arith.constant 4 : i32
    %xor3A_518 = vector.broadcast %xor3A_517 : i32 to vector<16xi32>
    %xor3A_519 = arith.xori %iota3A, %xor3A_518 : vector<16xi32>
    %gather3A_520 = tpu.vector_load_idx %arg11[%xor3A_519] : memref<16xi32, #tpu.memory_space<vmem>>[vector<16xi32>], vector<16xi32>,
    %lt3A_521 = arith.cmpf olt, %gather3A_516, %select_n3A_507 : vector<16xf32>
    %eq3A_522 = arith.cmpf oeq, %gather3A_516, %select_n3A_507 : vector<16xf32>
    %lt3A_523 = arith.cmpi slt, %gather3A_520, %select_n3A_508 : vector<16xi32>
    %and3A_524 = arith.andi %eq3A_522, %lt3A_523 : vector<16xi1>
    %or3A_525 = arith.ori %lt3A_521, %and3A_524 : vector<16xi1>
    %select_n3A_526 = arith.select %or3A_525, %gather3A_516, %select_n3A_507 : vector<16xi1>, vector<16xf32>
    %select_n3A_527 = arith.select %or3A_525, %gather3A_520, %select_n3A_508 : vector<16xi1>, vector<16xi32>
    %swap3A_528 = arith.constant 0 : index
    %swap3A_529 = tpu.vector_load %arg10[%swap3A_528] {strides = array<i32>} : memref<16xf32, #tpu.memory_space<vmem>>, vector<16xf32>,
    tpu.vector_store %arg10[%swap3A_528], %select_n3A_526 {strides = array<i32>} : memref<16xf32, #tpu.memory_space<vmem>>, vector<16xf32>,
    %swap3A_530 = arith.constant 0 : index
    %swap3A_531 = tpu.vector_load %arg11[%swap3A_530] {strides = array<i32>} : memref<16xi32, #tpu.memory_space<vmem>>, vector<16xi32>,
    tpu.vector_store %arg11[%swap3A_530], %select_n3A_527 {strides = array<i32>} : memref<16xi32, #tpu.memory_space<vmem>>, vector<16xi32>,
    %xor3A_532 = arith.constant 8 : i32
    %xor3A_533 = vector.broadcast %xor3A_532 : i32 to vector<16xi32>
    %xor3A_534 = arith.xori %iota3A, %xor3A_533 : vector<16xi32>
    %gather3A_535 = tpu.vector_load_idx %arg10[%xor3A_534] : memref<16xf32, #tpu.memory_space<vmem>>[vector<16xi32>], vector<16xf32>,
    %xor3A_536 = arith.constant 8 : i32
    %xor3A_537 = vector.broadcast %xor3A_536 : i32 to vector<16xi32>
    %xor3A_538 = arith.xori %iota3A, %xor3A_537 : vector<16xi32>
    %gather3A_539 = tpu.vector_load_idx %arg11[%xor3A_538] : memref<16xi32, #tpu.memory_space<vmem>>[vector<16xi32>], vector<16xi32>,
    %lt3A_540 = arith.cmpf olt, %gather3A_535, %select_n3A_526 : vector<16xf32>
    %eq3A_541 = arith.cmpf oeq, %gather3A_535, %select_n3A_526 : vector<16xf32>
    %lt3A_542 = arith.cmpi slt, %gather3A_539, %select_n3A_527 : vector<16xi32>
    %and3A_543 = arith.andi %eq3A_541, %lt3A_542 : vector<16xi1>
    %or3A_544 = arith.ori %lt3A_540, %and3A_543 : vector<16xi1>
    %select_n3A_545 = arith.select %or3A_544, %gather3A_535, %select_n3A_526 : vector<16xi1>, vector<16xf32>
    %select_n3A_546 = arith.select %or3A_544, %gather3A_539, %select_n3A_527 : vector<16xi1>, vector<16xi32>
    %gather3A_547 = tpu.vector_load_idx %arg7[%select_n3A_546] : memref<16384xf32, #tpu.memory_space<vmem>>[vector<16xi32>], vector<16xf32>,
    %eq3A_548 = arith.constant 4 : i32
    %eq3A_549 = vector.broadcast %eq3A_548 : i32 to vector<16xi32>
    %eq3A_550 = arith.cmpi eq, %iota3A, %eq3A_549 : vector<16xi32>
    %select_n3A_551 = arith.select %eq3A_550, %gather3A_547, %select_n3A_449 : vector<16xi1>, vector<16xf32>
    %broadcast_in_dim3A_552 = arith.constant 0x7F800000 : f32
    %broadcast_in_dim3A_553 = vector.broadcast %broadcast_in_dim3A_552 : f32 to vector<16xf32>
    %eq3A_554 = arith.constant 0 : i32
    %eq3A_555 = vector.broadcast %eq3A_554 : i32 to vector<16xi32>
    %eq3A_556 = arith.cmpi eq, %iota3A, %eq3A_555 : vector<16xi32>
    tpu.vector_store_idx %arg6[%select_n3A_546], %broadcast_in_dim3A_553 masked %eq3A_556 : memref<16384xf32, #tpu.memory_space<vmem>>[vector<16xi32>], vector<16xf32>, vector<16xi1>
    %broadcast_in_dim3A_557 = arith.constant 0x7F800000 : f32
    %broadcast_in_dim3A_558 = vector.broadcast %broadcast_in_dim3A_557 : f32 to vector<16xf32>
    %broadcast_in_dim3A_559 = arith.constant 0 : i32
    %broadcast_in_dim3A_560 = vector.broadcast %broadcast_in_dim3A_559 : i32 to vector<16xi32>
    %broadcast_in_dim3A_561 = arith.constant 0 : i32
    %broadcast_in_dim3A_562 = vector.broadcast %broadcast_in_dim3A_561 : i32 to vector<16xi32>
    %scan3A_563 = arith.constant 0 : i32
    %scan3A_564 = arith.constant 256 : i32
    %scan3A_565 = arith.addi %scan3A_563, %scan3A_564 : i32
    %scan3A_566 = arith.constant 1 : i32
    %scan3A_567:3 = scf.for %scan3A_1038 = %scan3A_563 to %scan3A_565 step %scan3A_566 iter_args(%scan3A_1039 = %broadcast_in_dim3A_558, %scan3A_1040 = %broadcast_in_dim3A_560, %scan3A_1041 = %broadcast_in_dim3A_562) -> (vector<16xf32>, vector<16xi32>, vector<16xi32>)  : i32 {
      %mul3A_1042 = arith.constant 4 : i32
      %mul3A_1043 = arith.muli %scan3A_1038, %mul3A_1042 : i32
      %add3A_1044 = arith.constant 0 : i32
      %add3A_1045 = arith.addi %mul3A_1043, %add3A_1044 : i32
      %mul3A_1046 = arith.constant 16 : i32
      %mul3A_1047 = arith.muli %add3A_1045, %mul3A_1046 : i32
      %get3A = arith.index_cast %mul3A_1047 : i32 to index
      %get3A_1048 = tpu.vector_load %arg6[%get3A] {strides = array<i32>} : memref<16384xf32, #tpu.memory_space<vmem>>, vector<16xf32>,
      %lt3A_1049 = arith.cmpf olt, %get3A_1048, %scan3A_1039 : vector<16xf32>
      %select_n3A_1050 = arith.select %lt3A_1049, %get3A_1048, %scan3A_1039 : vector<16xi1>, vector<16xf32>
      %add3A_1051 = arith.constant 0 : i32
      %add3A_1052 = vector.broadcast %add3A_1051 : i32 to vector<16xi32>
      %add3A_1053 = arith.addi %scan3A_1041, %add3A_1052 : vector<16xi32>
      %select_n3A_1054 = arith.select %lt3A_1049, %add3A_1053, %scan3A_1040 : vector<16xi1>, vector<16xi32>
      %mul3A_1055 = arith.constant 4 : i32
      %mul3A_1056 = arith.muli %scan3A_1038, %mul3A_1055 : i32
      %add3A_1057 = arith.constant 1 : i32
      %add3A_1058 = arith.addi %mul3A_1056, %add3A_1057 : i32
      %mul3A_1059 = arith.constant 16 : i32
      %mul3A_1060 = arith.muli %add3A_1058, %mul3A_1059 : i32
      %get3A_1061 = arith.index_cast %mul3A_1060 : i32 to index
      %get3A_1062 = tpu.vector_load %arg6[%get3A_1061] {strides = array<i32>} : memref<16384xf32, #tpu.memory_space<vmem>>, vector<16xf32>,
      %lt3A_1063 = arith.cmpf olt, %get3A_1062, %select_n3A_1050 : vector<16xf32>
      %select_n3A_1064 = arith.select %lt3A_1063, %get3A_1062, %select_n3A_1050 : vector<16xi1>, vector<16xf32>
      %add3A_1065 = arith.constant 1 : i32
      %add3A_1066 = vector.broadcast %add3A_1065 : i32 to vector<16xi32>
      %add3A_1067 = arith.addi %scan3A_1041, %add3A_1066 : vector<16xi32>
      %select_n3A_1068 = arith.select %lt3A_1063, %add3A_1067, %select_n3A_1054 : vector<16xi1>, vector<16xi32>
      %mul3A_1069 = arith.constant 4 : i32
      %mul3A_1070 = arith.muli %scan3A_1038, %mul3A_1069 : i32
      %add3A_1071 = arith.constant 2 : i32
      %add3A_1072 = arith.addi %mul3A_1070, %add3A_1071 : i32
      %mul3A_1073 = arith.constant 16 : i32
      %mul3A_1074 = arith.muli %add3A_1072, %mul3A_1073 : i32
      %get3A_1075 = arith.index_cast %mul3A_1074 : i32 to index
      %get3A_1076 = tpu.vector_load %arg6[%get3A_1075] {strides = array<i32>} : memref<16384xf32, #tpu.memory_space<vmem>>, vector<16xf32>,
      %lt3A_1077 = arith.cmpf olt, %get3A_1076, %select_n3A_1064 : vector<16xf32>
      %select_n3A_1078 = arith.select %lt3A_1077, %get3A_1076, %select_n3A_1064 : vector<16xi1>, vector<16xf32>
      %add3A_1079 = arith.constant 2 : i32
      %add3A_1080 = vector.broadcast %add3A_1079 : i32 to vector<16xi32>
      %add3A_1081 = arith.addi %scan3A_1041, %add3A_1080 : vector<16xi32>
      %select_n3A_1082 = arith.select %lt3A_1077, %add3A_1081, %select_n3A_1068 : vector<16xi1>, vector<16xi32>
      %mul3A_1083 = arith.constant 4 : i32
      %mul3A_1084 = arith.muli %scan3A_1038, %mul3A_1083 : i32
      %add3A_1085 = arith.constant 3 : i32
      %add3A_1086 = arith.addi %mul3A_1084, %add3A_1085 : i32
      %mul3A_1087 = arith.constant 16 : i32
      %mul3A_1088 = arith.muli %add3A_1086, %mul3A_1087 : i32
      %get3A_1089 = arith.index_cast %mul3A_1088 : i32 to index
      %get3A_1090 = tpu.vector_load %arg6[%get3A_1089] {strides = array<i32>} : memref<16384xf32, #tpu.memory_space<vmem>>, vector<16xf32>,
      %lt3A_1091 = arith.cmpf olt, %get3A_1090, %select_n3A_1078 : vector<16xf32>
      %select_n3A_1092 = arith.select %lt3A_1091, %get3A_1090, %select_n3A_1078 : vector<16xi1>, vector<16xf32>
      %add3A_1093 = arith.constant 3 : i32
      %add3A_1094 = vector.broadcast %add3A_1093 : i32 to vector<16xi32>
      %add3A_1095 = arith.addi %scan3A_1041, %add3A_1094 : vector<16xi32>
      %select_n3A_1096 = arith.select %lt3A_1091, %add3A_1095, %select_n3A_1082 : vector<16xi1>, vector<16xi32>
      %add3A_1097 = arith.constant 4 : i32
      %add3A_1098 = vector.broadcast %add3A_1097 : i32 to vector<16xi32>
      %add3A_1099 = arith.addi %scan3A_1041, %add3A_1098 : vector<16xi32>
      scf.yield %select_n3A_1092, %select_n3A_1096, %add3A_1099 : vector<16xf32>, vector<16xi32>, vector<16xi32>
    }
    %scan3A_568 = arith.constant 256 : i32
    %mul3A_569 = arith.constant 16 : i32
    %mul3A_570 = vector.broadcast %mul3A_569 : i32 to vector<16xi32>
    %mul3A_571 = arith.muli %scan3A_567#1, %mul3A_570 : vector<16xi32>
    %add3A_572 = arith.addi %mul3A_571, %iota3A : vector<16xi32>
    %swap3A_573 = arith.constant 0 : index
    %swap3A_574 = tpu.vector_load %arg10[%swap3A_573] {strides = array<i32>} : memref<16xf32, #tpu.memory_space<vmem>>, vector<16xf32>,
    tpu.vector_store %arg10[%swap3A_573], %scan3A_567#0 {strides = array<i32>} : memref<16xf32, #tpu.memory_space<vmem>>, vector<16xf32>,
    %swap3A_575 = arith.constant 0 : index
    %swap3A_576 = tpu.vector_load %arg11[%swap3A_575] {strides = array<i32>} : memref<16xi32, #tpu.memory_space<vmem>>, vector<16xi32>,
    tpu.vector_store %arg11[%swap3A_575], %add3A_572 {strides = array<i32>} : memref<16xi32, #tpu.memory_space<vmem>>, vector<16xi32>,
    %xor3A_577 = arith.constant 1 : i32
    %xor3A_578 = vector.broadcast %xor3A_577 : i32 to vector<16xi32>
    %xor3A_579 = arith.xori %iota3A, %xor3A_578 : vector<16xi32>
    %gather3A_580 = tpu.vector_load_idx %arg10[%xor3A_579] : memref<16xf32, #tpu.memory_space<vmem>>[vector<16xi32>], vector<16xf32>,
    %xor3A_581 = arith.constant 1 : i32
    %xor3A_582 = vector.broadcast %xor3A_581 : i32 to vector<16xi32>
    %xor3A_583 = arith.xori %iota3A, %xor3A_582 : vector<16xi32>
    %gather3A_584 = tpu.vector_load_idx %arg11[%xor3A_583] : memref<16xi32, #tpu.memory_space<vmem>>[vector<16xi32>], vector<16xi32>,
    %lt3A_585 = arith.cmpf olt, %gather3A_580, %scan3A_567#0 : vector<16xf32>
    %eq3A_586 = arith.cmpf oeq, %gather3A_580, %scan3A_567#0 : vector<16xf32>
    %lt3A_587 = arith.cmpi slt, %gather3A_584, %add3A_572 : vector<16xi32>
    %and3A_588 = arith.andi %eq3A_586, %lt3A_587 : vector<16xi1>
    %or3A_589 = arith.ori %lt3A_585, %and3A_588 : vector<16xi1>
    %select_n3A_590 = arith.select %or3A_589, %gather3A_580, %scan3A_567#0 : vector<16xi1>, vector<16xf32>
    %select_n3A_591 = arith.select %or3A_589, %gather3A_584, %add3A_572 : vector<16xi1>, vector<16xi32>
    %swap3A_592 = arith.constant 0 : index
    %swap3A_593 = tpu.vector_load %arg10[%swap3A_592] {strides = array<i32>} : memref<16xf32, #tpu.memory_space<vmem>>, vector<16xf32>,
    tpu.vector_store %arg10[%swap3A_592], %select_n3A_590 {strides = array<i32>} : memref<16xf32, #tpu.memory_space<vmem>>, vector<16xf32>,
    %swap3A_594 = arith.constant 0 : index
    %swap3A_595 = tpu.vector_load %arg11[%swap3A_594] {strides = array<i32>} : memref<16xi32, #tpu.memory_space<vmem>>, vector<16xi32>,
    tpu.vector_store %arg11[%swap3A_594], %select_n3A_591 {strides = array<i32>} : memref<16xi32, #tpu.memory_space<vmem>>, vector<16xi32>,
    %xor3A_596 = arith.constant 2 : i32
    %xor3A_597 = vector.broadcast %xor3A_596 : i32 to vector<16xi32>
    %xor3A_598 = arith.xori %iota3A, %xor3A_597 : vector<16xi32>
    %gather3A_599 = tpu.vector_load_idx %arg10[%xor3A_598] : memref<16xf32, #tpu.memory_space<vmem>>[vector<16xi32>], vector<16xf32>,
    %xor3A_600 = arith.constant 2 : i32
    %xor3A_601 = vector.broadcast %xor3A_600 : i32 to vector<16xi32>
    %xor3A_602 = arith.xori %iota3A, %xor3A_601 : vector<16xi32>
    %gather3A_603 = tpu.vector_load_idx %arg11[%xor3A_602] : memref<16xi32, #tpu.memory_space<vmem>>[vector<16xi32>], vector<16xi32>,
    %lt3A_604 = arith.cmpf olt, %gather3A_599, %select_n3A_590 : vector<16xf32>
    %eq3A_605 = arith.cmpf oeq, %gather3A_599, %select_n3A_590 : vector<16xf32>
    %lt3A_606 = arith.cmpi slt, %gather3A_603, %select_n3A_591 : vector<16xi32>
    %and3A_607 = arith.andi %eq3A_605, %lt3A_606 : vector<16xi1>
    %or3A_608 = arith.ori %lt3A_604, %and3A_607 : vector<16xi1>
    %select_n3A_609 = arith.select %or3A_608, %gather3A_599, %select_n3A_590 : vector<16xi1>, vector<16xf32>
    %select_n3A_610 = arith.select %or3A_608, %gather3A_603, %select_n3A_591 : vector<16xi1>, vector<16xi32>
    %swap3A_611 = arith.constant 0 : index
    %swap3A_612 = tpu.vector_load %arg10[%swap3A_611] {strides = array<i32>} : memref<16xf32, #tpu.memory_space<vmem>>, vector<16xf32>,
    tpu.vector_store %arg10[%swap3A_611], %select_n3A_609 {strides = array<i32>} : memref<16xf32, #tpu.memory_space<vmem>>, vector<16xf32>,
    %swap3A_613 = arith.constant 0 : index
    %swap3A_614 = tpu.vector_load %arg11[%swap3A_613] {strides = array<i32>} : memref<16xi32, #tpu.memory_space<vmem>>, vector<16xi32>,
    tpu.vector_store %arg11[%swap3A_613], %select_n3A_610 {strides = array<i32>} : memref<16xi32, #tpu.memory_space<vmem>>, vector<16xi32>,
    %xor3A_615 = arith.constant 4 : i32
    %xor3A_616 = vector.broadcast %xor3A_615 : i32 to vector<16xi32>
    %xor3A_617 = arith.xori %iota3A, %xor3A_616 : vector<16xi32>
    %gather3A_618 = tpu.vector_load_idx %arg10[%xor3A_617] : memref<16xf32, #tpu.memory_space<vmem>>[vector<16xi32>], vector<16xf32>,
    %xor3A_619 = arith.constant 4 : i32
    %xor3A_620 = vector.broadcast %xor3A_619 : i32 to vector<16xi32>
    %xor3A_621 = arith.xori %iota3A, %xor3A_620 : vector<16xi32>
    %gather3A_622 = tpu.vector_load_idx %arg11[%xor3A_621] : memref<16xi32, #tpu.memory_space<vmem>>[vector<16xi32>], vector<16xi32>,
    %lt3A_623 = arith.cmpf olt, %gather3A_618, %select_n3A_609 : vector<16xf32>
    %eq3A_624 = arith.cmpf oeq, %gather3A_618, %select_n3A_609 : vector<16xf32>
    %lt3A_625 = arith.cmpi slt, %gather3A_622, %select_n3A_610 : vector<16xi32>
    %and3A_626 = arith.andi %eq3A_624, %lt3A_625 : vector<16xi1>
    %or3A_627 = arith.ori %lt3A_623, %and3A_626 : vector<16xi1>
    %select_n3A_628 = arith.select %or3A_627, %gather3A_618, %select_n3A_609 : vector<16xi1>, vector<16xf32>
    %select_n3A_629 = arith.select %or3A_627, %gather3A_622, %select_n3A_610 : vector<16xi1>, vector<16xi32>
    %swap3A_630 = arith.constant 0 : index
    %swap3A_631 = tpu.vector_load %arg10[%swap3A_630] {strides = array<i32>} : memref<16xf32, #tpu.memory_space<vmem>>, vector<16xf32>,
    tpu.vector_store %arg10[%swap3A_630], %select_n3A_628 {strides = array<i32>} : memref<16xf32, #tpu.memory_space<vmem>>, vector<16xf32>,
    %swap3A_632 = arith.constant 0 : index
    %swap3A_633 = tpu.vector_load %arg11[%swap3A_632] {strides = array<i32>} : memref<16xi32, #tpu.memory_space<vmem>>, vector<16xi32>,
    tpu.vector_store %arg11[%swap3A_632], %select_n3A_629 {strides = array<i32>} : memref<16xi32, #tpu.memory_space<vmem>>, vector<16xi32>,
    %xor3A_634 = arith.constant 8 : i32
    %xor3A_635 = vector.broadcast %xor3A_634 : i32 to vector<16xi32>
    %xor3A_636 = arith.xori %iota3A, %xor3A_635 : vector<16xi32>
    %gather3A_637 = tpu.vector_load_idx %arg10[%xor3A_636] : memref<16xf32, #tpu.memory_space<vmem>>[vector<16xi32>], vector<16xf32>,
    %xor3A_638 = arith.constant 8 : i32
    %xor3A_639 = vector.broadcast %xor3A_638 : i32 to vector<16xi32>
    %xor3A_640 = arith.xori %iota3A, %xor3A_639 : vector<16xi32>
    %gather3A_641 = tpu.vector_load_idx %arg11[%xor3A_640] : memref<16xi32, #tpu.memory_space<vmem>>[vector<16xi32>], vector<16xi32>,
    %lt3A_642 = arith.cmpf olt, %gather3A_637, %select_n3A_628 : vector<16xf32>
    %eq3A_643 = arith.cmpf oeq, %gather3A_637, %select_n3A_628 : vector<16xf32>
    %lt3A_644 = arith.cmpi slt, %gather3A_641, %select_n3A_629 : vector<16xi32>
    %and3A_645 = arith.andi %eq3A_643, %lt3A_644 : vector<16xi1>
    %or3A_646 = arith.ori %lt3A_642, %and3A_645 : vector<16xi1>
    %select_n3A_647 = arith.select %or3A_646, %gather3A_637, %select_n3A_628 : vector<16xi1>, vector<16xf32>
    %select_n3A_648 = arith.select %or3A_646, %gather3A_641, %select_n3A_629 : vector<16xi1>, vector<16xi32>
    %gather3A_649 = tpu.vector_load_idx %arg7[%select_n3A_648] : memref<16384xf32, #tpu.memory_space<vmem>>[vector<16xi32>], vector<16xf32>,
    %eq3A_650 = arith.constant 5 : i32
    %eq3A_651 = vector.broadcast %eq3A_650 : i32 to vector<16xi32>
    %eq3A_652 = arith.cmpi eq, %iota3A, %eq3A_651 : vector<16xi32>
    %select_n3A_653 = arith.select %eq3A_652, %gather3A_649, %select_n3A_551 : vector<16xi1>, vector<16xf32>
    %broadcast_in_dim3A_654 = arith.constant 0x7F800000 : f32
    %broadcast_in_dim3A_655 = vector.broadcast %broadcast_in_dim3A_654 : f32 to vector<16xf32>
    %eq3A_656 = arith.constant 0 : i32
    %eq3A_657 = vector.broadcast %eq3A_656 : i32 to vector<16xi32>
    %eq3A_658 = arith.cmpi eq, %iota3A, %eq3A_657 : vector<16xi32>
    tpu.vector_store_idx %arg6[%select_n3A_648], %broadcast_in_dim3A_655 masked %eq3A_658 : memref<16384xf32, #tpu.memory_space<vmem>>[vector<16xi32>], vector<16xf32>, vector<16xi1>
    %broadcast_in_dim3A_659 = arith.constant 0x7F800000 : f32
    %broadcast_in_dim3A_660 = vector.broadcast %broadcast_in_dim3A_659 : f32 to vector<16xf32>
    %broadcast_in_dim3A_661 = arith.constant 0 : i32
    %broadcast_in_dim3A_662 = vector.broadcast %broadcast_in_dim3A_661 : i32 to vector<16xi32>
    %broadcast_in_dim3A_663 = arith.constant 0 : i32
    %broadcast_in_dim3A_664 = vector.broadcast %broadcast_in_dim3A_663 : i32 to vector<16xi32>
    %scan3A_665 = arith.constant 0 : i32
    %scan3A_666 = arith.constant 256 : i32
    %scan3A_667 = arith.addi %scan3A_665, %scan3A_666 : i32
    %scan3A_668 = arith.constant 1 : i32
    %scan3A_669:3 = scf.for %scan3A_1038 = %scan3A_665 to %scan3A_667 step %scan3A_668 iter_args(%scan3A_1039 = %broadcast_in_dim3A_660, %scan3A_1040 = %broadcast_in_dim3A_662, %scan3A_1041 = %broadcast_in_dim3A_664) -> (vector<16xf32>, vector<16xi32>, vector<16xi32>)  : i32 {
      %mul3A_1042 = arith.constant 4 : i32
      %mul3A_1043 = arith.muli %scan3A_1038, %mul3A_1042 : i32
      %add3A_1044 = arith.constant 0 : i32
      %add3A_1045 = arith.addi %mul3A_1043, %add3A_1044 : i32
      %mul3A_1046 = arith.constant 16 : i32
      %mul3A_1047 = arith.muli %add3A_1045, %mul3A_1046 : i32
      %get3A = arith.index_cast %mul3A_1047 : i32 to index
      %get3A_1048 = tpu.vector_load %arg6[%get3A] {strides = array<i32>} : memref<16384xf32, #tpu.memory_space<vmem>>, vector<16xf32>,
      %lt3A_1049 = arith.cmpf olt, %get3A_1048, %scan3A_1039 : vector<16xf32>
      %select_n3A_1050 = arith.select %lt3A_1049, %get3A_1048, %scan3A_1039 : vector<16xi1>, vector<16xf32>
      %add3A_1051 = arith.constant 0 : i32
      %add3A_1052 = vector.broadcast %add3A_1051 : i32 to vector<16xi32>
      %add3A_1053 = arith.addi %scan3A_1041, %add3A_1052 : vector<16xi32>
      %select_n3A_1054 = arith.select %lt3A_1049, %add3A_1053, %scan3A_1040 : vector<16xi1>, vector<16xi32>
      %mul3A_1055 = arith.constant 4 : i32
      %mul3A_1056 = arith.muli %scan3A_1038, %mul3A_1055 : i32
      %add3A_1057 = arith.constant 1 : i32
      %add3A_1058 = arith.addi %mul3A_1056, %add3A_1057 : i32
      %mul3A_1059 = arith.constant 16 : i32
      %mul3A_1060 = arith.muli %add3A_1058, %mul3A_1059 : i32
      %get3A_1061 = arith.index_cast %mul3A_1060 : i32 to index
      %get3A_1062 = tpu.vector_load %arg6[%get3A_1061] {strides = array<i32>} : memref<16384xf32, #tpu.memory_space<vmem>>, vector<16xf32>,
      %lt3A_1063 = arith.cmpf olt, %get3A_1062, %select_n3A_1050 : vector<16xf32>
      %select_n3A_1064 = arith.select %lt3A_1063, %get3A_1062, %select_n3A_1050 : vector<16xi1>, vector<16xf32>
      %add3A_1065 = arith.constant 1 : i32
      %add3A_1066 = vector.broadcast %add3A_1065 : i32 to vector<16xi32>
      %add3A_1067 = arith.addi %scan3A_1041, %add3A_1066 : vector<16xi32>
      %select_n3A_1068 = arith.select %lt3A_1063, %add3A_1067, %select_n3A_1054 : vector<16xi1>, vector<16xi32>
      %mul3A_1069 = arith.constant 4 : i32
      %mul3A_1070 = arith.muli %scan3A_1038, %mul3A_1069 : i32
      %add3A_1071 = arith.constant 2 : i32
      %add3A_1072 = arith.addi %mul3A_1070, %add3A_1071 : i32
      %mul3A_1073 = arith.constant 16 : i32
      %mul3A_1074 = arith.muli %add3A_1072, %mul3A_1073 : i32
      %get3A_1075 = arith.index_cast %mul3A_1074 : i32 to index
      %get3A_1076 = tpu.vector_load %arg6[%get3A_1075] {strides = array<i32>} : memref<16384xf32, #tpu.memory_space<vmem>>, vector<16xf32>,
      %lt3A_1077 = arith.cmpf olt, %get3A_1076, %select_n3A_1064 : vector<16xf32>
      %select_n3A_1078 = arith.select %lt3A_1077, %get3A_1076, %select_n3A_1064 : vector<16xi1>, vector<16xf32>
      %add3A_1079 = arith.constant 2 : i32
      %add3A_1080 = vector.broadcast %add3A_1079 : i32 to vector<16xi32>
      %add3A_1081 = arith.addi %scan3A_1041, %add3A_1080 : vector<16xi32>
      %select_n3A_1082 = arith.select %lt3A_1077, %add3A_1081, %select_n3A_1068 : vector<16xi1>, vector<16xi32>
      %mul3A_1083 = arith.constant 4 : i32
      %mul3A_1084 = arith.muli %scan3A_1038, %mul3A_1083 : i32
      %add3A_1085 = arith.constant 3 : i32
      %add3A_1086 = arith.addi %mul3A_1084, %add3A_1085 : i32
      %mul3A_1087 = arith.constant 16 : i32
      %mul3A_1088 = arith.muli %add3A_1086, %mul3A_1087 : i32
      %get3A_1089 = arith.index_cast %mul3A_1088 : i32 to index
      %get3A_1090 = tpu.vector_load %arg6[%get3A_1089] {strides = array<i32>} : memref<16384xf32, #tpu.memory_space<vmem>>, vector<16xf32>,
      %lt3A_1091 = arith.cmpf olt, %get3A_1090, %select_n3A_1078 : vector<16xf32>
      %select_n3A_1092 = arith.select %lt3A_1091, %get3A_1090, %select_n3A_1078 : vector<16xi1>, vector<16xf32>
      %add3A_1093 = arith.constant 3 : i32
      %add3A_1094 = vector.broadcast %add3A_1093 : i32 to vector<16xi32>
      %add3A_1095 = arith.addi %scan3A_1041, %add3A_1094 : vector<16xi32>
      %select_n3A_1096 = arith.select %lt3A_1091, %add3A_1095, %select_n3A_1082 : vector<16xi1>, vector<16xi32>
      %add3A_1097 = arith.constant 4 : i32
      %add3A_1098 = vector.broadcast %add3A_1097 : i32 to vector<16xi32>
      %add3A_1099 = arith.addi %scan3A_1041, %add3A_1098 : vector<16xi32>
      scf.yield %select_n3A_1092, %select_n3A_1096, %add3A_1099 : vector<16xf32>, vector<16xi32>, vector<16xi32>
    }
    %scan3A_670 = arith.constant 256 : i32
    %mul3A_671 = arith.constant 16 : i32
    %mul3A_672 = vector.broadcast %mul3A_671 : i32 to vector<16xi32>
    %mul3A_673 = arith.muli %scan3A_669#1, %mul3A_672 : vector<16xi32>
    %add3A_674 = arith.addi %mul3A_673, %iota3A : vector<16xi32>
    %swap3A_675 = arith.constant 0 : index
    %swap3A_676 = tpu.vector_load %arg10[%swap3A_675] {strides = array<i32>} : memref<16xf32, #tpu.memory_space<vmem>>, vector<16xf32>,
    tpu.vector_store %arg10[%swap3A_675], %scan3A_669#0 {strides = array<i32>} : memref<16xf32, #tpu.memory_space<vmem>>, vector<16xf32>,
    %swap3A_677 = arith.constant 0 : index
    %swap3A_678 = tpu.vector_load %arg11[%swap3A_677] {strides = array<i32>} : memref<16xi32, #tpu.memory_space<vmem>>, vector<16xi32>,
    tpu.vector_store %arg11[%swap3A_677], %add3A_674 {strides = array<i32>} : memref<16xi32, #tpu.memory_space<vmem>>, vector<16xi32>,
    %xor3A_679 = arith.constant 1 : i32
    %xor3A_680 = vector.broadcast %xor3A_679 : i32 to vector<16xi32>
    %xor3A_681 = arith.xori %iota3A, %xor3A_680 : vector<16xi32>
    %gather3A_682 = tpu.vector_load_idx %arg10[%xor3A_681] : memref<16xf32, #tpu.memory_space<vmem>>[vector<16xi32>], vector<16xf32>,
    %xor3A_683 = arith.constant 1 : i32
    %xor3A_684 = vector.broadcast %xor3A_683 : i32 to vector<16xi32>
    %xor3A_685 = arith.xori %iota3A, %xor3A_684 : vector<16xi32>
    %gather3A_686 = tpu.vector_load_idx %arg11[%xor3A_685] : memref<16xi32, #tpu.memory_space<vmem>>[vector<16xi32>], vector<16xi32>,
    %lt3A_687 = arith.cmpf olt, %gather3A_682, %scan3A_669#0 : vector<16xf32>
    %eq3A_688 = arith.cmpf oeq, %gather3A_682, %scan3A_669#0 : vector<16xf32>
    %lt3A_689 = arith.cmpi slt, %gather3A_686, %add3A_674 : vector<16xi32>
    %and3A_690 = arith.andi %eq3A_688, %lt3A_689 : vector<16xi1>
    %or3A_691 = arith.ori %lt3A_687, %and3A_690 : vector<16xi1>
    %select_n3A_692 = arith.select %or3A_691, %gather3A_682, %scan3A_669#0 : vector<16xi1>, vector<16xf32>
    %select_n3A_693 = arith.select %or3A_691, %gather3A_686, %add3A_674 : vector<16xi1>, vector<16xi32>
    %swap3A_694 = arith.constant 0 : index
    %swap3A_695 = tpu.vector_load %arg10[%swap3A_694] {strides = array<i32>} : memref<16xf32, #tpu.memory_space<vmem>>, vector<16xf32>,
    tpu.vector_store %arg10[%swap3A_694], %select_n3A_692 {strides = array<i32>} : memref<16xf32, #tpu.memory_space<vmem>>, vector<16xf32>,
    %swap3A_696 = arith.constant 0 : index
    %swap3A_697 = tpu.vector_load %arg11[%swap3A_696] {strides = array<i32>} : memref<16xi32, #tpu.memory_space<vmem>>, vector<16xi32>,
    tpu.vector_store %arg11[%swap3A_696], %select_n3A_693 {strides = array<i32>} : memref<16xi32, #tpu.memory_space<vmem>>, vector<16xi32>,
    %xor3A_698 = arith.constant 2 : i32
    %xor3A_699 = vector.broadcast %xor3A_698 : i32 to vector<16xi32>
    %xor3A_700 = arith.xori %iota3A, %xor3A_699 : vector<16xi32>
    %gather3A_701 = tpu.vector_load_idx %arg10[%xor3A_700] : memref<16xf32, #tpu.memory_space<vmem>>[vector<16xi32>], vector<16xf32>,
    %xor3A_702 = arith.constant 2 : i32
    %xor3A_703 = vector.broadcast %xor3A_702 : i32 to vector<16xi32>
    %xor3A_704 = arith.xori %iota3A, %xor3A_703 : vector<16xi32>
    %gather3A_705 = tpu.vector_load_idx %arg11[%xor3A_704] : memref<16xi32, #tpu.memory_space<vmem>>[vector<16xi32>], vector<16xi32>,
    %lt3A_706 = arith.cmpf olt, %gather3A_701, %select_n3A_692 : vector<16xf32>
    %eq3A_707 = arith.cmpf oeq, %gather3A_701, %select_n3A_692 : vector<16xf32>
    %lt3A_708 = arith.cmpi slt, %gather3A_705, %select_n3A_693 : vector<16xi32>
    %and3A_709 = arith.andi %eq3A_707, %lt3A_708 : vector<16xi1>
    %or3A_710 = arith.ori %lt3A_706, %and3A_709 : vector<16xi1>
    %select_n3A_711 = arith.select %or3A_710, %gather3A_701, %select_n3A_692 : vector<16xi1>, vector<16xf32>
    %select_n3A_712 = arith.select %or3A_710, %gather3A_705, %select_n3A_693 : vector<16xi1>, vector<16xi32>
    %swap3A_713 = arith.constant 0 : index
    %swap3A_714 = tpu.vector_load %arg10[%swap3A_713] {strides = array<i32>} : memref<16xf32, #tpu.memory_space<vmem>>, vector<16xf32>,
    tpu.vector_store %arg10[%swap3A_713], %select_n3A_711 {strides = array<i32>} : memref<16xf32, #tpu.memory_space<vmem>>, vector<16xf32>,
    %swap3A_715 = arith.constant 0 : index
    %swap3A_716 = tpu.vector_load %arg11[%swap3A_715] {strides = array<i32>} : memref<16xi32, #tpu.memory_space<vmem>>, vector<16xi32>,
    tpu.vector_store %arg11[%swap3A_715], %select_n3A_712 {strides = array<i32>} : memref<16xi32, #tpu.memory_space<vmem>>, vector<16xi32>,
    %xor3A_717 = arith.constant 4 : i32
    %xor3A_718 = vector.broadcast %xor3A_717 : i32 to vector<16xi32>
    %xor3A_719 = arith.xori %iota3A, %xor3A_718 : vector<16xi32>
    %gather3A_720 = tpu.vector_load_idx %arg10[%xor3A_719] : memref<16xf32, #tpu.memory_space<vmem>>[vector<16xi32>], vector<16xf32>,
    %xor3A_721 = arith.constant 4 : i32
    %xor3A_722 = vector.broadcast %xor3A_721 : i32 to vector<16xi32>
    %xor3A_723 = arith.xori %iota3A, %xor3A_722 : vector<16xi32>
    %gather3A_724 = tpu.vector_load_idx %arg11[%xor3A_723] : memref<16xi32, #tpu.memory_space<vmem>>[vector<16xi32>], vector<16xi32>,
    %lt3A_725 = arith.cmpf olt, %gather3A_720, %select_n3A_711 : vector<16xf32>
    %eq3A_726 = arith.cmpf oeq, %gather3A_720, %select_n3A_711 : vector<16xf32>
    %lt3A_727 = arith.cmpi slt, %gather3A_724, %select_n3A_712 : vector<16xi32>
    %and3A_728 = arith.andi %eq3A_726, %lt3A_727 : vector<16xi1>
    %or3A_729 = arith.ori %lt3A_725, %and3A_728 : vector<16xi1>
    %select_n3A_730 = arith.select %or3A_729, %gather3A_720, %select_n3A_711 : vector<16xi1>, vector<16xf32>
    %select_n3A_731 = arith.select %or3A_729, %gather3A_724, %select_n3A_712 : vector<16xi1>, vector<16xi32>
    %swap3A_732 = arith.constant 0 : index
    %swap3A_733 = tpu.vector_load %arg10[%swap3A_732] {strides = array<i32>} : memref<16xf32, #tpu.memory_space<vmem>>, vector<16xf32>,
    tpu.vector_store %arg10[%swap3A_732], %select_n3A_730 {strides = array<i32>} : memref<16xf32, #tpu.memory_space<vmem>>, vector<16xf32>,
    %swap3A_734 = arith.constant 0 : index
    %swap3A_735 = tpu.vector_load %arg11[%swap3A_734] {strides = array<i32>} : memref<16xi32, #tpu.memory_space<vmem>>, vector<16xi32>,
    tpu.vector_store %arg11[%swap3A_734], %select_n3A_731 {strides = array<i32>} : memref<16xi32, #tpu.memory_space<vmem>>, vector<16xi32>,
    %xor3A_736 = arith.constant 8 : i32
    %xor3A_737 = vector.broadcast %xor3A_736 : i32 to vector<16xi32>
    %xor3A_738 = arith.xori %iota3A, %xor3A_737 : vector<16xi32>
    %gather3A_739 = tpu.vector_load_idx %arg10[%xor3A_738] : memref<16xf32, #tpu.memory_space<vmem>>[vector<16xi32>], vector<16xf32>,
    %xor3A_740 = arith.constant 8 : i32
    %xor3A_741 = vector.broadcast %xor3A_740 : i32 to vector<16xi32>
    %xor3A_742 = arith.xori %iota3A, %xor3A_741 : vector<16xi32>
    %gather3A_743 = tpu.vector_load_idx %arg11[%xor3A_742] : memref<16xi32, #tpu.memory_space<vmem>>[vector<16xi32>], vector<16xi32>,
    %lt3A_744 = arith.cmpf olt, %gather3A_739, %select_n3A_730 : vector<16xf32>
    %eq3A_745 = arith.cmpf oeq, %gather3A_739, %select_n3A_730 : vector<16xf32>
    %lt3A_746 = arith.cmpi slt, %gather3A_743, %select_n3A_731 : vector<16xi32>
    %and3A_747 = arith.andi %eq3A_745, %lt3A_746 : vector<16xi1>
    %or3A_748 = arith.ori %lt3A_744, %and3A_747 : vector<16xi1>
    %select_n3A_749 = arith.select %or3A_748, %gather3A_739, %select_n3A_730 : vector<16xi1>, vector<16xf32>
    %select_n3A_750 = arith.select %or3A_748, %gather3A_743, %select_n3A_731 : vector<16xi1>, vector<16xi32>
    %gather3A_751 = tpu.vector_load_idx %arg7[%select_n3A_750] : memref<16384xf32, #tpu.memory_space<vmem>>[vector<16xi32>], vector<16xf32>,
    %eq3A_752 = arith.constant 6 : i32
    %eq3A_753 = vector.broadcast %eq3A_752 : i32 to vector<16xi32>
    %eq3A_754 = arith.cmpi eq, %iota3A, %eq3A_753 : vector<16xi32>
    %select_n3A_755 = arith.select %eq3A_754, %gather3A_751, %select_n3A_653 : vector<16xi1>, vector<16xf32>
    %broadcast_in_dim3A_756 = arith.constant 0x7F800000 : f32
    %broadcast_in_dim3A_757 = vector.broadcast %broadcast_in_dim3A_756 : f32 to vector<16xf32>
    %eq3A_758 = arith.constant 0 : i32
    %eq3A_759 = vector.broadcast %eq3A_758 : i32 to vector<16xi32>
    %eq3A_760 = arith.cmpi eq, %iota3A, %eq3A_759 : vector<16xi32>
    tpu.vector_store_idx %arg6[%select_n3A_750], %broadcast_in_dim3A_757 masked %eq3A_760 : memref<16384xf32, #tpu.memory_space<vmem>>[vector<16xi32>], vector<16xf32>, vector<16xi1>
    %broadcast_in_dim3A_761 = arith.constant 0x7F800000 : f32
    %broadcast_in_dim3A_762 = vector.broadcast %broadcast_in_dim3A_761 : f32 to vector<16xf32>
    %broadcast_in_dim3A_763 = arith.constant 0 : i32
    %broadcast_in_dim3A_764 = vector.broadcast %broadcast_in_dim3A_763 : i32 to vector<16xi32>
    %broadcast_in_dim3A_765 = arith.constant 0 : i32
    %broadcast_in_dim3A_766 = vector.broadcast %broadcast_in_dim3A_765 : i32 to vector<16xi32>
    %scan3A_767 = arith.constant 0 : i32
    %scan3A_768 = arith.constant 256 : i32
    %scan3A_769 = arith.addi %scan3A_767, %scan3A_768 : i32
    %scan3A_770 = arith.constant 1 : i32
    %scan3A_771:3 = scf.for %scan3A_1038 = %scan3A_767 to %scan3A_769 step %scan3A_770 iter_args(%scan3A_1039 = %broadcast_in_dim3A_762, %scan3A_1040 = %broadcast_in_dim3A_764, %scan3A_1041 = %broadcast_in_dim3A_766) -> (vector<16xf32>, vector<16xi32>, vector<16xi32>)  : i32 {
      %mul3A_1042 = arith.constant 4 : i32
      %mul3A_1043 = arith.muli %scan3A_1038, %mul3A_1042 : i32
      %add3A_1044 = arith.constant 0 : i32
      %add3A_1045 = arith.addi %mul3A_1043, %add3A_1044 : i32
      %mul3A_1046 = arith.constant 16 : i32
      %mul3A_1047 = arith.muli %add3A_1045, %mul3A_1046 : i32
      %get3A = arith.index_cast %mul3A_1047 : i32 to index
      %get3A_1048 = tpu.vector_load %arg6[%get3A] {strides = array<i32>} : memref<16384xf32, #tpu.memory_space<vmem>>, vector<16xf32>,
      %lt3A_1049 = arith.cmpf olt, %get3A_1048, %scan3A_1039 : vector<16xf32>
      %select_n3A_1050 = arith.select %lt3A_1049, %get3A_1048, %scan3A_1039 : vector<16xi1>, vector<16xf32>
      %add3A_1051 = arith.constant 0 : i32
      %add3A_1052 = vector.broadcast %add3A_1051 : i32 to vector<16xi32>
      %add3A_1053 = arith.addi %scan3A_1041, %add3A_1052 : vector<16xi32>
      %select_n3A_1054 = arith.select %lt3A_1049, %add3A_1053, %scan3A_1040 : vector<16xi1>, vector<16xi32>
      %mul3A_1055 = arith.constant 4 : i32
      %mul3A_1056 = arith.muli %scan3A_1038, %mul3A_1055 : i32
      %add3A_1057 = arith.constant 1 : i32
      %add3A_1058 = arith.addi %mul3A_1056, %add3A_1057 : i32
      %mul3A_1059 = arith.constant 16 : i32
      %mul3A_1060 = arith.muli %add3A_1058, %mul3A_1059 : i32
      %get3A_1061 = arith.index_cast %mul3A_1060 : i32 to index
      %get3A_1062 = tpu.vector_load %arg6[%get3A_1061] {strides = array<i32>} : memref<16384xf32, #tpu.memory_space<vmem>>, vector<16xf32>,
      %lt3A_1063 = arith.cmpf olt, %get3A_1062, %select_n3A_1050 : vector<16xf32>
      %select_n3A_1064 = arith.select %lt3A_1063, %get3A_1062, %select_n3A_1050 : vector<16xi1>, vector<16xf32>
      %add3A_1065 = arith.constant 1 : i32
      %add3A_1066 = vector.broadcast %add3A_1065 : i32 to vector<16xi32>
      %add3A_1067 = arith.addi %scan3A_1041, %add3A_1066 : vector<16xi32>
      %select_n3A_1068 = arith.select %lt3A_1063, %add3A_1067, %select_n3A_1054 : vector<16xi1>, vector<16xi32>
      %mul3A_1069 = arith.constant 4 : i32
      %mul3A_1070 = arith.muli %scan3A_1038, %mul3A_1069 : i32
      %add3A_1071 = arith.constant 2 : i32
      %add3A_1072 = arith.addi %mul3A_1070, %add3A_1071 : i32
      %mul3A_1073 = arith.constant 16 : i32
      %mul3A_1074 = arith.muli %add3A_1072, %mul3A_1073 : i32
      %get3A_1075 = arith.index_cast %mul3A_1074 : i32 to index
      %get3A_1076 = tpu.vector_load %arg6[%get3A_1075] {strides = array<i32>} : memref<16384xf32, #tpu.memory_space<vmem>>, vector<16xf32>,
      %lt3A_1077 = arith.cmpf olt, %get3A_1076, %select_n3A_1064 : vector<16xf32>
      %select_n3A_1078 = arith.select %lt3A_1077, %get3A_1076, %select_n3A_1064 : vector<16xi1>, vector<16xf32>
      %add3A_1079 = arith.constant 2 : i32
      %add3A_1080 = vector.broadcast %add3A_1079 : i32 to vector<16xi32>
      %add3A_1081 = arith.addi %scan3A_1041, %add3A_1080 : vector<16xi32>
      %select_n3A_1082 = arith.select %lt3A_1077, %add3A_1081, %select_n3A_1068 : vector<16xi1>, vector<16xi32>
      %mul3A_1083 = arith.constant 4 : i32
      %mul3A_1084 = arith.muli %scan3A_1038, %mul3A_1083 : i32
      %add3A_1085 = arith.constant 3 : i32
      %add3A_1086 = arith.addi %mul3A_1084, %add3A_1085 : i32
      %mul3A_1087 = arith.constant 16 : i32
      %mul3A_1088 = arith.muli %add3A_1086, %mul3A_1087 : i32
      %get3A_1089 = arith.index_cast %mul3A_1088 : i32 to index
      %get3A_1090 = tpu.vector_load %arg6[%get3A_1089] {strides = array<i32>} : memref<16384xf32, #tpu.memory_space<vmem>>, vector<16xf32>,
      %lt3A_1091 = arith.cmpf olt, %get3A_1090, %select_n3A_1078 : vector<16xf32>
      %select_n3A_1092 = arith.select %lt3A_1091, %get3A_1090, %select_n3A_1078 : vector<16xi1>, vector<16xf32>
      %add3A_1093 = arith.constant 3 : i32
      %add3A_1094 = vector.broadcast %add3A_1093 : i32 to vector<16xi32>
      %add3A_1095 = arith.addi %scan3A_1041, %add3A_1094 : vector<16xi32>
      %select_n3A_1096 = arith.select %lt3A_1091, %add3A_1095, %select_n3A_1082 : vector<16xi1>, vector<16xi32>
      %add3A_1097 = arith.constant 4 : i32
      %add3A_1098 = vector.broadcast %add3A_1097 : i32 to vector<16xi32>
      %add3A_1099 = arith.addi %scan3A_1041, %add3A_1098 : vector<16xi32>
      scf.yield %select_n3A_1092, %select_n3A_1096, %add3A_1099 : vector<16xf32>, vector<16xi32>, vector<16xi32>
    }
    %scan3A_772 = arith.constant 256 : i32
    %mul3A_773 = arith.constant 16 : i32
    %mul3A_774 = vector.broadcast %mul3A_773 : i32 to vector<16xi32>
    %mul3A_775 = arith.muli %scan3A_771#1, %mul3A_774 : vector<16xi32>
    %add3A_776 = arith.addi %mul3A_775, %iota3A : vector<16xi32>
    %swap3A_777 = arith.constant 0 : index
    %swap3A_778 = tpu.vector_load %arg10[%swap3A_777] {strides = array<i32>} : memref<16xf32, #tpu.memory_space<vmem>>, vector<16xf32>,
    tpu.vector_store %arg10[%swap3A_777], %scan3A_771#0 {strides = array<i32>} : memref<16xf32, #tpu.memory_space<vmem>>, vector<16xf32>,
    %swap3A_779 = arith.constant 0 : index
    %swap3A_780 = tpu.vector_load %arg11[%swap3A_779] {strides = array<i32>} : memref<16xi32, #tpu.memory_space<vmem>>, vector<16xi32>,
    tpu.vector_store %arg11[%swap3A_779], %add3A_776 {strides = array<i32>} : memref<16xi32, #tpu.memory_space<vmem>>, vector<16xi32>,
    %xor3A_781 = arith.constant 1 : i32
    %xor3A_782 = vector.broadcast %xor3A_781 : i32 to vector<16xi32>
    %xor3A_783 = arith.xori %iota3A, %xor3A_782 : vector<16xi32>
    %gather3A_784 = tpu.vector_load_idx %arg10[%xor3A_783] : memref<16xf32, #tpu.memory_space<vmem>>[vector<16xi32>], vector<16xf32>,
    %xor3A_785 = arith.constant 1 : i32
    %xor3A_786 = vector.broadcast %xor3A_785 : i32 to vector<16xi32>
    %xor3A_787 = arith.xori %iota3A, %xor3A_786 : vector<16xi32>
    %gather3A_788 = tpu.vector_load_idx %arg11[%xor3A_787] : memref<16xi32, #tpu.memory_space<vmem>>[vector<16xi32>], vector<16xi32>,
    %lt3A_789 = arith.cmpf olt, %gather3A_784, %scan3A_771#0 : vector<16xf32>
    %eq3A_790 = arith.cmpf oeq, %gather3A_784, %scan3A_771#0 : vector<16xf32>
    %lt3A_791 = arith.cmpi slt, %gather3A_788, %add3A_776 : vector<16xi32>
    %and3A_792 = arith.andi %eq3A_790, %lt3A_791 : vector<16xi1>
    %or3A_793 = arith.ori %lt3A_789, %and3A_792 : vector<16xi1>
    %select_n3A_794 = arith.select %or3A_793, %gather3A_784, %scan3A_771#0 : vector<16xi1>, vector<16xf32>
    %select_n3A_795 = arith.select %or3A_793, %gather3A_788, %add3A_776 : vector<16xi1>, vector<16xi32>
    %swap3A_796 = arith.constant 0 : index
    %swap3A_797 = tpu.vector_load %arg10[%swap3A_796] {strides = array<i32>} : memref<16xf32, #tpu.memory_space<vmem>>, vector<16xf32>,
    tpu.vector_store %arg10[%swap3A_796], %select_n3A_794 {strides = array<i32>} : memref<16xf32, #tpu.memory_space<vmem>>, vector<16xf32>,
    %swap3A_798 = arith.constant 0 : index
    %swap3A_799 = tpu.vector_load %arg11[%swap3A_798] {strides = array<i32>} : memref<16xi32, #tpu.memory_space<vmem>>, vector<16xi32>,
    tpu.vector_store %arg11[%swap3A_798], %select_n3A_795 {strides = array<i32>} : memref<16xi32, #tpu.memory_space<vmem>>, vector<16xi32>,
    %xor3A_800 = arith.constant 2 : i32
    %xor3A_801 = vector.broadcast %xor3A_800 : i32 to vector<16xi32>
    %xor3A_802 = arith.xori %iota3A, %xor3A_801 : vector<16xi32>
    %gather3A_803 = tpu.vector_load_idx %arg10[%xor3A_802] : memref<16xf32, #tpu.memory_space<vmem>>[vector<16xi32>], vector<16xf32>,
    %xor3A_804 = arith.constant 2 : i32
    %xor3A_805 = vector.broadcast %xor3A_804 : i32 to vector<16xi32>
    %xor3A_806 = arith.xori %iota3A, %xor3A_805 : vector<16xi32>
    %gather3A_807 = tpu.vector_load_idx %arg11[%xor3A_806] : memref<16xi32, #tpu.memory_space<vmem>>[vector<16xi32>], vector<16xi32>,
    %lt3A_808 = arith.cmpf olt, %gather3A_803, %select_n3A_794 : vector<16xf32>
    %eq3A_809 = arith.cmpf oeq, %gather3A_803, %select_n3A_794 : vector<16xf32>
    %lt3A_810 = arith.cmpi slt, %gather3A_807, %select_n3A_795 : vector<16xi32>
    %and3A_811 = arith.andi %eq3A_809, %lt3A_810 : vector<16xi1>
    %or3A_812 = arith.ori %lt3A_808, %and3A_811 : vector<16xi1>
    %select_n3A_813 = arith.select %or3A_812, %gather3A_803, %select_n3A_794 : vector<16xi1>, vector<16xf32>
    %select_n3A_814 = arith.select %or3A_812, %gather3A_807, %select_n3A_795 : vector<16xi1>, vector<16xi32>
    %swap3A_815 = arith.constant 0 : index
    %swap3A_816 = tpu.vector_load %arg10[%swap3A_815] {strides = array<i32>} : memref<16xf32, #tpu.memory_space<vmem>>, vector<16xf32>,
    tpu.vector_store %arg10[%swap3A_815], %select_n3A_813 {strides = array<i32>} : memref<16xf32, #tpu.memory_space<vmem>>, vector<16xf32>,
    %swap3A_817 = arith.constant 0 : index
    %swap3A_818 = tpu.vector_load %arg11[%swap3A_817] {strides = array<i32>} : memref<16xi32, #tpu.memory_space<vmem>>, vector<16xi32>,
    tpu.vector_store %arg11[%swap3A_817], %select_n3A_814 {strides = array<i32>} : memref<16xi32, #tpu.memory_space<vmem>>, vector<16xi32>,
    %xor3A_819 = arith.constant 4 : i32
    %xor3A_820 = vector.broadcast %xor3A_819 : i32 to vector<16xi32>
    %xor3A_821 = arith.xori %iota3A, %xor3A_820 : vector<16xi32>
    %gather3A_822 = tpu.vector_load_idx %arg10[%xor3A_821] : memref<16xf32, #tpu.memory_space<vmem>>[vector<16xi32>], vector<16xf32>,
    %xor3A_823 = arith.constant 4 : i32
    %xor3A_824 = vector.broadcast %xor3A_823 : i32 to vector<16xi32>
    %xor3A_825 = arith.xori %iota3A, %xor3A_824 : vector<16xi32>
    %gather3A_826 = tpu.vector_load_idx %arg11[%xor3A_825] : memref<16xi32, #tpu.memory_space<vmem>>[vector<16xi32>], vector<16xi32>,
    %lt3A_827 = arith.cmpf olt, %gather3A_822, %select_n3A_813 : vector<16xf32>
    %eq3A_828 = arith.cmpf oeq, %gather3A_822, %select_n3A_813 : vector<16xf32>
    %lt3A_829 = arith.cmpi slt, %gather3A_826, %select_n3A_814 : vector<16xi32>
    %and3A_830 = arith.andi %eq3A_828, %lt3A_829 : vector<16xi1>
    %or3A_831 = arith.ori %lt3A_827, %and3A_830 : vector<16xi1>
    %select_n3A_832 = arith.select %or3A_831, %gather3A_822, %select_n3A_813 : vector<16xi1>, vector<16xf32>
    %select_n3A_833 = arith.select %or3A_831, %gather3A_826, %select_n3A_814 : vector<16xi1>, vector<16xi32>
    %swap3A_834 = arith.constant 0 : index
    %swap3A_835 = tpu.vector_load %arg10[%swap3A_834] {strides = array<i32>} : memref<16xf32, #tpu.memory_space<vmem>>, vector<16xf32>,
    tpu.vector_store %arg10[%swap3A_834], %select_n3A_832 {strides = array<i32>} : memref<16xf32, #tpu.memory_space<vmem>>, vector<16xf32>,
    %swap3A_836 = arith.constant 0 : index
    %swap3A_837 = tpu.vector_load %arg11[%swap3A_836] {strides = array<i32>} : memref<16xi32, #tpu.memory_space<vmem>>, vector<16xi32>,
    tpu.vector_store %arg11[%swap3A_836], %select_n3A_833 {strides = array<i32>} : memref<16xi32, #tpu.memory_space<vmem>>, vector<16xi32>,
    %xor3A_838 = arith.constant 8 : i32
    %xor3A_839 = vector.broadcast %xor3A_838 : i32 to vector<16xi32>
    %xor3A_840 = arith.xori %iota3A, %xor3A_839 : vector<16xi32>
    %gather3A_841 = tpu.vector_load_idx %arg10[%xor3A_840] : memref<16xf32, #tpu.memory_space<vmem>>[vector<16xi32>], vector<16xf32>,
    %xor3A_842 = arith.constant 8 : i32
    %xor3A_843 = vector.broadcast %xor3A_842 : i32 to vector<16xi32>
    %xor3A_844 = arith.xori %iota3A, %xor3A_843 : vector<16xi32>
    %gather3A_845 = tpu.vector_load_idx %arg11[%xor3A_844] : memref<16xi32, #tpu.memory_space<vmem>>[vector<16xi32>], vector<16xi32>,
    %lt3A_846 = arith.cmpf olt, %gather3A_841, %select_n3A_832 : vector<16xf32>
    %eq3A_847 = arith.cmpf oeq, %gather3A_841, %select_n3A_832 : vector<16xf32>
    %lt3A_848 = arith.cmpi slt, %gather3A_845, %select_n3A_833 : vector<16xi32>
    %and3A_849 = arith.andi %eq3A_847, %lt3A_848 : vector<16xi1>
    %or3A_850 = arith.ori %lt3A_846, %and3A_849 : vector<16xi1>
    %select_n3A_851 = arith.select %or3A_850, %gather3A_841, %select_n3A_832 : vector<16xi1>, vector<16xf32>
    %select_n3A_852 = arith.select %or3A_850, %gather3A_845, %select_n3A_833 : vector<16xi1>, vector<16xi32>
    %gather3A_853 = tpu.vector_load_idx %arg7[%select_n3A_852] : memref<16384xf32, #tpu.memory_space<vmem>>[vector<16xi32>], vector<16xf32>,
    %eq3A_854 = arith.constant 7 : i32
    %eq3A_855 = vector.broadcast %eq3A_854 : i32 to vector<16xi32>
    %eq3A_856 = arith.cmpi eq, %iota3A, %eq3A_855 : vector<16xi32>
    %select_n3A_857 = arith.select %eq3A_856, %gather3A_853, %select_n3A_755 : vector<16xi1>, vector<16xf32>
    %broadcast_in_dim3A_858 = arith.constant 0x7F800000 : f32
    %broadcast_in_dim3A_859 = vector.broadcast %broadcast_in_dim3A_858 : f32 to vector<16xf32>
    %eq3A_860 = arith.constant 0 : i32
    %eq3A_861 = vector.broadcast %eq3A_860 : i32 to vector<16xi32>
    %eq3A_862 = arith.cmpi eq, %iota3A, %eq3A_861 : vector<16xi32>
    tpu.vector_store_idx %arg6[%select_n3A_852], %broadcast_in_dim3A_859 masked %eq3A_862 : memref<16384xf32, #tpu.memory_space<vmem>>[vector<16xi32>], vector<16xf32>, vector<16xi1>
    %broadcast_in_dim3A_863 = arith.constant 0x7F800000 : f32
    %broadcast_in_dim3A_864 = vector.broadcast %broadcast_in_dim3A_863 : f32 to vector<16xf32>
    %broadcast_in_dim3A_865 = arith.constant 0 : i32
    %broadcast_in_dim3A_866 = vector.broadcast %broadcast_in_dim3A_865 : i32 to vector<16xi32>
    %broadcast_in_dim3A_867 = arith.constant 0 : i32
    %broadcast_in_dim3A_868 = vector.broadcast %broadcast_in_dim3A_867 : i32 to vector<16xi32>
    %scan3A_869 = arith.constant 0 : i32
    %scan3A_870 = arith.constant 256 : i32
    %scan3A_871 = arith.addi %scan3A_869, %scan3A_870 : i32
    %scan3A_872 = arith.constant 1 : i32
    %scan3A_873:3 = scf.for %scan3A_1038 = %scan3A_869 to %scan3A_871 step %scan3A_872 iter_args(%scan3A_1039 = %broadcast_in_dim3A_864, %scan3A_1040 = %broadcast_in_dim3A_866, %scan3A_1041 = %broadcast_in_dim3A_868) -> (vector<16xf32>, vector<16xi32>, vector<16xi32>)  : i32 {
      %mul3A_1042 = arith.constant 4 : i32
      %mul3A_1043 = arith.muli %scan3A_1038, %mul3A_1042 : i32
      %add3A_1044 = arith.constant 0 : i32
      %add3A_1045 = arith.addi %mul3A_1043, %add3A_1044 : i32
      %mul3A_1046 = arith.constant 16 : i32
      %mul3A_1047 = arith.muli %add3A_1045, %mul3A_1046 : i32
      %get3A = arith.index_cast %mul3A_1047 : i32 to index
      %get3A_1048 = tpu.vector_load %arg6[%get3A] {strides = array<i32>} : memref<16384xf32, #tpu.memory_space<vmem>>, vector<16xf32>,
      %lt3A_1049 = arith.cmpf olt, %get3A_1048, %scan3A_1039 : vector<16xf32>
      %select_n3A_1050 = arith.select %lt3A_1049, %get3A_1048, %scan3A_1039 : vector<16xi1>, vector<16xf32>
      %add3A_1051 = arith.constant 0 : i32
      %add3A_1052 = vector.broadcast %add3A_1051 : i32 to vector<16xi32>
      %add3A_1053 = arith.addi %scan3A_1041, %add3A_1052 : vector<16xi32>
      %select_n3A_1054 = arith.select %lt3A_1049, %add3A_1053, %scan3A_1040 : vector<16xi1>, vector<16xi32>
      %mul3A_1055 = arith.constant 4 : i32
      %mul3A_1056 = arith.muli %scan3A_1038, %mul3A_1055 : i32
      %add3A_1057 = arith.constant 1 : i32
      %add3A_1058 = arith.addi %mul3A_1056, %add3A_1057 : i32
      %mul3A_1059 = arith.constant 16 : i32
      %mul3A_1060 = arith.muli %add3A_1058, %mul3A_1059 : i32
      %get3A_1061 = arith.index_cast %mul3A_1060 : i32 to index
      %get3A_1062 = tpu.vector_load %arg6[%get3A_1061] {strides = array<i32>} : memref<16384xf32, #tpu.memory_space<vmem>>, vector<16xf32>,
      %lt3A_1063 = arith.cmpf olt, %get3A_1062, %select_n3A_1050 : vector<16xf32>
      %select_n3A_1064 = arith.select %lt3A_1063, %get3A_1062, %select_n3A_1050 : vector<16xi1>, vector<16xf32>
      %add3A_1065 = arith.constant 1 : i32
      %add3A_1066 = vector.broadcast %add3A_1065 : i32 to vector<16xi32>
      %add3A_1067 = arith.addi %scan3A_1041, %add3A_1066 : vector<16xi32>
      %select_n3A_1068 = arith.select %lt3A_1063, %add3A_1067, %select_n3A_1054 : vector<16xi1>, vector<16xi32>
      %mul3A_1069 = arith.constant 4 : i32
      %mul3A_1070 = arith.muli %scan3A_1038, %mul3A_1069 : i32
      %add3A_1071 = arith.constant 2 : i32
      %add3A_1072 = arith.addi %mul3A_1070, %add3A_1071 : i32
      %mul3A_1073 = arith.constant 16 : i32
      %mul3A_1074 = arith.muli %add3A_1072, %mul3A_1073 : i32
      %get3A_1075 = arith.index_cast %mul3A_1074 : i32 to index
      %get3A_1076 = tpu.vector_load %arg6[%get3A_1075] {strides = array<i32>} : memref<16384xf32, #tpu.memory_space<vmem>>, vector<16xf32>,
      %lt3A_1077 = arith.cmpf olt, %get3A_1076, %select_n3A_1064 : vector<16xf32>
      %select_n3A_1078 = arith.select %lt3A_1077, %get3A_1076, %select_n3A_1064 : vector<16xi1>, vector<16xf32>
      %add3A_1079 = arith.constant 2 : i32
      %add3A_1080 = vector.broadcast %add3A_1079 : i32 to vector<16xi32>
      %add3A_1081 = arith.addi %scan3A_1041, %add3A_1080 : vector<16xi32>
      %select_n3A_1082 = arith.select %lt3A_1077, %add3A_1081, %select_n3A_1068 : vector<16xi1>, vector<16xi32>
      %mul3A_1083 = arith.constant 4 : i32
      %mul3A_1084 = arith.muli %scan3A_1038, %mul3A_1083 : i32
      %add3A_1085 = arith.constant 3 : i32
      %add3A_1086 = arith.addi %mul3A_1084, %add3A_1085 : i32
      %mul3A_1087 = arith.constant 16 : i32
      %mul3A_1088 = arith.muli %add3A_1086, %mul3A_1087 : i32
      %get3A_1089 = arith.index_cast %mul3A_1088 : i32 to index
      %get3A_1090 = tpu.vector_load %arg6[%get3A_1089] {strides = array<i32>} : memref<16384xf32, #tpu.memory_space<vmem>>, vector<16xf32>,
      %lt3A_1091 = arith.cmpf olt, %get3A_1090, %select_n3A_1078 : vector<16xf32>
      %select_n3A_1092 = arith.select %lt3A_1091, %get3A_1090, %select_n3A_1078 : vector<16xi1>, vector<16xf32>
      %add3A_1093 = arith.constant 3 : i32
      %add3A_1094 = vector.broadcast %add3A_1093 : i32 to vector<16xi32>
      %add3A_1095 = arith.addi %scan3A_1041, %add3A_1094 : vector<16xi32>
      %select_n3A_1096 = arith.select %lt3A_1091, %add3A_1095, %select_n3A_1082 : vector<16xi1>, vector<16xi32>
      %add3A_1097 = arith.constant 4 : i32
      %add3A_1098 = vector.broadcast %add3A_1097 : i32 to vector<16xi32>
      %add3A_1099 = arith.addi %scan3A_1041, %add3A_1098 : vector<16xi32>
      scf.yield %select_n3A_1092, %select_n3A_1096, %add3A_1099 : vector<16xf32>, vector<16xi32>, vector<16xi32>
    }
    %scan3A_874 = arith.constant 256 : i32
    %mul3A_875 = arith.constant 16 : i32
    %mul3A_876 = vector.broadcast %mul3A_875 : i32 to vector<16xi32>
    %mul3A_877 = arith.muli %scan3A_873#1, %mul3A_876 : vector<16xi32>
    %add3A_878 = arith.addi %mul3A_877, %iota3A : vector<16xi32>
    %swap3A_879 = arith.constant 0 : index
    %swap3A_880 = tpu.vector_load %arg10[%swap3A_879] {strides = array<i32>} : memref<16xf32, #tpu.memory_space<vmem>>, vector<16xf32>,
    tpu.vector_store %arg10[%swap3A_879], %scan3A_873#0 {strides = array<i32>} : memref<16xf32, #tpu.memory_space<vmem>>, vector<16xf32>,
    %swap3A_881 = arith.constant 0 : index
    %swap3A_882 = tpu.vector_load %arg11[%swap3A_881] {strides = array<i32>} : memref<16xi32, #tpu.memory_space<vmem>>, vector<16xi32>,
    tpu.vector_store %arg11[%swap3A_881], %add3A_878 {strides = array<i32>} : memref<16xi32, #tpu.memory_space<vmem>>, vector<16xi32>,
    %xor3A_883 = arith.constant 1 : i32
    %xor3A_884 = vector.broadcast %xor3A_883 : i32 to vector<16xi32>
    %xor3A_885 = arith.xori %iota3A, %xor3A_884 : vector<16xi32>
    %gather3A_886 = tpu.vector_load_idx %arg10[%xor3A_885] : memref<16xf32, #tpu.memory_space<vmem>>[vector<16xi32>], vector<16xf32>,
    %xor3A_887 = arith.constant 1 : i32
    %xor3A_888 = vector.broadcast %xor3A_887 : i32 to vector<16xi32>
    %xor3A_889 = arith.xori %iota3A, %xor3A_888 : vector<16xi32>
    %gather3A_890 = tpu.vector_load_idx %arg11[%xor3A_889] : memref<16xi32, #tpu.memory_space<vmem>>[vector<16xi32>], vector<16xi32>,
    %lt3A_891 = arith.cmpf olt, %gather3A_886, %scan3A_873#0 : vector<16xf32>
    %eq3A_892 = arith.cmpf oeq, %gather3A_886, %scan3A_873#0 : vector<16xf32>
    %lt3A_893 = arith.cmpi slt, %gather3A_890, %add3A_878 : vector<16xi32>
    %and3A_894 = arith.andi %eq3A_892, %lt3A_893 : vector<16xi1>
    %or3A_895 = arith.ori %lt3A_891, %and3A_894 : vector<16xi1>
    %select_n3A_896 = arith.select %or3A_895, %gather3A_886, %scan3A_873#0 : vector<16xi1>, vector<16xf32>
    %select_n3A_897 = arith.select %or3A_895, %gather3A_890, %add3A_878 : vector<16xi1>, vector<16xi32>
    %swap3A_898 = arith.constant 0 : index
    %swap3A_899 = tpu.vector_load %arg10[%swap3A_898] {strides = array<i32>} : memref<16xf32, #tpu.memory_space<vmem>>, vector<16xf32>,
    tpu.vector_store %arg10[%swap3A_898], %select_n3A_896 {strides = array<i32>} : memref<16xf32, #tpu.memory_space<vmem>>, vector<16xf32>,
    %swap3A_900 = arith.constant 0 : index
    %swap3A_901 = tpu.vector_load %arg11[%swap3A_900] {strides = array<i32>} : memref<16xi32, #tpu.memory_space<vmem>>, vector<16xi32>,
    tpu.vector_store %arg11[%swap3A_900], %select_n3A_897 {strides = array<i32>} : memref<16xi32, #tpu.memory_space<vmem>>, vector<16xi32>,
    %xor3A_902 = arith.constant 2 : i32
    %xor3A_903 = vector.broadcast %xor3A_902 : i32 to vector<16xi32>
    %xor3A_904 = arith.xori %iota3A, %xor3A_903 : vector<16xi32>
    %gather3A_905 = tpu.vector_load_idx %arg10[%xor3A_904] : memref<16xf32, #tpu.memory_space<vmem>>[vector<16xi32>], vector<16xf32>,
    %xor3A_906 = arith.constant 2 : i32
    %xor3A_907 = vector.broadcast %xor3A_906 : i32 to vector<16xi32>
    %xor3A_908 = arith.xori %iota3A, %xor3A_907 : vector<16xi32>
    %gather3A_909 = tpu.vector_load_idx %arg11[%xor3A_908] : memref<16xi32, #tpu.memory_space<vmem>>[vector<16xi32>], vector<16xi32>,
    %lt3A_910 = arith.cmpf olt, %gather3A_905, %select_n3A_896 : vector<16xf32>
    %eq3A_911 = arith.cmpf oeq, %gather3A_905, %select_n3A_896 : vector<16xf32>
    %lt3A_912 = arith.cmpi slt, %gather3A_909, %select_n3A_897 : vector<16xi32>
    %and3A_913 = arith.andi %eq3A_911, %lt3A_912 : vector<16xi1>
    %or3A_914 = arith.ori %lt3A_910, %and3A_913 : vector<16xi1>
    %select_n3A_915 = arith.select %or3A_914, %gather3A_905, %select_n3A_896 : vector<16xi1>, vector<16xf32>
    %select_n3A_916 = arith.select %or3A_914, %gather3A_909, %select_n3A_897 : vector<16xi1>, vector<16xi32>
    %swap3A_917 = arith.constant 0 : index
    %swap3A_918 = tpu.vector_load %arg10[%swap3A_917] {strides = array<i32>} : memref<16xf32, #tpu.memory_space<vmem>>, vector<16xf32>,
    tpu.vector_store %arg10[%swap3A_917], %select_n3A_915 {strides = array<i32>} : memref<16xf32, #tpu.memory_space<vmem>>, vector<16xf32>,
    %swap3A_919 = arith.constant 0 : index
    %swap3A_920 = tpu.vector_load %arg11[%swap3A_919] {strides = array<i32>} : memref<16xi32, #tpu.memory_space<vmem>>, vector<16xi32>,
    tpu.vector_store %arg11[%swap3A_919], %select_n3A_916 {strides = array<i32>} : memref<16xi32, #tpu.memory_space<vmem>>, vector<16xi32>,
    %xor3A_921 = arith.constant 4 : i32
    %xor3A_922 = vector.broadcast %xor3A_921 : i32 to vector<16xi32>
    %xor3A_923 = arith.xori %iota3A, %xor3A_922 : vector<16xi32>
    %gather3A_924 = tpu.vector_load_idx %arg10[%xor3A_923] : memref<16xf32, #tpu.memory_space<vmem>>[vector<16xi32>], vector<16xf32>,
    %xor3A_925 = arith.constant 4 : i32
    %xor3A_926 = vector.broadcast %xor3A_925 : i32 to vector<16xi32>
    %xor3A_927 = arith.xori %iota3A, %xor3A_926 : vector<16xi32>
    %gather3A_928 = tpu.vector_load_idx %arg11[%xor3A_927] : memref<16xi32, #tpu.memory_space<vmem>>[vector<16xi32>], vector<16xi32>,
    %lt3A_929 = arith.cmpf olt, %gather3A_924, %select_n3A_915 : vector<16xf32>
    %eq3A_930 = arith.cmpf oeq, %gather3A_924, %select_n3A_915 : vector<16xf32>
    %lt3A_931 = arith.cmpi slt, %gather3A_928, %select_n3A_916 : vector<16xi32>
    %and3A_932 = arith.andi %eq3A_930, %lt3A_931 : vector<16xi1>
    %or3A_933 = arith.ori %lt3A_929, %and3A_932 : vector<16xi1>
    %select_n3A_934 = arith.select %or3A_933, %gather3A_924, %select_n3A_915 : vector<16xi1>, vector<16xf32>
    %select_n3A_935 = arith.select %or3A_933, %gather3A_928, %select_n3A_916 : vector<16xi1>, vector<16xi32>
    %swap3A_936 = arith.constant 0 : index
    %swap3A_937 = tpu.vector_load %arg10[%swap3A_936] {strides = array<i32>} : memref<16xf32, #tpu.memory_space<vmem>>, vector<16xf32>,
    tpu.vector_store %arg10[%swap3A_936], %select_n3A_934 {strides = array<i32>} : memref<16xf32, #tpu.memory_space<vmem>>, vector<16xf32>,
    %swap3A_938 = arith.constant 0 : index
    %swap3A_939 = tpu.vector_load %arg11[%swap3A_938] {strides = array<i32>} : memref<16xi32, #tpu.memory_space<vmem>>, vector<16xi32>,
    tpu.vector_store %arg11[%swap3A_938], %select_n3A_935 {strides = array<i32>} : memref<16xi32, #tpu.memory_space<vmem>>, vector<16xi32>,
    %xor3A_940 = arith.constant 8 : i32
    %xor3A_941 = vector.broadcast %xor3A_940 : i32 to vector<16xi32>
    %xor3A_942 = arith.xori %iota3A, %xor3A_941 : vector<16xi32>
    %gather3A_943 = tpu.vector_load_idx %arg10[%xor3A_942] : memref<16xf32, #tpu.memory_space<vmem>>[vector<16xi32>], vector<16xf32>,
    %xor3A_944 = arith.constant 8 : i32
    %xor3A_945 = vector.broadcast %xor3A_944 : i32 to vector<16xi32>
    %xor3A_946 = arith.xori %iota3A, %xor3A_945 : vector<16xi32>
    %gather3A_947 = tpu.vector_load_idx %arg11[%xor3A_946] : memref<16xi32, #tpu.memory_space<vmem>>[vector<16xi32>], vector<16xi32>,
    %lt3A_948 = arith.cmpf olt, %gather3A_943, %select_n3A_934 : vector<16xf32>
    %eq3A_949 = arith.cmpf oeq, %gather3A_943, %select_n3A_934 : vector<16xf32>
    %lt3A_950 = arith.cmpi slt, %gather3A_947, %select_n3A_935 : vector<16xi32>
    %and3A_951 = arith.andi %eq3A_949, %lt3A_950 : vector<16xi1>
    %or3A_952 = arith.ori %lt3A_948, %and3A_951 : vector<16xi1>
    %select_n3A_953 = arith.select %or3A_952, %gather3A_943, %select_n3A_934 : vector<16xi1>, vector<16xf32>
    %select_n3A_954 = arith.select %or3A_952, %gather3A_947, %select_n3A_935 : vector<16xi1>, vector<16xi32>
    %gather3A_955 = tpu.vector_load_idx %arg7[%select_n3A_954] : memref<16384xf32, #tpu.memory_space<vmem>>[vector<16xi32>], vector<16xf32>,
    %eq3A_956 = arith.constant 8 : i32
    %eq3A_957 = vector.broadcast %eq3A_956 : i32 to vector<16xi32>
    %eq3A_958 = arith.cmpi eq, %iota3A, %eq3A_957 : vector<16xi32>
    %select_n3A_959 = arith.select %eq3A_958, %gather3A_955, %select_n3A_857 : vector<16xi1>, vector<16xf32>
    %broadcast_in_dim3A_960 = arith.constant 0x7F800000 : f32
    %broadcast_in_dim3A_961 = vector.broadcast %broadcast_in_dim3A_960 : f32 to vector<16xf32>
    %eq3A_962 = arith.constant 0 : i32
    %eq3A_963 = vector.broadcast %eq3A_962 : i32 to vector<16xi32>
    %eq3A_964 = arith.cmpi eq, %iota3A, %eq3A_963 : vector<16xi32>
    tpu.vector_store_idx %arg6[%select_n3A_954], %broadcast_in_dim3A_961 masked %eq3A_964 : memref<16384xf32, #tpu.memory_space<vmem>>[vector<16xi32>], vector<16xf32>, vector<16xi1>
    %lt3A_965 = arith.constant 9 : i32
    %lt3A_966 = vector.broadcast %lt3A_965 : i32 to vector<16xi32>
    %lt3A_967 = arith.cmpi slt, %iota3A, %lt3A_966 : vector<16xi32>
    %jit3A_968 = arith.constant 0xFF800000 : f32
    %broadcast_in_dim3A_969 = vector.broadcast %jit3A_968 : f32 to vector<16xf32>
    %select_n3A_970 = arith.select %lt3A_967, %select_n3A_959, %broadcast_in_dim3A_969 : vector<16xi1>, vector<16xf32>
    %swap3A_971 = arith.constant 0 : index
    %swap3A_972 = tpu.vector_load %arg10[%swap3A_971] {strides = array<i32>} : memref<16xf32, #tpu.memory_space<vmem>>, vector<16xf32>,
    tpu.vector_store %arg10[%swap3A_971], %select_n3A_970 {strides = array<i32>} : memref<16xf32, #tpu.memory_space<vmem>>, vector<16xf32>,
    %xor3A_973 = arith.constant 1 : i32
    %xor3A_974 = vector.broadcast %xor3A_973 : i32 to vector<16xi32>
    %xor3A_975 = arith.xori %iota3A, %xor3A_974 : vector<16xi32>
    %gather3A_976 = tpu.vector_load_idx %arg10[%xor3A_975] : memref<16xf32, #tpu.memory_space<vmem>>[vector<16xi32>], vector<16xf32>,
    %max3A_977 = arith.maximumf %select_n3A_970, %gather3A_976 : vector<16xf32>
    %swap3A_978 = arith.constant 0 : index
    %swap3A_979 = tpu.vector_load %arg10[%swap3A_978] {strides = array<i32>} : memref<16xf32, #tpu.memory_space<vmem>>, vector<16xf32>,
    tpu.vector_store %arg10[%swap3A_978], %max3A_977 {strides = array<i32>} : memref<16xf32, #tpu.memory_space<vmem>>, vector<16xf32>,
    %xor3A_980 = arith.constant 2 : i32
    %xor3A_981 = vector.broadcast %xor3A_980 : i32 to vector<16xi32>
    %xor3A_982 = arith.xori %iota3A, %xor3A_981 : vector<16xi32>
    %gather3A_983 = tpu.vector_load_idx %arg10[%xor3A_982] : memref<16xf32, #tpu.memory_space<vmem>>[vector<16xi32>], vector<16xf32>,
    %max3A_984 = arith.maximumf %max3A_977, %gather3A_983 : vector<16xf32>
    %swap3A_985 = arith.constant 0 : index
    %swap3A_986 = tpu.vector_load %arg10[%swap3A_985] {strides = array<i32>} : memref<16xf32, #tpu.memory_space<vmem>>, vector<16xf32>,
    tpu.vector_store %arg10[%swap3A_985], %max3A_984 {strides = array<i32>} : memref<16xf32, #tpu.memory_space<vmem>>, vector<16xf32>,
    %xor3A_987 = arith.constant 4 : i32
    %xor3A_988 = vector.broadcast %xor3A_987 : i32 to vector<16xi32>
    %xor3A_989 = arith.xori %iota3A, %xor3A_988 : vector<16xi32>
    %gather3A_990 = tpu.vector_load_idx %arg10[%xor3A_989] : memref<16xf32, #tpu.memory_space<vmem>>[vector<16xi32>], vector<16xf32>,
    %max3A_991 = arith.maximumf %max3A_984, %gather3A_990 : vector<16xf32>
    %swap3A_992 = arith.constant 0 : index
    %swap3A_993 = tpu.vector_load %arg10[%swap3A_992] {strides = array<i32>} : memref<16xf32, #tpu.memory_space<vmem>>, vector<16xf32>,
    tpu.vector_store %arg10[%swap3A_992], %max3A_991 {strides = array<i32>} : memref<16xf32, #tpu.memory_space<vmem>>, vector<16xf32>,
    %xor3A_994 = arith.constant 8 : i32
    %xor3A_995 = vector.broadcast %xor3A_994 : i32 to vector<16xi32>
    %xor3A_996 = arith.xori %iota3A, %xor3A_995 : vector<16xi32>
    %gather3A_997 = tpu.vector_load_idx %arg10[%xor3A_996] : memref<16xf32, #tpu.memory_space<vmem>>[vector<16xi32>], vector<16xf32>,
    %max3A_998 = arith.maximumf %max3A_991, %gather3A_997 : vector<16xf32>
    %sub3A = arith.subf %select_n3A_959, %max3A_998 : vector<16xf32>
    %exp3A = math.exp %sub3A : vector<16xf32>
    %jit3A_999 = arith.constant 0.000000e+00 : f32
    %broadcast_in_dim3A_1000 = vector.broadcast %jit3A_999 : f32 to vector<16xf32>
    %select_n3A_1001 = arith.select %lt3A_967, %exp3A, %broadcast_in_dim3A_1000 : vector<16xi1>, vector<16xf32>
    %swap3A_1002 = arith.constant 0 : index
    %swap3A_1003 = tpu.vector_load %arg10[%swap3A_1002] {strides = array<i32>} : memref<16xf32, #tpu.memory_space<vmem>>, vector<16xf32>,
    tpu.vector_store %arg10[%swap3A_1002], %select_n3A_1001 {strides = array<i32>} : memref<16xf32, #tpu.memory_space<vmem>>, vector<16xf32>,
    %xor3A_1004 = arith.constant 1 : i32
    %xor3A_1005 = vector.broadcast %xor3A_1004 : i32 to vector<16xi32>
    %xor3A_1006 = arith.xori %iota3A, %xor3A_1005 : vector<16xi32>
    %gather3A_1007 = tpu.vector_load_idx %arg10[%xor3A_1006] : memref<16xf32, #tpu.memory_space<vmem>>[vector<16xi32>], vector<16xf32>,
    %add3A_1008 = arith.addf %select_n3A_1001, %gather3A_1007 : vector<16xf32>
    %swap3A_1009 = arith.constant 0 : index
    %swap3A_1010 = tpu.vector_load %arg10[%swap3A_1009] {strides = array<i32>} : memref<16xf32, #tpu.memory_space<vmem>>, vector<16xf32>,
    tpu.vector_store %arg10[%swap3A_1009], %add3A_1008 {strides = array<i32>} : memref<16xf32, #tpu.memory_space<vmem>>, vector<16xf32>,
    %xor3A_1011 = arith.constant 2 : i32
    %xor3A_1012 = vector.broadcast %xor3A_1011 : i32 to vector<16xi32>
    %xor3A_1013 = arith.xori %iota3A, %xor3A_1012 : vector<16xi32>
    %gather3A_1014 = tpu.vector_load_idx %arg10[%xor3A_1013] : memref<16xf32, #tpu.memory_space<vmem>>[vector<16xi32>], vector<16xf32>,
    %add3A_1015 = arith.addf %add3A_1008, %gather3A_1014 : vector<16xf32>
    %swap3A_1016 = arith.constant 0 : index
    %swap3A_1017 = tpu.vector_load %arg10[%swap3A_1016] {strides = array<i32>} : memref<16xf32, #tpu.memory_space<vmem>>, vector<16xf32>,
    tpu.vector_store %arg10[%swap3A_1016], %add3A_1015 {strides = array<i32>} : memref<16xf32, #tpu.memory_space<vmem>>, vector<16xf32>,
    %xor3A_1018 = arith.constant 4 : i32
    %xor3A_1019 = vector.broadcast %xor3A_1018 : i32 to vector<16xi32>
    %xor3A_1020 = arith.xori %iota3A, %xor3A_1019 : vector<16xi32>
    %gather3A_1021 = tpu.vector_load_idx %arg10[%xor3A_1020] : memref<16xf32, #tpu.memory_space<vmem>>[vector<16xi32>], vector<16xf32>,
    %add3A_1022 = arith.addf %add3A_1015, %gather3A_1021 : vector<16xf32>
    %swap3A_1023 = arith.constant 0 : index
    %swap3A_1024 = tpu.vector_load %arg10[%swap3A_1023] {strides = array<i32>} : memref<16xf32, #tpu.memory_space<vmem>>, vector<16xf32>,
    tpu.vector_store %arg10[%swap3A_1023], %add3A_1022 {strides = array<i32>} : memref<16xf32, #tpu.memory_space<vmem>>, vector<16xf32>,
    %xor3A_1025 = arith.constant 8 : i32
    %xor3A_1026 = vector.broadcast %xor3A_1025 : i32 to vector<16xi32>
    %xor3A_1027 = arith.xori %iota3A, %xor3A_1026 : vector<16xi32>
    %gather3A_1028 = tpu.vector_load_idx %arg10[%xor3A_1027] : memref<16xf32, #tpu.memory_space<vmem>>[vector<16xi32>], vector<16xf32>,
    %add3A_1029 = arith.addf %add3A_1022, %gather3A_1028 : vector<16xf32>
    %div3A = arith.divf %select_n3A_1001, %add3A_1029 : vector<16xf32>
    %sub3A_1030 = arith.constant 1.000000e+00 : f32
    %sub3A_1031 = vector.broadcast %sub3A_1030 : f32 to vector<16xf32>
    %sub3A_1032 = arith.subf %sub3A_1031, %div3A : vector<16xf32>
    %mul3A_1033 = arith.mulf %sub3A_1032, %max3A_45 : vector<16xf32>
    %swap3A_1034 = arith.constant 0 : index
    %swap3A_1035 = tpu.vector_load %arg9[%swap3A_1034] {strides = array<i32>} : memref<16xf32, #tpu.memory_space<vmem>>, vector<16xf32>,
    tpu.vector_store %arg9[%swap3A_1034], %mul3A_1033 {strides = array<i32>} : memref<16xf32, #tpu.memory_space<vmem>>, vector<16xf32>,
    %mul3A_1036 = arith.constant 16 : i32
    %mul3A_1037 = arith.muli %select_n3A_9, %mul3A_1036 : i32
    "tpu.region"() ({
      %run_scoped3A = tpu.sem_alloc : memref<!tpu.dma_semaphore, #tpu.memory_space<semaphore_mem>>
      %dma_start3A = tpu.memref_slice %arg5[%mul3A_1037] : memref<128xf32, #tpu.memory_space<hbm>> -> memref<16xf32, #tpu.memory_space<hbm>>
      %dma_start3A_1038 = tpu.memref_slice %arg5[%mul3A_1037] : memref<128xf32, #tpu.memory_space<hbm>> -> memref<16xf32, #tpu.memory_space<hbm>>
      tpu.enqueue_dma source(%arg9 : memref<16xf32, #tpu.memory_space<vmem>>) target(%dma_start3A_1038 : memref<16xf32, #tpu.memory_space<hbm>>) target_semaphore(%run_scoped3A : memref<!tpu.dma_semaphore, #tpu.memory_space<semaphore_mem>>)
      %dma_wait3A = tpu.memref_slice %arg5[%mul3A_1037] : memref<128xf32, #tpu.memory_space<hbm>> -> memref<16xf32, #tpu.memory_space<hbm>>
      %dma_wait3A_1039 = tpu.memref_slice %arg5[%mul3A_1037] : memref<128xf32, #tpu.memory_space<hbm>> -> memref<16xf32, #tpu.memory_space<hbm>>
      tpu.wait_dma2 semaphore(%run_scoped3A : memref<!tpu.dma_semaphore, #tpu.memory_space<semaphore_mem>>) src(%arg9 : memref<16xf32, #tpu.memory_space<vmem>>) dst(%dma_wait3A_1039 : memref<16xf32, #tpu.memory_space<hbm>>)
      tpu.yield
    }) : () -> ()
    return
  }
}

module attributes {stable_mosaic.version = 14 : i64} {
  func.func @_pool_body(%arg0: i32, %arg1: memref<1x28x28x128xf32, #tpu.memory_space<vmem>>, %arg2: memref<1x14x14x256xf32, #tpu.memory_space<vmem>>, %arg3: memref<1x28x28x128xf32, #tpu.memory_space<vmem>>, %arg4: memref<1x14x14x256xf32, #tpu.memory_space<vmem>>) attributes {dimension_semantics = [#tpu.dimension_semantics<arbitrary>], iteration_bounds = array<i64: 8>, scalar_prefetch = 0 : i64, scratch_operands = 0 : i64, tpu.core_type = #tpu.core_type<tc>, window_params = [{transform_indices = @transform_0, window_bounds = array<i64: 1, 28, 28, 128>}, {transform_indices = @transform_1, window_bounds = array<i64: 1, 14, 14, 256>}, {transform_indices = @transform_2, window_bounds = array<i64: 1, 28, 28, 128>}, {transform_indices = @transform_3, window_bounds = array<i64: 1, 14, 14, 256>}]} {
    %get3A = arith.constant 0 : index
    %get3A_0 = arith.constant 0 : index
    %get3A_1 = arith.constant 0 : index
    %get3A_2 = arith.constant 0 : index
    %get3A_3 = vector.load %arg1[%get3A, %get3A_0, %get3A_1, %get3A_2] : memref<1x28x28x128xf32, #tpu.memory_space<vmem>>, vector<1x28x28x128xf32>
    %get3A_4 = vector.shape_cast %get3A_3 : vector<1x28x28x128xf32> to vector<28x28x128xf32>
    %broadcast_in_dim3A = arith.constant 0.000000e+00 : f32
    %broadcast_in_dim3A_5 = vector.broadcast %broadcast_in_dim3A : f32 to vector<1x28x128xf32>
    %concatenate3A = tpu.concatenate %broadcast_in_dim3A_5, %get3A_4, %broadcast_in_dim3A_5 in 0 : vector<1x28x128xf32>, vector<28x28x128xf32>, vector<1x28x128xf32> -> vector<30x28x128xf32>
    %broadcast_in_dim3A_6 = arith.constant 0.000000e+00 : f32
    %broadcast_in_dim3A_7 = vector.broadcast %broadcast_in_dim3A_6 : f32 to vector<30x1x128xf32>
    %concatenate3A_8 = tpu.concatenate %broadcast_in_dim3A_7, %concatenate3A, %broadcast_in_dim3A_7 in 1 : vector<30x1x128xf32>, vector<30x28x128xf32>, vector<30x1x128xf32> -> vector<30x30x128xf32>
    %broadcast_in_dim3A_9 = arith.constant 0.000000e+00 : f32
    %broadcast_in_dim3A_10 = vector.broadcast %broadcast_in_dim3A_9 : f32 to vector<28x28x128xf32>
    %slice3A = vector.extract_strided_slice %concatenate3A_8 {offsets = [0, 0, 0], sizes = [28, 28, 128], strides = [1, 1, 1]} : vector<30x30x128xf32> to vector<28x28x128xf32>
    %add3A = arith.addf %broadcast_in_dim3A_10, %slice3A : vector<28x28x128xf32>
    %slice3A_11 = vector.extract_strided_slice %concatenate3A_8 {offsets = [0, 1, 0], sizes = [28, 28, 128], strides = [1, 1, 1]} : vector<30x30x128xf32> to vector<28x28x128xf32>
    %add3A_12 = arith.addf %add3A, %slice3A_11 : vector<28x28x128xf32>
    %slice3A_13 = vector.extract_strided_slice %concatenate3A_8 {offsets = [0, 2, 0], sizes = [28, 28, 128], strides = [1, 1, 1]} : vector<30x30x128xf32> to vector<28x28x128xf32>
    %add3A_14 = arith.addf %add3A_12, %slice3A_13 : vector<28x28x128xf32>
    %slice3A_15 = vector.extract_strided_slice %concatenate3A_8 {offsets = [1, 0, 0], sizes = [28, 28, 128], strides = [1, 1, 1]} : vector<30x30x128xf32> to vector<28x28x128xf32>
    %add3A_16 = arith.addf %add3A_14, %slice3A_15 : vector<28x28x128xf32>
    %slice3A_17 = vector.extract_strided_slice %concatenate3A_8 {offsets = [1, 1, 0], sizes = [28, 28, 128], strides = [1, 1, 1]} : vector<30x30x128xf32> to vector<28x28x128xf32>
    %add3A_18 = arith.addf %add3A_16, %slice3A_17 : vector<28x28x128xf32>
    %slice3A_19 = vector.extract_strided_slice %concatenate3A_8 {offsets = [1, 2, 0], sizes = [28, 28, 128], strides = [1, 1, 1]} : vector<30x30x128xf32> to vector<28x28x128xf32>
    %add3A_20 = arith.addf %add3A_18, %slice3A_19 : vector<28x28x128xf32>
    %slice3A_21 = vector.extract_strided_slice %concatenate3A_8 {offsets = [2, 0, 0], sizes = [28, 28, 128], strides = [1, 1, 1]} : vector<30x30x128xf32> to vector<28x28x128xf32>
    %add3A_22 = arith.addf %add3A_20, %slice3A_21 : vector<28x28x128xf32>
    %slice3A_23 = vector.extract_strided_slice %concatenate3A_8 {offsets = [2, 1, 0], sizes = [28, 28, 128], strides = [1, 1, 1]} : vector<30x30x128xf32> to vector<28x28x128xf32>
    %add3A_24 = arith.addf %add3A_22, %slice3A_23 : vector<28x28x128xf32>
    %slice3A_25 = vector.extract_strided_slice %concatenate3A_8 {offsets = [2, 2, 0], sizes = [28, 28, 128], strides = [1, 1, 1]} : vector<30x30x128xf32> to vector<28x28x128xf32>
    %add3A_26 = arith.addf %add3A_24, %slice3A_25 : vector<28x28x128xf32>
    %mul3A = arith.constant 0.111111112 : f32
    %mul3A_27 = vector.broadcast %mul3A : f32 to vector<28x28x128xf32>
    %mul3A_28 = arith.mulf %add3A_26, %mul3A_27 : vector<28x28x128xf32>
    %swap3A = arith.constant 0 : index
    %swap3A_29 = arith.constant 0 : index
    %swap3A_30 = arith.constant 0 : index
    %swap3A_31 = arith.constant 0 : index
    %swap3A_32 = vector.load %arg3[%swap3A, %swap3A_29, %swap3A_30, %swap3A_31] : memref<1x28x28x128xf32, #tpu.memory_space<vmem>>, vector<1x28x28x128xf32>
    %swap3A_33 = vector.shape_cast %swap3A_32 : vector<1x28x28x128xf32> to vector<28x28x128xf32>
    %swap3A_34 = vector.shape_cast %mul3A_28 : vector<28x28x128xf32> to vector<1x28x28x128xf32>
    tpu.vector_store %arg3[%swap3A, %swap3A_29, %swap3A_30, %swap3A_31], %swap3A_34 {strides = array<i32>} : memref<1x28x28x128xf32, #tpu.memory_space<vmem>>, vector<1x28x28x128xf32>,
    %get3A_35 = arith.constant 0 : index
    %get3A_36 = arith.constant 0 : index
    %get3A_37 = arith.constant 0 : index
    %get3A_38 = arith.constant 0 : index
    %get3A_39 = vector.load %arg2[%get3A_35, %get3A_36, %get3A_37, %get3A_38] : memref<1x14x14x256xf32, #tpu.memory_space<vmem>>, vector<1x14x14x256xf32>
    %get3A_40 = vector.shape_cast %get3A_39 : vector<1x14x14x256xf32> to vector<14x14x256xf32>
    %broadcast_in_dim3A_41 = arith.constant 0.000000e+00 : f32
    %broadcast_in_dim3A_42 = vector.broadcast %broadcast_in_dim3A_41 : f32 to vector<1x14x256xf32>
    %concatenate3A_43 = tpu.concatenate %broadcast_in_dim3A_42, %get3A_40, %broadcast_in_dim3A_42 in 0 : vector<1x14x256xf32>, vector<14x14x256xf32>, vector<1x14x256xf32> -> vector<16x14x256xf32>
    %broadcast_in_dim3A_44 = arith.constant 0.000000e+00 : f32
    %broadcast_in_dim3A_45 = vector.broadcast %broadcast_in_dim3A_44 : f32 to vector<16x1x256xf32>
    %concatenate3A_46 = tpu.concatenate %broadcast_in_dim3A_45, %concatenate3A_43, %broadcast_in_dim3A_45 in 1 : vector<16x1x256xf32>, vector<16x14x256xf32>, vector<16x1x256xf32> -> vector<16x16x256xf32>
    %broadcast_in_dim3A_47 = arith.constant 0.000000e+00 : f32
    %broadcast_in_dim3A_48 = vector.broadcast %broadcast_in_dim3A_47 : f32 to vector<14x14x256xf32>
    %slice3A_49 = vector.extract_strided_slice %concatenate3A_46 {offsets = [0, 0, 0], sizes = [14, 14, 256], strides = [1, 1, 1]} : vector<16x16x256xf32> to vector<14x14x256xf32>
    %add3A_50 = arith.addf %broadcast_in_dim3A_48, %slice3A_49 : vector<14x14x256xf32>
    %slice3A_51 = vector.extract_strided_slice %concatenate3A_46 {offsets = [0, 1, 0], sizes = [14, 14, 256], strides = [1, 1, 1]} : vector<16x16x256xf32> to vector<14x14x256xf32>
    %add3A_52 = arith.addf %add3A_50, %slice3A_51 : vector<14x14x256xf32>
    %slice3A_53 = vector.extract_strided_slice %concatenate3A_46 {offsets = [0, 2, 0], sizes = [14, 14, 256], strides = [1, 1, 1]} : vector<16x16x256xf32> to vector<14x14x256xf32>
    %add3A_54 = arith.addf %add3A_52, %slice3A_53 : vector<14x14x256xf32>
    %slice3A_55 = vector.extract_strided_slice %concatenate3A_46 {offsets = [1, 0, 0], sizes = [14, 14, 256], strides = [1, 1, 1]} : vector<16x16x256xf32> to vector<14x14x256xf32>
    %add3A_56 = arith.addf %add3A_54, %slice3A_55 : vector<14x14x256xf32>
    %slice3A_57 = vector.extract_strided_slice %concatenate3A_46 {offsets = [1, 1, 0], sizes = [14, 14, 256], strides = [1, 1, 1]} : vector<16x16x256xf32> to vector<14x14x256xf32>
    %add3A_58 = arith.addf %add3A_56, %slice3A_57 : vector<14x14x256xf32>
    %slice3A_59 = vector.extract_strided_slice %concatenate3A_46 {offsets = [1, 2, 0], sizes = [14, 14, 256], strides = [1, 1, 1]} : vector<16x16x256xf32> to vector<14x14x256xf32>
    %add3A_60 = arith.addf %add3A_58, %slice3A_59 : vector<14x14x256xf32>
    %slice3A_61 = vector.extract_strided_slice %concatenate3A_46 {offsets = [2, 0, 0], sizes = [14, 14, 256], strides = [1, 1, 1]} : vector<16x16x256xf32> to vector<14x14x256xf32>
    %add3A_62 = arith.addf %add3A_60, %slice3A_61 : vector<14x14x256xf32>
    %slice3A_63 = vector.extract_strided_slice %concatenate3A_46 {offsets = [2, 1, 0], sizes = [14, 14, 256], strides = [1, 1, 1]} : vector<16x16x256xf32> to vector<14x14x256xf32>
    %add3A_64 = arith.addf %add3A_62, %slice3A_63 : vector<14x14x256xf32>
    %slice3A_65 = vector.extract_strided_slice %concatenate3A_46 {offsets = [2, 2, 0], sizes = [14, 14, 256], strides = [1, 1, 1]} : vector<16x16x256xf32> to vector<14x14x256xf32>
    %add3A_66 = arith.addf %add3A_64, %slice3A_65 : vector<14x14x256xf32>
    %mul3A_67 = arith.constant 0.111111112 : f32
    %mul3A_68 = vector.broadcast %mul3A_67 : f32 to vector<14x14x256xf32>
    %mul3A_69 = arith.mulf %add3A_66, %mul3A_68 : vector<14x14x256xf32>
    %swap3A_70 = arith.constant 0 : index
    %swap3A_71 = arith.constant 0 : index
    %swap3A_72 = arith.constant 0 : index
    %swap3A_73 = arith.constant 0 : index
    %swap3A_74 = vector.load %arg4[%swap3A_70, %swap3A_71, %swap3A_72, %swap3A_73] : memref<1x14x14x256xf32, #tpu.memory_space<vmem>>, vector<1x14x14x256xf32>
    %swap3A_75 = vector.shape_cast %swap3A_74 : vector<1x14x14x256xf32> to vector<14x14x256xf32>
    %swap3A_76 = vector.shape_cast %mul3A_69 : vector<14x14x256xf32> to vector<1x14x14x256xf32>
    tpu.vector_store %arg4[%swap3A_70, %swap3A_71, %swap3A_72, %swap3A_73], %swap3A_76 {strides = array<i32>} : memref<1x14x14x256xf32, #tpu.memory_space<vmem>>, vector<1x14x14x256xf32>,
    return
  }
  func.func @transform_0(%arg0: i32) -> (i32, i32, i32, i32) {
    %c0_i32 = arith.constant 0 : i32
    %c0_i32_0 = arith.constant 0 : i32
    %c0_i32_1 = arith.constant 0 : i32
    %c0_i32_2 = arith.constant 0 : i32
    return %arg0, %c0_i32, %c0_i32_0, %c0_i32_1 : i32, i32, i32, i32
  }
  func.func @transform_1(%arg0: i32) -> (i32, i32, i32, i32) {
    %c0_i32 = arith.constant 0 : i32
    %c0_i32_0 = arith.constant 0 : i32
    %c0_i32_1 = arith.constant 0 : i32
    %c0_i32_2 = arith.constant 0 : i32
    return %arg0, %c0_i32, %c0_i32_0, %c0_i32_1 : i32, i32, i32, i32
  }
  func.func @transform_2(%arg0: i32) -> (i32, i32, i32, i32) {
    %c0_i32 = arith.constant 0 : i32
    %c0_i32_0 = arith.constant 0 : i32
    %c0_i32_1 = arith.constant 0 : i32
    %c0_i32_2 = arith.constant 0 : i32
    return %arg0, %c0_i32, %c0_i32_0, %c0_i32_1 : i32, i32, i32, i32
  }
  func.func @transform_3(%arg0: i32) -> (i32, i32, i32, i32) {
    %c0_i32 = arith.constant 0 : i32
    %c0_i32_0 = arith.constant 0 : i32
    %c0_i32_1 = arith.constant 0 : i32
    %c0_i32_2 = arith.constant 0 : i32
    return %arg0, %c0_i32, %c0_i32_0, %c0_i32_1 : i32, i32, i32, i32
  }
}

module attributes {stable_mosaic.version = 14 : i64} {
  func.func @_knn_body(%arg0: i32, %arg1: i32, %arg2: memref<448x384xf32, #tpu.memory_space<vmem>>, %arg3: memref<2048x384xf32, #tpu.memory_space<vmem>>, %arg4: memref<1x1x448xf32, #tpu.memory_space<vmem>>, %arg5: memref<14x1x448xf32, #tpu.memory_space<vmem>>, %arg6: memref<2048x384xbf16, #tpu.memory_space<vmem>>, %arg7: memref<2048x384xbf16, #tpu.memory_space<vmem>>, %arg8: memref<8x2048xf32, #tpu.memory_space<vmem>>) attributes {dimension_semantics = [#tpu.dimension_semantics<arbitrary>, #tpu.dimension_semantics<arbitrary>], iteration_bounds = array<i64: 8, 14>, scalar_prefetch = 0 : i64, scratch_operands = 4 : i64, tpu.core_type = #tpu.core_type<tc>, window_params = [{transform_indices = @transform_0, window_bounds = array<i64: 448, 384>}, {transform_indices = @transform_1, window_bounds = array<i64: 2048, 384>}, {transform_indices = @transform_2, window_bounds = array<i64: 1, 1, 448>}]} {
    %eq3A = arith.constant 0 : i32
    %eq3A_0 = arith.cmpi eq, %arg1, %eq3A : i32
    %convert_element_type3A = arith.extui %eq3A_0 : i1 to i32
    %cond3A = arith.constant 0 : i32
    %cond3A_1 = arith.cmpi ne, %convert_element_type3A, %cond3A : i32
    scf.if %cond3A_1 {
      %get3A_37 = arith.constant 0 : index
      %get3A_38 = arith.constant 0 : index
      %get3A_39 = vector.load %arg3[%get3A_37, %get3A_38] : memref<2048x384xf32, #tpu.memory_space<vmem>>, vector<2048x384xf32>
      %mul3A_40 = arith.mulf %get3A_39, %get3A_39 : vector<2048x384xf32>
      %reduce_sum3A_41 = arith.constant dense<0.000000e+00> : vector<2048xf32>
      %reduce_sum3A_42 = vector.multi_reduction <add>, %mul3A_40, %reduce_sum3A_41 [1] : vector<2048x384xf32> to vector<2048xf32>
      %broadcast_in_dim3A_43 = vector.shape_cast %reduce_sum3A_42 : vector<2048xf32> to vector<1x2048xf32>
      %broadcast_in_dim3A_44 = vector.shape_cast %broadcast_in_dim3A_43 : vector<1x2048xf32> to vector<1x2048xf32>
      %broadcast_in_dim3A_45 = vector.broadcast %broadcast_in_dim3A_44 : vector<1x2048xf32> to vector<8x2048xf32>
      %swap3A = arith.constant 0 : index
      %swap3A_46 = arith.constant 0 : index
      %swap3A_47 = vector.load %arg8[%swap3A, %swap3A_46] : memref<8x2048xf32, #tpu.memory_space<vmem>>, vector<8x2048xf32>
      tpu.vector_store %arg8[%swap3A, %swap3A_46], %broadcast_in_dim3A_45 {strides = array<i32>} : memref<8x2048xf32, #tpu.memory_space<vmem>>, vector<8x2048xf32>,
      %mul3A_48 = arith.constant -2.000000e+00 : f32
      %mul3A_49 = vector.broadcast %mul3A_48 : f32 to vector<2048x384xf32>
      %mul3A_50 = arith.mulf %get3A_39, %mul3A_49 : vector<2048x384xf32>
      %convert_element_type3A_51 = arith.truncf %mul3A_50 : vector<2048x384xf32> to vector<2048x384xbf16>
      %swap3A_52 = arith.constant 0 : index
      %swap3A_53 = arith.constant 0 : index
      %swap3A_54 = vector.load %arg6[%swap3A_52, %swap3A_53] : memref<2048x384xbf16, #tpu.memory_space<vmem>>, vector<2048x384xbf16>
      tpu.vector_store %arg6[%swap3A_52, %swap3A_53], %convert_element_type3A_51 {strides = array<i32>} : memref<2048x384xbf16, #tpu.memory_space<vmem>>, vector<2048x384xbf16>,
      %convert_element_type3A_55 = arith.extf %convert_element_type3A_51 : vector<2048x384xbf16> to vector<2048x384xf32>
      %sub3A = arith.subf %mul3A_50, %convert_element_type3A_55 : vector<2048x384xf32>
      %convert_element_type3A_56 = arith.truncf %sub3A : vector<2048x384xf32> to vector<2048x384xbf16>
      %swap3A_57 = arith.constant 0 : index
      %swap3A_58 = arith.constant 0 : index
      %swap3A_59 = vector.load %arg7[%swap3A_57, %swap3A_58] : memref<2048x384xbf16, #tpu.memory_space<vmem>>, vector<2048x384xbf16>
      tpu.vector_store %arg7[%swap3A_57, %swap3A_58], %convert_element_type3A_56 {strides = array<i32>} : memref<2048x384xbf16, #tpu.memory_space<vmem>>, vector<2048x384xbf16>,
    } else {
    }
    %get3A = arith.constant 0 : index
    %get3A_2 = arith.constant 0 : index
    %get3A_3 = vector.load %arg2[%get3A, %get3A_2] : memref<448x384xf32, #tpu.memory_space<vmem>>, vector<448x384xf32>
    %mul3A = arith.mulf %get3A_3, %get3A_3 : vector<448x384xf32>
    %reduce_sum3A = arith.constant dense<0.000000e+00> : vector<448xf32>
    %reduce_sum3A_4 = vector.multi_reduction <add>, %mul3A, %reduce_sum3A [1] : vector<448x384xf32> to vector<448xf32>
    %convert_element_type3A_5 = arith.truncf %get3A_3 : vector<448x384xf32> to vector<448x384xbf16>
    %get3A_6 = arith.constant 0 : index
    %get3A_7 = arith.constant 0 : index
    %get3A_8 = vector.load %arg6[%get3A_6, %get3A_7] : memref<2048x384xbf16, #tpu.memory_space<vmem>>, vector<2048x384xbf16>
    %get3A_9 = arith.constant 0 : index
    %get3A_10 = arith.constant 0 : index
    %get3A_11 = vector.load %arg7[%get3A_9, %get3A_10] : memref<2048x384xbf16, #tpu.memory_space<vmem>>, vector<2048x384xbf16>
    %dot_general3A = arith.constant dense<0.000000e+00> : vector<448x2048xf32>
    %dot_general3A_12 = tpu.matmul %convert_element_type3A_5, %get3A_8, %dot_general3A {dimension_numbers = #tpu.dot_dimension_numbers<[1], [1], [0], [0], [0, 0, 1, 0], [], []>, transpose_lhs_hint = false} : vector<448x384xbf16>, vector<2048x384xbf16>, vector<448x2048xf32> -> vector<448x2048xf32>
    %dot_general3A_13 = arith.constant dense<0.000000e+00> : vector<448x2048xf32>
    %dot_general3A_14 = tpu.matmul %convert_element_type3A_5, %get3A_11, %dot_general3A_13 {dimension_numbers = #tpu.dot_dimension_numbers<[1], [1], [0], [0], [0, 0, 1, 0], [], []>, transpose_lhs_hint = false} : vector<448x384xbf16>, vector<2048x384xbf16>, vector<448x2048xf32> -> vector<448x2048xf32>
    %add3A = arith.addf %dot_general3A_12, %dot_general3A_14 : vector<448x2048xf32>
    %get3A_15 = arith.constant 0 : index
    %get3A_16 = arith.constant 0 : index
    %get3A_17 = vector.load %arg8[%get3A_15, %get3A_16] : memref<8x2048xf32, #tpu.memory_space<vmem>>, vector<1x2048xf32>
    %add3A_18 = vector.broadcast %get3A_17 : vector<1x2048xf32> to vector<448x2048xf32>
    %add3A_19 = arith.addf %add3A_18, %add3A : vector<448x2048xf32>
    %reduce_min3A = arith.constant dense<0x7F800000> : vector<448xf32>
    %reduce_min3A_20 = vector.multi_reduction <minimumf>, %add3A_19, %reduce_min3A [1] : vector<448x2048xf32> to vector<448xf32>
    %eq3A_21 = arith.constant 0 : i32
    %eq3A_22 = arith.cmpi eq, %arg0, %eq3A_21 : i32
    %get3A_23 = arith.index_cast %arg1 : i32 to index
    %get3A_24 = arith.constant 0 : index
    %get3A_25 = arith.constant 0 : index
    %get3A_26 = vector.load %arg5[%get3A_23, %get3A_24, %get3A_25] : memref<14x1x448xf32, #tpu.memory_space<vmem>>, vector<1x1x448xf32>
    %get3A_27 = vector.shape_cast %get3A_26 : vector<1x1x448xf32> to vector<448xf32>
    %jit3A = arith.constant 0x7F800000 : f32
    %broadcast_in_dim3A = vector.broadcast %jit3A : f32 to vector<448xf32>
    %select_n3A = arith.select %eq3A_22, %broadcast_in_dim3A, %get3A_27 : vector<448xf32>
    %min3A = arith.minimumf %reduce_min3A_20, %select_n3A : vector<448xf32>
    %eq3A_28 = arith.constant 7 : i32
    %eq3A_29 = arith.cmpi eq, %arg0, %eq3A_28 : i32
    %convert_element_type3A_30 = arith.extui %eq3A_29 : i1 to i32
    %cond3A_31 = arith.constant 0 : i32
    %cond3A_32 = arith.cmpi ne, %convert_element_type3A_30, %cond3A_31 : i32
    scf.if %cond3A_32 {
      %add3A_37 = arith.addf %reduce_sum3A_4, %min3A : vector<448xf32>
      %max3A = arith.constant 9.99999996E-13 : f32
      %max3A_38 = vector.broadcast %max3A : f32 to vector<448xf32>
      %max3A_39 = arith.maximumf %add3A_37, %max3A_38 : vector<448xf32>
      %sqrt3A = math.sqrt %max3A_39 : vector<448xf32>
      %swap3A = arith.constant 0 : index
      %swap3A_40 = arith.constant 0 : index
      %swap3A_41 = arith.constant 0 : index
      %swap3A_42 = vector.load %arg4[%swap3A, %swap3A_40, %swap3A_41] : memref<1x1x448xf32, #tpu.memory_space<vmem>>, vector<1x1x448xf32>
      %swap3A_43 = vector.shape_cast %swap3A_42 : vector<1x1x448xf32> to vector<448xf32>
      %swap3A_44 = vector.shape_cast %sqrt3A : vector<448xf32> to vector<1x1x448xf32>
      tpu.vector_store %arg4[%swap3A, %swap3A_40, %swap3A_41], %swap3A_44 {strides = array<i32>} : memref<1x1x448xf32, #tpu.memory_space<vmem>>, vector<1x1x448xf32>,
    } else {
    }
    %lt3A = arith.constant 7 : i32
    %lt3A_33 = arith.cmpi slt, %arg0, %lt3A : i32
    %convert_element_type3A_34 = arith.extui %lt3A_33 : i1 to i32
    %cond3A_35 = arith.constant 0 : i32
    %cond3A_36 = arith.cmpi ne, %convert_element_type3A_34, %cond3A_35 : i32
    scf.if %cond3A_36 {
      %swap3A = arith.index_cast %arg1 : i32 to index
      %swap3A_37 = arith.constant 0 : index
      %swap3A_38 = arith.constant 0 : index
      %swap3A_39 = vector.load %arg5[%swap3A, %swap3A_37, %swap3A_38] : memref<14x1x448xf32, #tpu.memory_space<vmem>>, vector<1x1x448xf32>
      %swap3A_40 = vector.shape_cast %swap3A_39 : vector<1x1x448xf32> to vector<448xf32>
      %swap3A_41 = vector.shape_cast %min3A : vector<448xf32> to vector<1x1x448xf32>
      tpu.vector_store %arg5[%swap3A, %swap3A_37, %swap3A_38], %swap3A_41 {strides = array<i32>} : memref<14x1x448xf32, #tpu.memory_space<vmem>>, vector<1x1x448xf32>,
    } else {
    }
    return
  }
  func.func @transform_0(%arg0: i32, %arg1: i32) -> (i32, i32) {
    %c0_i32 = arith.constant 0 : i32
    %c0_i32_0 = arith.constant 0 : i32
    return %arg1, %c0_i32 : i32, i32
  }
  func.func @transform_1(%arg0: i32, %arg1: i32) -> (i32, i32) {
    %c0_i32 = arith.constant 0 : i32
    %c0_i32_0 = arith.constant 0 : i32
    return %arg0, %c0_i32 : i32, i32
  }
  func.func @transform_2(%arg0: i32, %arg1: i32) -> (i32, i32, i32) {
    %c0_i32 = arith.constant 0 : i32
    %c0_i32_0 = arith.constant 0 : i32
    %c0_i32_1 = arith.constant 0 : i32
    return %arg1, %c0_i32, %c0_i32_0 : i32, i32, i32
  }
}

module attributes {stable_mosaic.version = 14 : i64} {
  func.func @_score_body(%arg0: i32, %arg1: memref<8x784xf32, #tpu.memory_space<vmem>>, %arg2: memref<6272x384xf32, #tpu.memory_space<vmem>>, %arg3: memref<2048x384xf32, #tpu.memory_space<vmem>>, %arg4: memref<8x16384xf32, #tpu.memory_space<vmem>>, %arg5: memref<8x16384xf32, #tpu.memory_space<vmem>>, %arg6: memref<8x384xf32, #tpu.memory_space<vmem>>, %arg7: memref<8x384xf32, #tpu.memory_space<vmem>>, %arg8: memref<8x128xf32, #tpu.memory_space<vmem>>) attributes {dimension_semantics = [#tpu.dimension_semantics<arbitrary>], iteration_bounds = array<i64: 16>, scalar_prefetch = 0 : i64, scratch_operands = 3 : i64, tpu.core_type = #tpu.core_type<tc>, window_params = [{pipeline_mode = #tpu.pipeline_mode<synchronous>, transform_indices = @transform_0, window_bounds = array<i64: 8, 784>}, {pipeline_mode = #tpu.pipeline_mode<synchronous>, transform_indices = @transform_1, window_bounds = array<i64: 6272, 384>}, {transform_indices = @transform_2, window_bounds = array<i64: 2048, 384>}, {pipeline_mode = #tpu.pipeline_mode<synchronous>, transform_indices = @transform_3, window_bounds = array<i64: 8, 16384>}, {pipeline_mode = #tpu.pipeline_mode<synchronous>, transform_indices = @transform_4, window_bounds = array<i64: 8, 16384>}]} {
    %jit3A = arith.constant 8 : i32
    %div3A = arith.divsi %arg0, %jit3A : i32
    %sign3A = arith.constant 0 : i32
    %sign3A_0 = arith.cmpi sgt, %arg0, %sign3A : i32
    %sign3A_1 = arith.extui %sign3A_0 : i1 to i32
    %sign3A_2 = arith.constant 0 : i32
    %sign3A_3 = arith.cmpi slt, %arg0, %sign3A_2 : i32
    %sign3A_4 = arith.extui %sign3A_3 : i1 to i32
    %sign3A_5 = arith.subi %sign3A_1, %sign3A_4 : i32
    %sign3A_6 = arith.constant 0 : i32
    %sign3A_7 = arith.cmpi sgt, %jit3A, %sign3A_6 : i32
    %sign3A_8 = arith.extui %sign3A_7 : i1 to i32
    %sign3A_9 = arith.constant 0 : i32
    %sign3A_10 = arith.cmpi slt, %jit3A, %sign3A_9 : i32
    %sign3A_11 = arith.extui %sign3A_10 : i1 to i32
    %sign3A_12 = arith.subi %sign3A_8, %sign3A_11 : i32
    %ne3A = arith.cmpi ne, %sign3A_5, %sign3A_12 : i32
    %rem3A = arith.remsi %arg0, %jit3A : i32
    %ne3A_13 = arith.constant 0 : i32
    %ne3A_14 = arith.cmpi ne, %rem3A, %ne3A_13 : i32
    %and3A = arith.andi %ne3A, %ne3A_14 : i1
    %sub3A = arith.constant 1 : i32
    %sub3A_15 = arith.subi %div3A, %sub3A : i32
    %select_n3A = arith.select %and3A, %sub3A_15, %div3A : i32
    %jit3A_16 = arith.constant 8 : i32
    %eq3A = arith.constant 0 : i32
    %eq3A_17 = arith.cmpi eq, %jit3A_16, %eq3A : i32
    %jit3A_18 = arith.constant 1 : i32
    %select_n3A_19 = arith.select %eq3A_17, %jit3A_18, %jit3A_16 : i32
    %rem3A_20 = arith.remsi %arg0, %select_n3A_19 : i32
    %ne3A_21 = arith.constant 0 : i32
    %ne3A_22 = arith.cmpi ne, %rem3A_20, %ne3A_21 : i32
    %lt3A = arith.constant 0 : i32
    %lt3A_23 = arith.cmpi slt, %rem3A_20, %lt3A : i32
    %lt3A_24 = arith.constant 0 : i32
    %lt3A_25 = arith.cmpi slt, %select_n3A_19, %lt3A_24 : i32
    %ne3A_26 = arith.xori %lt3A_23, %lt3A_25 : i1
    %and3A_27 = arith.andi %ne3A_26, %ne3A_22 : i1
    %add3A = arith.addi %rem3A_20, %select_n3A_19 : i32
    %select_n3A_28 = arith.select %and3A_27, %add3A, %rem3A_20 : i32
    %get3A = arith.constant 0 : index
    %get3A_29 = arith.constant 0 : index
    %get3A_30 = vector.load %arg3[%get3A, %get3A_29] : memref<2048x384xf32, #tpu.memory_space<vmem>>, vector<2048x384xf32>
    %mul3A = arith.mulf %get3A_30, %get3A_30 : vector<2048x384xf32>
    %reduce_sum3A = arith.constant dense<0.000000e+00> : vector<2048xf32>
    %reduce_sum3A_31 = vector.multi_reduction <add>, %mul3A, %reduce_sum3A [1] : vector<2048x384xf32> to vector<2048xf32>
    %eq3A_32 = arith.constant 0 : i32
    %eq3A_33 = arith.cmpi eq, %arg0, %eq3A_32 : i32
    %convert_element_type3A = arith.extui %eq3A_33 : i1 to i32
    %cond3A = arith.constant 0 : i32
    %cond3A_34 = arith.cmpi ne, %convert_element_type3A, %cond3A : i32
    scf.if %cond3A_34 {
      %get3A_45 = arith.constant 0 : index
      %get3A_46 = arith.constant 0 : index
      %get3A_47 = vector.load %arg1[%get3A_45, %get3A_46] : memref<8x784xf32, #tpu.memory_space<vmem>>, vector<8x784xf32>
      %reduce_max3A = arith.constant dense<0xFF800000> : vector<8xf32>
      %reduce_max3A_48 = vector.multi_reduction <maximumf>, %get3A_47, %reduce_max3A [1] : vector<8x784xf32> to vector<8xf32>
      %iota3A = tpu.iota {dimensions = array<i32: 1>} : vector<8x784xi32>
      %broadcast_in_dim3A = vector.shape_cast %reduce_max3A_48 : vector<8xf32> to vector<8x1xf32>
      %eq3A_49 = vector.broadcast %broadcast_in_dim3A : vector<8x1xf32> to vector<8x784xf32>
      %eq3A_50 = arith.cmpf oeq, %get3A_47, %eq3A_49 : vector<8x784xf32>
      %jit3A_51 = arith.constant 6272 : i32
      %broadcast_in_dim3A_52 = vector.broadcast %jit3A_51 : i32 to vector<8x784xi32>
      %select_n3A_53 = arith.select %eq3A_50, %iota3A, %broadcast_in_dim3A_52 : vector<8x784xi1>, vector<8x784xi32>
      %reduce_min3A = arith.constant dense<2147483647> : vector<8xi32>
      %reduce_min3A_54 = vector.multi_reduction <minsi>, %select_n3A_53, %reduce_min3A [1] : vector<8x784xi32> to vector<8xi32>
      %iota3A_55 = tpu.iota {dimensions = array<i32: 0>} : vector<8x1xi32>
      %squeeze3A = vector.shape_cast %iota3A_55 : vector<8x1xi32> to vector<8xi32>
      %mul3A_56 = arith.constant 784 : i32
      %mul3A_57 = vector.broadcast %mul3A_56 : i32 to vector<8xi32>
      %mul3A_58 = arith.muli %squeeze3A, %mul3A_57 : vector<8xi32>
      %add3A_59 = arith.addi %mul3A_58, %reduce_min3A_54 : vector<8xi32>
      %broadcast_in_dim3A_60 = arith.constant 0.000000e+00 : f32
      %broadcast_in_dim3A_61 = vector.broadcast %broadcast_in_dim3A_60 : f32 to vector<8x384xf32>
      %scan3A = arith.constant 0 : i32
      %scan3A_62 = arith.constant 49 : i32
      %scan3A_63 = arith.addi %scan3A, %scan3A_62 : i32
      %scan3A_64 = arith.constant 1 : i32
      %scan3A_65 = scf.for %scan3A_69 = %scan3A to %scan3A_63 step %scan3A_64 iter_args(%scan3A_70 = %broadcast_in_dim3A_61) -> (vector<8x384xf32>)  : i32 {
        %mul3A_71 = arith.constant 128 : i32
        %mul3A_72 = arith.muli %scan3A_69, %mul3A_71 : i32
        %iota3A_73 = tpu.iota {dimensions = array<i32: 1>} : vector<1x128xi32>
        %add3A_74 = vector.broadcast %mul3A_72 : i32 to vector<1x128xi32>
        %add3A_75 = arith.addi %add3A_74, %iota3A_73 : vector<1x128xi32>
        %broadcast_in_dim3A_76 = vector.shape_cast %add3A_59 : vector<8xi32> to vector<8x1xi32>
        %eq3A_77 = vector.broadcast %add3A_75 : vector<1x128xi32> to vector<8x128xi32>
        %eq3A_78 = vector.broadcast %broadcast_in_dim3A_76 : vector<8x1xi32> to vector<8x128xi32>
        %eq3A_79 = arith.cmpi eq, %eq3A_77, %eq3A_78 : vector<8x128xi32>
        %convert_element_type3A_80 = arith.extui %eq3A_79 : vector<8x128xi1> to vector<8x128xi32>
        %convert_element_type3A_81 = arith.sitofp %convert_element_type3A_80 : vector<8x128xi32> to vector<8x128xf32>
        %mul3A_82 = arith.constant 128 : i32
        %mul3A_83 = arith.muli %scan3A_69, %mul3A_82 : i32
        %get3A_84 = arith.index_cast %mul3A_83 : i32 to index
        %get3A_85 = arith.constant 0 : index
        %get3A_86 = vector.load %arg2[%get3A_84, %get3A_85] : memref<6272x384xf32, #tpu.memory_space<vmem>>, vector<128x384xf32>
        %dot_general3A = arith.constant dense<0.000000e+00> : vector<8x384xf32>
        %dot_general3A_87 = tpu.matmul %convert_element_type3A_81, %get3A_86, %dot_general3A {dimension_numbers = #tpu.dot_dimension_numbers<[1], [0], [0], [1], [0, 0, 1, 1], [], []>, precision = #tpu.contract_precision<fp32>, transpose_lhs_hint = false} : vector<8x128xf32>, vector<128x384xf32>, vector<8x384xf32> -> vector<8x384xf32>
        %add3A_88 = arith.addf %scan3A_70, %dot_general3A_87 : vector<8x384xf32>
        scf.yield %add3A_88 : vector<8x384xf32>
      }
      %scan3A_66 = arith.constant 49 : i32
      %swap3A = arith.constant 0 : index
      %swap3A_67 = arith.constant 0 : index
      %swap3A_68 = vector.load %arg6[%swap3A, %swap3A_67] : memref<8x384xf32, #tpu.memory_space<vmem>>, vector<8x384xf32>
      tpu.vector_store %arg6[%swap3A, %swap3A_67], %scan3A_65 {strides = array<i32>} : memref<8x384xf32, #tpu.memory_space<vmem>>, vector<8x384xf32>,
    } else {
    }
    %eq3A_35 = arith.constant 0 : i32
    %eq3A_36 = arith.cmpi eq, %select_n3A, %eq3A_35 : i32
    %convert_element_type3A_37 = arith.extui %eq3A_36 : i1 to i32
    %cond3A_38 = arith.constant 0 : i32
    %cond3A_39 = arith.cmpi ne, %convert_element_type3A_37, %cond3A_38 : i32
    scf.if %cond3A_39 {
      %get3A_45 = arith.constant 0 : index
      %get3A_46 = arith.constant 0 : index
      %get3A_47 = vector.load %arg6[%get3A_45, %get3A_46] : memref<8x384xf32, #tpu.memory_space<vmem>>, vector<8x384xf32>
      %mul3A_48 = arith.mulf %get3A_47, %get3A_47 : vector<8x384xf32>
      %reduce_sum3A_49 = arith.constant dense<0.000000e+00> : vector<8xf32>
      %reduce_sum3A_50 = vector.multi_reduction <add>, %mul3A_48, %reduce_sum3A_49 [1] : vector<8x384xf32> to vector<8xf32>
      %broadcast_in_dim3A = vector.shape_cast %reduce_sum3A_50 : vector<8xf32> to vector<8x1xf32>
      %broadcast_in_dim3A_51 = vector.shape_cast %reduce_sum3A_31 : vector<2048xf32> to vector<1x2048xf32>
      %add3A_52 = vector.broadcast %broadcast_in_dim3A : vector<8x1xf32> to vector<8x2048xf32>
      %add3A_53 = vector.broadcast %broadcast_in_dim3A_51 : vector<1x2048xf32> to vector<8x2048xf32>
      %add3A_54 = arith.addf %add3A_52, %add3A_53 : vector<8x2048xf32>
      %dot_general3A = arith.constant dense<0.000000e+00> : vector<8x2048xf32>
      %dot_general3A_55 = tpu.matmul %get3A_47, %get3A_30, %dot_general3A {dimension_numbers = #tpu.dot_dimension_numbers<[1], [1], [0], [0], [0, 0, 1, 0], [], []>, precision = #tpu.contract_precision<fp32>, transpose_lhs_hint = false} : vector<8x384xf32>, vector<2048x384xf32>, vector<8x2048xf32> -> vector<8x2048xf32>
      %mul3A_56 = arith.constant 2.000000e+00 : f32
      %mul3A_57 = vector.broadcast %mul3A_56 : f32 to vector<8x2048xf32>
      %mul3A_58 = arith.mulf %mul3A_57, %dot_general3A_55 : vector<8x2048xf32>
      %sub3A_59 = arith.subf %add3A_54, %mul3A_58 : vector<8x2048xf32>
      %max3A = arith.constant 9.99999996E-13 : f32
      %max3A_60 = vector.broadcast %max3A : f32 to vector<8x2048xf32>
      %max3A_61 = arith.maximumf %sub3A_59, %max3A_60 : vector<8x2048xf32>
      %sqrt3A = math.sqrt %max3A_61 : vector<8x2048xf32>
      %mul3A_62 = arith.constant 2048 : i32
      %mul3A_63 = arith.muli %select_n3A_28, %mul3A_62 : i32
      %swap3A = arith.constant 0 : index
      %swap3A_64 = arith.index_cast %mul3A_63 : i32 to index
      %swap3A_65 = vector.load %arg5[%swap3A, %swap3A_64] : memref<8x16384xf32, #tpu.memory_space<vmem>>, vector<8x2048xf32>
      tpu.vector_store %arg5[%swap3A, %swap3A_64], %sqrt3A {strides = array<i32>} : memref<8x16384xf32, #tpu.memory_space<vmem>>, vector<8x2048xf32>,
      %reduce_min3A = arith.constant dense<0x7F800000> : vector<8xf32>
      %reduce_min3A_66 = vector.multi_reduction <minimumf>, %sub3A_59, %reduce_min3A [1] : vector<8x2048xf32> to vector<8xf32>
      %argmin3A = tpu.reduce_index %sub3A_59 {axis = 1 : i32, kind = #tpu.reduction_kind<arg_min>} : vector<8x2048xf32> -> vector<8xi32>
      %eq3A_67 = arith.constant 0 : i32
      %eq3A_68 = arith.cmpi eq, %arg0, %eq3A_67 : i32
      %get3A_69 = arith.constant 0 : index
      %get3A_70 = arith.constant 0 : index
      %get3A_71 = vector.load %arg8[%get3A_69, %get3A_70] : memref<8x128xf32, #tpu.memory_space<vmem>>, vector<8x1xf32>
      %get3A_72 = vector.shape_cast %get3A_71 : vector<8x1xf32> to vector<8xf32>
      %jit3A_73 = arith.constant 0x7F800000 : f32
      %broadcast_in_dim3A_74 = vector.broadcast %jit3A_73 : f32 to vector<8xf32>
      %select_n3A_75 = arith.select %eq3A_68, %broadcast_in_dim3A_74, %get3A_72 : vector<8xf32>
      %lt3A_76 = arith.cmpf olt, %reduce_min3A_66, %select_n3A_75 : vector<8xf32>
      %iota3A = tpu.iota {dimensions = array<i32: 1>} : vector<8x2048xi32>
      %broadcast_in_dim3A_77 = vector.shape_cast %lt3A_76 : vector<8xi1> to vector<8x1xi1>
      %broadcast_in_dim3A_78 = vector.shape_cast %argmin3A : vector<8xi32> to vector<8x1xi32>
      %eq3A_79 = vector.broadcast %broadcast_in_dim3A_78 : vector<8x1xi32> to vector<8x2048xi32>
      %eq3A_80 = arith.cmpi eq, %iota3A, %eq3A_79 : vector<8x2048xi32>
      %and3A_81 = vector.broadcast %broadcast_in_dim3A_77 : vector<8x1xi1> to vector<8x2048xi1>
      %and3A_82 = arith.andi %and3A_81, %eq3A_80 : vector<8x2048xi1>
      %jit3A_83 = arith.constant 1.000000e+00 : f32
      %jit3A_84 = arith.constant 0.000000e+00 : f32
      %broadcast_in_dim3A_85 = vector.broadcast %jit3A_83 : f32 to vector<8x2048xf32>
      %broadcast_in_dim3A_86 = vector.broadcast %jit3A_84 : f32 to vector<8x2048xf32>
      %select_n3A_87 = arith.select %and3A_82, %broadcast_in_dim3A_85, %broadcast_in_dim3A_86 : vector<8x2048xi1>, vector<8x2048xf32>
      %dot_general3A_88 = arith.constant dense<0.000000e+00> : vector<8x384xf32>
      %dot_general3A_89 = tpu.matmul %select_n3A_87, %get3A_30, %dot_general3A_88 {dimension_numbers = #tpu.dot_dimension_numbers<[1], [0], [0], [1], [0, 0, 1, 1], [], []>, precision = #tpu.contract_precision<fp32>, transpose_lhs_hint = false} : vector<8x2048xf32>, vector<2048x384xf32>, vector<8x384xf32> -> vector<8x384xf32>
      %eq3A_90 = arith.constant 0 : i32
      %eq3A_91 = arith.cmpi eq, %arg0, %eq3A_90 : i32
      %get3A_92 = arith.constant 0 : index
      %get3A_93 = arith.constant 0 : index
      %get3A_94 = vector.load %arg7[%get3A_92, %get3A_93] : memref<8x384xf32, #tpu.memory_space<vmem>>, vector<8x384xf32>
      %jit3A_95 = arith.constant 0.000000e+00 : f32
      %broadcast_in_dim3A_96 = vector.broadcast %jit3A_95 : f32 to vector<8x384xf32>
      %select_n3A_97 = arith.select %eq3A_91, %broadcast_in_dim3A_96, %get3A_94 : vector<8x384xf32>
      %broadcast_in_dim3A_98 = vector.shape_cast %lt3A_76 : vector<8xi1> to vector<8x1xi1>
      %broadcast_in_dim3A_99 = vector.shape_cast %broadcast_in_dim3A_98 : vector<8x1xi1> to vector<8x1xi1>
      %broadcast_in_dim3A_100 = vector.broadcast %broadcast_in_dim3A_99 : vector<8x1xi1> to vector<8x384xi1>
      %select_n3A_101 = arith.select %broadcast_in_dim3A_100, %dot_general3A_89, %select_n3A_97 : vector<8x384xi1>, vector<8x384xf32>
      %swap3A_102 = arith.constant 0 : index
      %swap3A_103 = arith.constant 0 : index
      %swap3A_104 = vector.load %arg7[%swap3A_102, %swap3A_103] : memref<8x384xf32, #tpu.memory_space<vmem>>, vector<8x384xf32>
      tpu.vector_store %arg7[%swap3A_102, %swap3A_103], %select_n3A_101 {strides = array<i32>} : memref<8x384xf32, #tpu.memory_space<vmem>>, vector<8x384xf32>,
      %select_n3A_105 = arith.select %lt3A_76, %reduce_min3A_66, %select_n3A_75 : vector<8xi1>, vector<8xf32>
      %broadcast_in_dim3A_106 = vector.shape_cast %select_n3A_105 : vector<8xf32> to vector<8x1xf32>
      %broadcast_in_dim3A_107 = vector.shape_cast %broadcast_in_dim3A_106 : vector<8x1xf32> to vector<8x1xf32>
      %broadcast_in_dim3A_108 = vector.broadcast %broadcast_in_dim3A_107 : vector<8x1xf32> to vector<8x128xf32>
      %swap3A_109 = arith.constant 0 : index
      %swap3A_110 = arith.constant 0 : index
      %swap3A_111 = vector.load %arg8[%swap3A_109, %swap3A_110] : memref<8x128xf32, #tpu.memory_space<vmem>>, vector<8x128xf32>
      tpu.vector_store %arg8[%swap3A_109, %swap3A_110], %broadcast_in_dim3A_108 {strides = array<i32>} : memref<8x128xf32, #tpu.memory_space<vmem>>, vector<8x128xf32>,
    } else {
    }
    %eq3A_40 = arith.constant 1 : i32
    %eq3A_41 = arith.cmpi eq, %select_n3A, %eq3A_40 : i32
    %convert_element_type3A_42 = arith.extui %eq3A_41 : i1 to i32
    %cond3A_43 = arith.constant 0 : i32
    %cond3A_44 = arith.cmpi ne, %convert_element_type3A_42, %cond3A_43 : i32
    scf.if %cond3A_44 {
      %get3A_45 = arith.constant 0 : index
      %get3A_46 = arith.constant 0 : index
      %get3A_47 = vector.load %arg7[%get3A_45, %get3A_46] : memref<8x384xf32, #tpu.memory_space<vmem>>, vector<8x384xf32>
      %mul3A_48 = arith.mulf %get3A_47, %get3A_47 : vector<8x384xf32>
      %reduce_sum3A_49 = arith.constant dense<0.000000e+00> : vector<8xf32>
      %reduce_sum3A_50 = vector.multi_reduction <add>, %mul3A_48, %reduce_sum3A_49 [1] : vector<8x384xf32> to vector<8xf32>
      %broadcast_in_dim3A = vector.shape_cast %reduce_sum3A_50 : vector<8xf32> to vector<8x1xf32>
      %broadcast_in_dim3A_51 = vector.shape_cast %reduce_sum3A_31 : vector<2048xf32> to vector<1x2048xf32>
      %add3A_52 = vector.broadcast %broadcast_in_dim3A : vector<8x1xf32> to vector<8x2048xf32>
      %add3A_53 = vector.broadcast %broadcast_in_dim3A_51 : vector<1x2048xf32> to vector<8x2048xf32>
      %add3A_54 = arith.addf %add3A_52, %add3A_53 : vector<8x2048xf32>
      %dot_general3A = arith.constant dense<0.000000e+00> : vector<8x2048xf32>
      %dot_general3A_55 = tpu.matmul %get3A_47, %get3A_30, %dot_general3A {dimension_numbers = #tpu.dot_dimension_numbers<[1], [1], [0], [0], [0, 0, 1, 0], [], []>, precision = #tpu.contract_precision<fp32>, transpose_lhs_hint = false} : vector<8x384xf32>, vector<2048x384xf32>, vector<8x2048xf32> -> vector<8x2048xf32>
      %mul3A_56 = arith.constant 2.000000e+00 : f32
      %mul3A_57 = vector.broadcast %mul3A_56 : f32 to vector<8x2048xf32>
      %mul3A_58 = arith.mulf %mul3A_57, %dot_general3A_55 : vector<8x2048xf32>
      %sub3A_59 = arith.subf %add3A_54, %mul3A_58 : vector<8x2048xf32>
      %max3A = arith.constant 9.99999996E-13 : f32
      %max3A_60 = vector.broadcast %max3A : f32 to vector<8x2048xf32>
      %max3A_61 = arith.maximumf %sub3A_59, %max3A_60 : vector<8x2048xf32>
      %sqrt3A = math.sqrt %max3A_61 : vector<8x2048xf32>
      %mul3A_62 = arith.constant 2048 : i32
      %mul3A_63 = arith.muli %select_n3A_28, %mul3A_62 : i32
      %swap3A = arith.constant 0 : index
      %swap3A_64 = arith.index_cast %mul3A_63 : i32 to index
      %swap3A_65 = vector.load %arg4[%swap3A, %swap3A_64] : memref<8x16384xf32, #tpu.memory_space<vmem>>, vector<8x2048xf32>
      tpu.vector_store %arg4[%swap3A, %swap3A_64], %sqrt3A {strides = array<i32>} : memref<8x16384xf32, #tpu.memory_space<vmem>>, vector<8x2048xf32>,
    } else {
    }
    return
  }
  func.func @transform_0(%arg0: i32) -> (i32, i32) {
    %c0_i32 = arith.constant 0 : i32
    %c0_i32_0 = arith.constant 0 : i32
    %c0_i32_1 = arith.constant 0 : i32
    return %c0_i32, %c0_i32_0 : i32, i32
  }
  func.func @transform_1(%arg0: i32) -> (i32, i32) {
    %c0_i32 = arith.constant 0 : i32
    %c0_i32_0 = arith.constant 0 : i32
    %c0_i32_1 = arith.constant 0 : i32
    return %c0_i32, %c0_i32_0 : i32, i32
  }
  func.func @transform_2(%arg0: i32) -> (i32, i32) {
    %jit3A = arith.constant 8 : i32
    %eq3A = arith.constant 0 : i32
    %eq3A_0 = arith.cmpi eq, %jit3A, %eq3A : i32
    %jit3A_1 = arith.constant 1 : i32
    %select_n3A = arith.select %eq3A_0, %jit3A_1, %jit3A : i32
    %rem3A = arith.remsi %arg0, %select_n3A : i32
    %ne3A = arith.constant 0 : i32
    %ne3A_2 = arith.cmpi ne, %rem3A, %ne3A : i32
    %lt3A = arith.constant 0 : i32
    %lt3A_3 = arith.cmpi slt, %rem3A, %lt3A : i32
    %lt3A_4 = arith.constant 0 : i32
    %lt3A_5 = arith.cmpi slt, %select_n3A, %lt3A_4 : i32
    %ne3A_6 = arith.xori %lt3A_3, %lt3A_5 : i1
    %and3A = arith.andi %ne3A_6, %ne3A_2 : i1
    %add3A = arith.addi %rem3A, %select_n3A : i32
    %select_n3A_7 = arith.select %and3A, %add3A, %rem3A : i32
    %c0_i32 = arith.constant 0 : i32
    %c0_i32_8 = arith.constant 0 : i32
    return %select_n3A_7, %c0_i32 : i32, i32
  }
  func.func @transform_3(%arg0: i32) -> (i32, i32) {
    %c0_i32 = arith.constant 0 : i32
    %c0_i32_0 = arith.constant 0 : i32
    %c0_i32_1 = arith.constant 0 : i32
    return %c0_i32, %c0_i32_0 : i32, i32
  }
  func.func @transform_4(%arg0: i32) -> (i32, i32) {
    %c0_i32 = arith.constant 0 : i32
    %c0_i32_0 = arith.constant 0 : i32
    %c0_i32_1 = arith.constant 0 : i32
    return %c0_i32, %c0_i32_0 : i32, i32
  }
}

module attributes {stable_mosaic.version = 14 : i64} {
  func.func @_amap_body(%arg0: i32, %arg1: memref<1x28x28xf32, #tpu.memory_space<vmem>>, %arg2: memref<224x28xf32, #tpu.memory_space<vmem>>, %arg3: memref<1x224x224xf32, #tpu.memory_space<vmem>>) attributes {dimension_semantics = [#tpu.dimension_semantics<arbitrary>], iteration_bounds = array<i64: 8>, scalar_prefetch = 0 : i64, scratch_operands = 0 : i64, tpu.core_type = #tpu.core_type<tc>, window_params = [{transform_indices = @transform_0, window_bounds = array<i64: 1, 28, 28>}, {pipeline_mode = #tpu.pipeline_mode<synchronous>, transform_indices = @transform_1, window_bounds = array<i64: 224, 28>}, {transform_indices = @transform_2, window_bounds = array<i64: 1, 224, 224>}]} {
    %get3A = arith.constant 0 : index
    %get3A_0 = arith.constant 0 : index
    %get3A_1 = vector.load %arg2[%get3A, %get3A_0] : memref<224x28xf32, #tpu.memory_space<vmem>>, vector<224x28xf32>
    %get3A_2 = arith.constant 0 : index
    %get3A_3 = arith.constant 0 : index
    %get3A_4 = arith.constant 0 : index
    %get3A_5 = vector.load %arg1[%get3A_2, %get3A_3, %get3A_4] : memref<1x28x28xf32, #tpu.memory_space<vmem>>, vector<1x28x28xf32>
    %get3A_6 = vector.shape_cast %get3A_5 : vector<1x28x28xf32> to vector<28x28xf32>
    %dot_general3A = arith.constant dense<0.000000e+00> : vector<224x28xf32>
    %dot_general3A_7 = tpu.matmul %get3A_1, %get3A_6, %dot_general3A {dimension_numbers = #tpu.dot_dimension_numbers<[1], [0], [0], [1], [0, 0, 1, 1], [], []>, precision = #tpu.contract_precision<fp32>, transpose_lhs_hint = false} : vector<224x28xf32>, vector<28x28xf32>, vector<224x28xf32> -> vector<224x28xf32>
    %dot_general3A_8 = arith.constant dense<0.000000e+00> : vector<224x224xf32>
    %dot_general3A_9 = tpu.matmul %dot_general3A_7, %get3A_1, %dot_general3A_8 {dimension_numbers = #tpu.dot_dimension_numbers<[1], [1], [0], [0], [0, 0, 1, 0], [], []>, precision = #tpu.contract_precision<fp32>, transpose_lhs_hint = false} : vector<224x28xf32>, vector<224x28xf32>, vector<224x224xf32> -> vector<224x224xf32>
    %swap3A = arith.constant 0 : index
    %swap3A_10 = arith.constant 0 : index
    %swap3A_11 = arith.constant 0 : index
    %swap3A_12 = vector.load %arg3[%swap3A, %swap3A_10, %swap3A_11] : memref<1x224x224xf32, #tpu.memory_space<vmem>>, vector<1x224x224xf32>
    %swap3A_13 = vector.shape_cast %swap3A_12 : vector<1x224x224xf32> to vector<224x224xf32>
    %swap3A_14 = vector.shape_cast %dot_general3A_9 : vector<224x224xf32> to vector<1x224x224xf32>
    tpu.vector_store %arg3[%swap3A, %swap3A_10, %swap3A_11], %swap3A_14 {strides = array<i32>} : memref<1x224x224xf32, #tpu.memory_space<vmem>>, vector<1x224x224xf32>,
    return
  }
  func.func @transform_0(%arg0: i32) -> (i32, i32, i32) {
    %c0_i32 = arith.constant 0 : i32
    %c0_i32_0 = arith.constant 0 : i32
    %c0_i32_1 = arith.constant 0 : i32
    return %arg0, %c0_i32, %c0_i32_0 : i32, i32, i32
  }
  func.func @transform_1(%arg0: i32) -> (i32, i32) {
    %c0_i32 = arith.constant 0 : i32
    %c0_i32_0 = arith.constant 0 : i32
    %c0_i32_1 = arith.constant 0 : i32
    return %c0_i32, %c0_i32_0 : i32, i32
  }
  func.func @transform_2(%arg0: i32) -> (i32, i32, i32) {
    %c0_i32 = arith.constant 0 : i32
    %c0_i32_0 = arith.constant 0 : i32
    %c0_i32_1 = arith.constant 0 : i32
    return %arg0, %c0_i32, %c0_i32_0 : i32, i32, i32
  }
}

</mosaic_0001>

<sc_bundles>
// kernel: kernel.7.cloned.1.call-start
scs
__scs_entry_jumppad:
0x0: {  	(pc) =	sbr.rel $0x88, $3  }
0x1: {  	(tag) =	ssettag $0x0;
	lr =	simm.s32 $0x1  }
0x2: {  	[smem:$0x3F9E] =	sst lr;
	_ =	strace $0xD0000000  }
0x3: {  	_ = 	snop  }
0x4: {  	_ = 	snop  }
0x5: {  	_ = 	snop  }
0x6: {  	_ = 	snop  }
0x7: {  	_ = 	snop  }
__scs_overlays_trampoline_lowered:
0x8: {  	[smem:$0x3FAD] =	sst s0  }
0x9: {  	[smem:$0x3FAE] =	sst s1  }
0xa: {  	[smem:$0x3FAF] =	sst s2  }
0xb: {  	[smem:$0x3FB0] =	sst s3  }
0xc: {  	[smem:$0x3FB1] =	sst s4  }
0xd: {  	[smem:$0x3FB2] =	sst s5  }
0xe: {  	[smem:$0x3FB3] =	sst s6  }
0xf: {  	[smem:$0x3FB4] =	sst s7  }
0x10: {  	[smem:$0x3FB5] =	sst s8  }
0x11: {  	[smem:$0x3FB6] =	sst s9;
	s0 =	simm.s32 @!p0 $0x0  }
0x12: {  	s1 =	sld [smem:$0x3F9C];
	s0 =	simm.s32 @p0 $0x1  }
0x13: {  	[smem:$0x3FB7] =	sst s0;
	s0 =	simm.s32 @!p1 $0x0  }
0x14: {  	s2 =	sld [smem:$0x3F9B];
	s0 =	simm.s32 @p1 $0x1  }
0x15: {  	[smem:$0x3FB8] =	sst s0;
	s0 =	simm.s32 @!p2 $0x0  }
0x16: {  	s3 =	sld [smem:$0x3FDB];
	s0 =	simm.s32 @p2 $0x1  }
0x17: {  	s4 =	simm.s32 $0x1BF5;
	[smem:$0x3FBA] =	sst s0  }
0x18: {  	s0 =	sld [smem:$0x3F9D];
	_ =	swait.ge [sflag:s4], $0x0  }
0x19: {  	s7 =	sld [smem:$0x3F9E]  }
0x1a: {  	s8 =	sadd.s32 $0xFFFFE003, lr  }
0x1b: {  	s9 =	sadd.s32 $0xFFFFFEF7, lr;
	s5 =	simm.s32 $0xFFFFFFFF;
	p2 =	slt.u32 s8, $0xFFFFF086  }
0x1c: {  	p1 =	slt.u32 s9, $0xF7A;
	s5 =	simm.s32 @!p2 $0x0  }
0x1d: {  	s5 =	simm.s32 @p1 $0x1;
	p0 =	seq.s32 s7, s2  }
0x1e: {  	s7 =	smul.u32 @!p0 $0xF7A, s2;
	p2 =	seq.s32 @!p0 s5, $0x0  }
0x1f: {  	s9 =	smul.u32 $0xF7A, s1;
	s8 =	simm.s32 @!p0 $0x1BF5;
	p2 =	por !p2, p0  }
0x20: {  	[sflag:s8] =	ssyncset.s32 @!p0 $0xFFFFF086;
	s6 =	sadd.s32 @!p0 s3, s7;
	s7 =	simm.s32 @!p0 $0x108  }
0x21: {  	s3 =	sadd.s32 s3, s9;
	s6 =	sadd.s32 @!p0 $0x88, s6;
	s7 =	simm.s32 @p2 $0x1082  }
0x22: {  	[simem:s7], [sflag:s8] =	dma.local @!p0 [hbm:s6], $0xF7A  }
0x23: {  	s9 =	sor.u32 $0xD0000000, s2;
	s6 =	simm.s32 $0x108;
	_ =	swait.ge @!p0 [sflag:s8], $0x0  }
0x24: {  	s3 =	sadd.s32 $0x88, s3;
	s6 =	simm.s32 @!p1 $0x1082;
	[sflag:s4] =	ssyncset.s32 $0xFFFFF086  }
0x25: {  	[simem:s6], [sflag:s4] =	dma.local [hbm:s3], $0xF7A  }
0x26: {  	[smem:$0x3F9E] =	sst s1;
	(tag) =	ssettag s2;
	_ =	strace s9  }
0x27: {  	s1 =	sld [smem:$0x3FAE]  }
0x28: {  	s2 =	sld [smem:$0x3FAF]  }
0x29: {  	s4 =	sld [smem:$0x3FB1]  }
0x2a: {  	p0 =	seq.s32 s5, $0x0;
	s5 =	sld [smem:$0x3FB2]  }
0x2b: {  	s6 =	sld [smem:$0x3FB3]  }
0x2c: {  	s7 =	sld [smem:$0x3FB4]  }
0x2d: {  	s3 =	simm.s32 $0x108;
	s8 =	sld [smem:$0x3FB5]  }
0x2e: {  	s3 =	simm.s32 @!p0 $0x1082;
	s9 =	sld [smem:$0x3FB6]  }
0x2f: {  	lr =	sadd.s32 s0, s3;
	s0 =	sld [smem:$0x3FAD]  }
0x30: {  	s3 =	sld [smem:$0x3FB0]  }
0x31: {  	[smem:$0x3FB9] =	sst s10  }
0x32: {  	s10 =	sld [smem:$0x3FB7];
	_ =	sdelay $0x3  }
0x33: {  	p0 =	seq.s32 s10, $0x1;
	s10 =	sld [smem:$0x3FB9];
	_ =	sdelay $0x3  }
0x34: {  	[smem:$0x3FB9] =	sst s10  }
0x35: {  	s10 =	sld [smem:$0x3FB8];
	_ =	sdelay $0x3  }
0x36: {  	p1 =	seq.s32 s10, $0x1;
	s10 =	sld [smem:$0x3FB9];
	_ =	sdelay $0x3  }
0x37: {  	[smem:$0x3FB9] =	sst s10  }
0x38: {  	s10 =	sld [smem:$0x3FBA]  }
0x39: {  	_ = 	snop;
	(pc) =	sbr.ind lr, $3  }
0x3a: {  	_ = 	snop  }
0x3b: {  	_ = 	snop  }
0x3c: {  	p2 =	seq.s32 s10, $0x1;
	s10 =	sld [smem:$0x3FB9]  }
0x3d: {  	_ =	shalt  }
0x3e: {  	_ =	shalt  }
0x3f: {  	_ =	shalt  }
0x40: {  	_ =	shalt  }
0x41: {  	_ =	shalt  }
0x42: {  	_ =	shalt  }
0x43: {  	_ =	shalt  }
0x44: {  	_ =	shalt  }
0x45: {  	_ =	shalt  }
0x46: {  	_ =	shalt  }
0x47: {  	_ =	shalt  }
0x48: {  	_ =	shalt  }
0x49: {  	_ =	shalt  }
0x4a: {  	_ =	shalt  }
0x4b: {  	_ =	shalt  }
0x4c: {  	_ =	shalt  }
0x4d: {  	_ =	shalt  }
0x4e: {  	_ =	shalt  }
0x4f: {  	_ =	shalt  }
0x50: {  	_ =	shalt  }
0x51: {  	_ =	shalt  }
0x52: {  	_ =	shalt  }
0x53: {  	_ =	shalt  }
0x54: {  	_ =	shalt  }
0x55: {  	_ =	shalt  }
0x56: {  	_ =	shalt  }
0x57: {  	_ =	shalt  }
0x58: {  	_ =	shalt  }
0x59: {  	_ =	shalt  }
0x5a: {  	_ =	shalt  }
0x5b: {  	_ =	shalt  }
0x5c: {  	_ =	shalt  }
0x5d: {  	_ =	shalt  }
0x5e: {  	_ =	shalt  }
0x5f: {  	_ =	shalt  }
0x60: {  	_ =	shalt  }
0x61: {  	_ =	shalt  }
0x62: {  	_ =	shalt  }
0x63: {  	_ =	shalt  }
0x64: {  	_ =	shalt  }
0x65: {  	_ =	shalt  }
0x66: {  	_ =	shalt  }
0x67: {  	_ =	shalt  }
0x68: {  	_ =	shalt  }
0x69: {  	_ =	shalt  }
0x6a: {  	_ =	shalt  }
0x6b: {  	_ =	shalt  }
0x6c: {  	_ =	shalt  }
0x6d: {  	_ =	shalt  }
0x6e: {  	_ =	shalt  }
0x6f: {  	_ =	shalt  }
0x70: {  	_ =	shalt  }
0x71: {  	_ =	shalt  }
0x72: {  	_ =	shalt  }
0x73: {  	_ =	shalt  }
0x74: {  	_ =	shalt  }
0x75: {  	_ =	shalt  }
0x76: {  	_ =	shalt  }
0x77: {  	_ =	shalt  }
0x78: {  	_ =	shalt  }
0x79: {  	_ =	shalt  }
0x7a: {  	_ =	shalt  }
0x7b: {  	_ =	shalt  }
0x7c: {  	_ =	shalt  }
0x7d: {  	_ =	shalt  }
0x7e: {  	_ =	shalt  }
0x7f: {  	_ =	shalt  }
0x80: {  	_ =	shalt  }
0x81: {  	_ =	shalt  }
0x82: {  	_ =	shalt  }
0x83: {  	_ =	shalt  }
0x84: {  	_ =	shalt  }
0x85: {  	_ =	shalt  }
0x86: {  	_ =	shalt  }
0x87: {  	_ =	shalt  }
.Lfunc_end0:
.L_simem_size_0:
called_computation_lowered:
.L_overlay_start_0:
0x88: {  	s2 =	sld [smem:$0x3FD9]  }
0x89: {  	s3 =	sld [smem:$0x3FFE];
	_ =	sdelay $0x1  }
0x8a: {  	s1 =	srdreg.scid  }
0x8b: {  	s0 =	sand.u32 $0x1, s1  }
0x8c: {  	s14 =	sshll.u32 s0, $0xA;
	s2 =	sadd.s32 s3, s2  }
0x8d: {  	s2 =	sadd.s32 s2, s14  }
0x8e: {  	[smem:$0x3FC5] =	sst s2  }
0x8f: {  	_ = 	snop  }
0x90: {  	s2 =	sld [smem:$0x3FD0];
	_ =	sdelay $0x2  }
0x91: {  	s15 =	simm.s32 $0xA;
	s4 =	simm.s32 $0x10  }
0x92: {  	[smem:s4], [sflag:s15] =	dma.local [hbm:s2], $0x1  }
0x93: {  	_ =	swait.eq [sflag:s15], $0x1  }
0x94: {  	[sflag:s15] =	ssyncset.done $0x0  }
0x95: {  	[sflag:s15] =	ssyncadd.s32 $0xFFFFFFFF  }
0x96: {  	s16 =	sld [smem:$0x11];
	(tm) =	ssettm $0x1  }
0x97: {  	s17 =	sld [smem:$0x3FFB];
	_ =	sdelay $0x3  }
0x98: {  	_ =	strace s17  }
0x99: {  	s3 =	sld [smem:$0x3FFC];
	_ =	sdelay $0x3  }
0x9a: {  	_ =	strace s3  }
0x9b: {  	s3 =	sld [smem:$0x3FFD];
	_ =	sdelay $0x3  }
0x9c: {  	_ =	strace s3  }
0x9d: {  	_ =	strace $0x8FFFFFFF  }
0x9e: {  	s18 =	sld [smem:$0x3FDB];
	_ =	sdelay $0x1  }
0x9f: {  	s19 =	simm.s32 $_scs_section_size  }
0xa0: {  	s5 =	simm.s32 $_size__tile_overlayer_lowered;
	s6 =	simm.s32 $_tile_overlayer_lowered  }
0xa1: {  	s22 =	simm.s32 $0x1BFF;
	s21 =	sshll.u32 s6, $0x1;
	s3 =	sadd.s32 s19, s18  }
0xa2: {  	s7 =	simm.s32 $0x0;
	s20 =	sshll.u32 s5, $0x1;
	s5 =	sadd.s32 s21, s3  }
0xa3: {  	[timem:s7], [sflag:s22] =	dma.local [hbm:s5], s20  }
0xa4: {  	_ =	swait.ge [sflag:s22], s20  }
0xa5: {  	s4 =	ssub.s32 $0x0, s20;
	[sflag:s22] =	ssyncset.done $0x0  }
0xa6: {  	[sflag:s22] =	ssyncadd.s32 s4;
	_ =	sdelay $0x1  }
0xa7: {  	s23 =	simm.s32 $0x1B8B  }
0xa8: {  	_ =	swait.ge [sflag:s23], $0x1  }
0xa9: {  	[sflag:s23] =	ssyncset.done $0x0  }
0xaa: {  	s25 =	simm.s32 $0x1B8E;
	s24 =	sld [smem:$0x3FFE];
	[sflag:s23] =	ssyncadd.s32 $0xFFFFFFFF  }
0xab: {  	s26 =	simm.s32 $execute0_lowered;
	[smem:$0x3FD2] =	sst s25  }
0xac: {  	s5 =	sshll.u32 s26, $0x1;
	_ =	strace $0x80000046;
	[dreg:$0x1] =	wrdreg $0xFFFFFFFF  }
0xad: {  	s28 =	simm.s32 $_size_execute0_lowered;
	s3 =	sadd.s32 s3, s5;
	[dreg:$0x0] =	wrdreg $0x0  }
0xae: {  	s5 =	sshll.u32 s28, $0x1;
	[dreg:$0x2] =	wrdreg s3  }
0xaf: {  	[dreg:$0x3] =	wrdreg s5  }
0xb0: {  	[dreg:$0x4] =	wrdreg $0xC0  }
0xb1: {  	_ =	task [dreg:s7], $0x5FFFF  }
0xb2: {  	[dreg:$0x1] =	wrdreg $0xFFFFFFFF  }
0xb3: {  	[dreg:$0x0] =	wrdreg $0x60  }
0xb4: {  	[dreg:$0x2] =	wrdreg s24  }
0xb5: {  	[dreg:$0x3] =	wrdreg s16  }
0xb6: {  	[dreg:$0x4] =	wrdreg $0x9  }
0xb7: {  	_ =	task.clear_ibuf [dreg:s7], $0x5FFFF;
	_ =	strace $0x90000046  }
0xb8: {  	s29 =	simm.s32 $0x9;
	_ =	strace $0x80000048  }
0xb9: {  	_ =	swait.ge [sflag:s29], $0x1  }
0xba: {  	[sflag:s29] =	ssyncadd.s32 $0xFFFFFFFF  }
0xbb: {  	_ =	strace $0x90000048  }
0xbc: {  	_ =	sfence  }
0xbd: {  	s30 =	sld [smem:$0x0];
	_ =	sdelay $0x2  }
0xbe: {  	s31 =	sshll.u32 s1, $0xD;
	s1 =	sshrl.u32 s1, $0x2  }
0xbf: {  	s3 =	sand.u32 $0x4000, s31;
	s1 =	sadd.s32 s1, s30  }
0xc0: {  	s0 =	sor.u32 s3, s0;
	s1 =	sshll.u32 s1, $0x11  }
0xc1: {  	s0 =	sor.u32 s1, s0  }
0xc2: {  	s0 =	sadd.s32 $0x8F2B, s0  }
0xc3: {  	[sflag:s0] =	ssyncadd.remote.s32 $0x1  }
0xc4: {  	_ =	sfence.sel $0xFFFF  }
0xc5: {  	[dreg:$0x0] =	wrdreg $0xFFFFFFFF;
	(pc) =	sbr.abs _section_cstart, $3  }
0xc6: {  	[dreg:$0x1] =	wrdreg $0xFFFFFFFF  }
0xc7: {  	_ =	task.clear_ibuf [dreg:s7], $0x2FFFF;
	_ =	strace $0x9FFFFFFF  }
0xc8: {  	(tm) =	ssettm $0x7FFFFFFF  }
0xc9: {  	_ =	shalt  }
tec
execute0_lowered:
.L_overlay_start_1:
0x0: {  	(tag) =	ssettag $0x1  }
0x1: {  	v0 =	vimm.s32 $0xEFCDAB89;
	v1 =	vimm.s32 $0x67452301;
	v2 =	vimm.s32 $0xDCFE98BA  }
0x2: {  	v3 =	vimm.s32 $0x54761032;
	v4 =	vimm.s32 $0xBA98FEDC;
	v5 =	vimm.s32 $0x32107654  }
0x3: {  	v6 =	vimm.s32 $0xFEDCBA98;
	v7 =	vimm.s32 $0x76543210;
	vm0 =	vcmask $0x324  }
0x4: {  	s0 =	stileid.u32;
	s5 =	rddreg [dreg:$0x0];
	vm1 =	vcmask $0x724;
	vm2 =	vcmask $0xB24;
	vm3 =	vcmask $0xF24  }
0x5: {  	s1 =	srdreg.scid;
	s6 =	rddreg [dreg:$0x1];
	vm4 =	vcmask $0x1324;
	vm5 =	vcmask $0x1724;
	v0 =	vunpack.c.l.s4.s8 v0  }
0x6: {  	s10 =	simm.s32 $0x8000;
	s11 =	simm.s32 $0x8400;
	s12 =	simm.s32 $0x8480;
	v1 =	vunpack.c.l.s4.s8 v1;
	v2 =	vunpack.c.l.s4.s8 v2;
	v3 =	vunpack.c.l.s4.s8 v3  }
0x7: {  	s13 =	simm.s32 $0x8380;
	s14 =	simm.s32 $0x0;
	s2 =	sshll.u32 s0, $0x1;
	v4 =	vunpack.c.l.s4.s8 v4;
	v5 =	vunpack.c.l.s4.s8 v5;
	v6 =	vunpack.c.l.s4.s8 v6  }
0x8: {  	s3 =	sand.u32 $0x1, s1;
	s1 =	rddreg [dreg:$0x2];
	s4 =	sand.u32 $0x6, s2;
	v0 =	vunpack.c.0.s8.s32 v0;
	v1 =	vunpack.c.0.s8.s32 v1;
	v2 =	vunpack.c.0.s8.s32 v2  }
0x9: {  	s2 =	simm.s32 $0x0;
	v3 =	vunpack.c.0.s8.s32 v3;
	s7 =	sor.u32 s3, s4;
	v4 =	vunpack.c.0.s8.s32 v4;
	v5 =	vunpack.c.0.s8.s32 v5;
	s3 =	ssub.s32 $0x2, s3  }
0xa: {  	vm6 =	vcmask $0x1B24;
	v7 =	vunpack.c.l.s4.s8 v7;
	[smem:$0x7FF] =	sst s2;
	s4 =	sshll.u32 s7, $0xB;
	s8 =	sshrl.u32 s3, $0x1;
	v0 =	vcombine.low v1, v0  }
0xb: {  	s9 =	smul.u32 $0x62, s7;
	_ =	strace $0x80000047;
	s7 =	sshll.u32 s7, $0x1;
	v1 =	vcombine.low v3, v2;
	v2 =	vunpack.c.0.s8.s32 v6;
	v3 =	vcombine.low v5, v4  }
0xc: {  	vm7 =	vcmask $0x1F24;
	s4 =	sadd.s32 s4, s5;
	v4 =	vunpack.c.0.s8.s32 v7;
	s8 =	ssub.s32 s3, s8;
	s6 =	sadd.s32 s6, s7;
	v0 =	vand.u32 $0xF, v0  }
0xd: {  	s3 =	sadd.s32 $0x400, s4;
	s4 =	sadd.s32 $0x4400, s4;
	s5 =	sadd.s32 s5, s9;
	v1 =	vand.u32 $0xF, v1;
	v5 =	vand.u32 $0xF, v2;
	v2 =	vand.u32 $0xF, v3  }
0xe: {  	s7 =	smax.u32 s8, $0x1;
	s8 =	simm.s32 $0x1;
	s9 =	simm.s32 $0x4000;
	v3 =	vcombine.low v5, v4;
	v4 =	vlaneseq.u32;
	v5 =	vimm.f32 $+Inf  }
.LBB2_1:
0xf: {  	[tilespmem:s2], [sflag:$0x1] =	stream.linear.gather [hbm4b:s3+s2], $0x4000, $0x38;
	[tilespmem:$0x8500] =	vst v63  }
0x10: {  	_ =	swait.ge [sflag:s8], $0x4000  }
0x11: {  	[sflag:s8] =	ssyncset.done $0x0  }
0x12: {  	[sflag:s8] =	ssyncadd.s32 $0xFFFFC000  }
0x13: {  	[tilespmem:s9], [sflag:$0x1] =	stream.linear.gather [hbm4b:s4+s2], $0x4000, $0x38;
	[tilespmem:$0x8500] =	vst v63  }
0x14: {  	_ =	swait.ge [sflag:s8], $0x4000  }
0x15: {  	[sflag:s8] =	ssyncset.done $0x0  }
0x16: {  	[sflag:s8] =	ssyncadd.s32 $0xFFFFC000  }
0x17: {  	[tilespmem:s10], [sflag:$0x1] =	stream.linear.gather [hbm4b:s5+s2], $0x310, $0x38;
	[tilespmem:$0x8500] =	vst v63  }
0x18: {  	_ =	swait.ge [sflag:s8], $0x310  }
0x19: {  	[sflag:s8] =	ssyncset.done $0x0  }
0x1a: {  	s16 =	simm.s32 $0x0;
	[sflag:s8] =	ssyncadd.s32 $0xFFFFFCF0  }
0x1b: {  	v6 =	vimm.f32 $-Inf;
	s15 =	simm.s32 $0x40;
	v7 =	vld [tilespmem:s16+$0x8000]  }
.LBB2_2:
0x1c: {  	p0 =	sne.s32 s15, $0xC00  }
.Ltmp0:
0x1d: {  	_ = 	snop;
	(pc) =	sbr.rel @p0 .LBB2_2-.Ltmp0, $3  }
0x1e: {  	_ =	sdelay $0x1  }
0x1f: {  	s16 =	sshra.s32 s15, $0x2;
	s15 =	sadd.s32 $0x40, s15;
	v6 =	vmax.f32 v6, v7  }
0x20: {  	v7 =	vld [tilespmem:s16+$0x8000]  }
0x21: {  	_ =	sdelay $0x3  }
0x22: {  	v6 =	vmax.f32 v6, v7  }
0x23: {  	[tilespmem:$0x8400] =	vst v6  }
0x24: {  	v7 =	vld.idx.msk [tilespmem:v0+s11+$0x0], $0xffff;
	_ =	sdelay $0x4  }
0x25: {  	v6 =	vmax.f32 v6, v7  }
0x26: {  	[tilespmem:$0x8400] =	vst v6  }
0x27: {  	v7 =	vld.idx.msk [tilespmem:v1+s11+$0x0], $0xffff;
	_ =	sdelay $0x4  }
0x28: {  	v6 =	vmax.f32 v6, v7  }
0x29: {  	[tilespmem:$0x8400] =	vst v6  }
0x2a: {  	v7 =	vld.idx.msk [tilespmem:v2+s11+$0x0], $0xffff;
	_ =	sdelay $0x4  }
0x2b: {  	v6 =	vmax.f32 v6, v7  }
0x2c: {  	s15 =	simm.s32 $0x0;
	[tilespmem:$0x8400] =	vst v6  }
0x2d: {  	v11 =	vld [tilespmem:s15+$0x0];
	_ =	sdelay $0x1  }
0x2e: {  	v9 =	vld [tilespmem:s15+$0x10];
	_ =	sdelay $0x1  }
0x2f: {  	v12 =	vimm.f32 $+Inf;
	v10 =	vld [tilespmem:s15+$0x20]  }
0x30: {  	vm8 =	vlt.f32 v11, v12  }
0x31: {  	v8 =	vimm.s32 $0x0;
	v13 =	vsel vm8, v11, v12;
	v11 =	vld [tilespmem:s15+$0x30]  }
0x32: {  	s16 =	simm.s32 $0x200;
	v14 =	vor.u32 $0x1, v8;
	v7 =	vld.idx.msk [tilespmem:v3+s11+$0x0], $0xffff;
	v12 =	vsel vm8, v8, v8;
	s15 =	simm.s32 $0x40;
	vm8 =	vlt.f32 v9, v13  }
.LBB2_4:
0x33: {  	p0 =	sne.s32 s16, $0xFF00;
	v15 =	vld [tilespmem:s15+$0x0];
	v13 =	vsel vm8, v9, v13;
	v12 =	vsel vm8, v14, v12  }
0x34: {  	v14 =	vor.u32 $0x2, v8;
	vm8 =	vlt.f32 v10, v13  }
0x35: {  	v9 =	vld [tilespmem:s15+$0x10];
	v13 =	vsel vm8, v10, v13;
	v12 =	vsel vm8, v14, v12  }
.Ltmp1:
0x36: {  	v14 =	vor.u32 $0x3, v8;
	vm8 =	vlt.f32 v11, v13;
	(pc) =	sbr.rel @p0 .LBB2_4-.Ltmp1, $4  }
0x37: {  	v10 =	vld [tilespmem:s15+$0x20];
	v11 =	vsel vm8, v11, v13;
	v12 =	vsel vm8, v14, v12  }
0x38: {  	v8 =	vadd.s32 $0x4, v8;
	vm8 =	vlt.f32 v15, v11  }
0x39: {  	v13 =	vsel vm8, v15, v11;
	v12 =	vsel vm8, v8, v12;
	v11 =	vld [tilespmem:s15+$0x30]  }
0x3a: {  	v14 =	vor.u32 $0x1, v8;
	s15 =	sshra.s32 s16, $0x2;
	s16 =	sadd.s32 $0x100, s16;
	vm8 =	vlt.f32 v9, v13  }
0x3b: {  	v15 =	vld [tilespmem:s15+$0x0];
	v9 =	vsel vm8, v9, v13  }
0x3c: {  	vm9 =	vlt.f32 v10, v9  }
0x3d: {  	v13 =	vld [tilespmem:s15+$0x10];
	v9 =	vsel vm9, v10, v9  }
0x3e: {  	vm10 =	vlt.f32 v11, v9  }
0x3f: {  	v10 =	vld [tilespmem:s15+$0x20];
	v9 =	vsel vm10, v11, v9  }
0x40: {  	vm11 =	vlt.f32 v15, v9  }
0x41: {  	v11 =	vsel vm8, v14, v12;
	v12 =	vor.u32 $0x2, v8;
	v14 =	vld [tilespmem:s15+$0x30];
	v9 =	vsel vm11, v15, v9  }
0x42: {  	v11 =	vsel vm9, v12, v11;
	v12 =	vor.u32 $0x3, v8;
	vm8 =	vlt.f32 v13, v9  }
0x43: {  	v8 =	vadd.s32 $0x4, v8;
	v11 =	vsel vm10, v12, v11;
	v9 =	vsel vm8, v13, v9  }
0x44: {  	v12 =	vor.u32 $0x1, v8;
	v11 =	vsel vm11, v8, v11;
	vm9 =	vlt.f32 v10, v9  }
0x45: {  	v11 =	vsel vm8, v12, v11;
	v12 =	vor.u32 $0x2, v8;
	v9 =	vsel vm9, v10, v9  }
0x46: {  	v8 =	vor.u32 $0x3, v8;
	v10 =	vsel vm9, v12, v11;
	vm8 =	vlt.f32 v14, v9  }
0x47: {  	v8 =	vsel vm8, v8, v10  }
0x48: {  	v9 =	vsel vm8, v14, v9;
	v8 =	vshll.u32 v8, $0x4  }
0x49: {  	[tilespmem:$0x8400] =	vst v9;
	v8 =	vor.u32 v4, v8  }
0x4a: {  	[tilespmem:$0x8480] =	vst v8  }
0x4b: {  	v10 =	vld.idx.msk [tilespmem:v0+s11+$0x0], $0xffff  }
0x4c: {  	v11 =	vld.idx.msk [tilespmem:v0+s12+$0x0], $0xffff;
	_ =	sdelay $0x4  }
0x4d: {  	vm8 =	veq.f32 v10, v9;
	vm9 =	vlt.s32 v11, v8  }
0x4e: {  	vm10 =	vlt.f32 v10, v9;
	vm8 =	vmand vm8, vm9  }
0x4f: {  	vm8 =	vmor vm10, vm8  }
0x50: {  	v9 =	vsel vm8, v10, v9  }
0x51: {  	v8 =	vsel vm8, v11, v8;
	[tilespmem:$0x8400] =	vst v9  }
0x52: {  	[tilespmem:$0x8480] =	vst v8  }
0x53: {  	v10 =	vld.idx.msk [tilespmem:v1+s11+$0x0], $0xffff  }
0x54: {  	v11 =	vld.idx.msk [tilespmem:v1+s12+$0x0], $0xffff;
	_ =	sdelay $0x4  }
0x55: {  	vm8 =	veq.f32 v10, v9;
	vm9 =	vlt.s32 v11, v8  }
0x56: {  	vm10 =	vlt.f32 v10, v9;
	vm8 =	vmand vm8, vm9  }
0x57: {  	vm8 =	vmor vm10, vm8  }
0x58: {  	v9 =	vsel vm8, v10, v9  }
0x59: {  	v8 =	vsel vm8, v11, v8;
	[tilespmem:$0x8400] =	vst v9  }
0x5a: {  	[tilespmem:$0x8480] =	vst v8  }
0x5b: {  	v10 =	vld.idx.msk [tilespmem:v2+s11+$0x0], $0xffff  }
0x5c: {  	v11 =	vld.idx.msk [tilespmem:v2+s12+$0x0], $0xffff;
	_ =	sdelay $0x4  }
0x5d: {  	vm8 =	veq.f32 v10, v9;
	vm9 =	vlt.s32 v11, v8  }
0x5e: {  	vm10 =	vlt.f32 v10, v9;
	vm8 =	vmand vm8, vm9  }
0x5f: {  	vm8 =	vmor vm10, vm8  }
0x60: {  	v9 =	vsel vm8, v10, v9  }
0x61: {  	v8 =	vsel vm8, v11, v8;
	[tilespmem:$0x8400] =	vst v9  }
0x62: {  	[tilespmem:$0x8480] =	vst v8  }
0x63: {  	v10 =	vld.idx.msk [tilespmem:v3+s11+$0x0], $0xffff  }
0x64: {  	v11 =	vld.idx.msk [tilespmem:v3+s12+$0x0], $0xffff;
	_ =	sdelay $0x4  }
0x65: {  	vm8 =	veq.f32 v10, v9;
	vm9 =	vlt.s32 v11, v8  }
0x66: {  	vm10 =	vlt.f32 v10, v9;
	vm8 =	vmand vm8, vm9  }
0x67: {  	vm8 =	vmor vm10, vm8  }
0x68: {  	v9 =	vsel vm8, v11, v8;
	_ =	sdelay $0x3  }
0x69: {  	s30 =	simm.s32 $0x0;
	v12 =	vimm.f32 $+Inf  }
0x6a: {  	s31 =	simm.s32 $0x0;
	v8 =	vld.idx.msk [tilespmem:v9+s9+$0x0], $0xffff;
	[tilespmem:v9+s30+$0x0] =	vst.idx.msk $0x1, v12  }
0x6b: {  	v13 =	vld [tilespmem:s31+$0x0];
	_ =	sdelay $0x1  }
0x6c: {  	v10 =	vld [tilespmem:s31+$0x10];
	_ =	sdelay $0x1  }
0x6d: {  	v11 =	vld [tilespmem:s31+$0x20]  }
0x6e: {  	vm8 =	vlt.f32 v13, v12  }
0x6f: {  	v9 =	vimm.s32 $0x0;
	v14 =	vsel vm8, v13, v12;
	v12 =	vld [tilespmem:s31+$0x30]  }
0x70: {  	s16 =	simm.s32 $0x200;
	s15 =	simm.s32 $0x40;
	v15 =	vor.u32 $0x1, v9;
	v13 =	vsel vm8, v9, v9;
	vm8 =	vlt.f32 v10, v14  }
.LBB2_6:
0x71: {  	p0 =	sne.s32 s16, $0xFF00;
	v16 =	vld [tilespmem:s15+$0x0];
	v14 =	vsel vm8, v10, v14;
	v13 =	vsel vm8, v15, v13  }
0x72: {  	v15 =	vor.u32 $0x2, v9;
	vm8 =	vlt.f32 v11, v14  }
0x73: {  	v10 =	vld [tilespmem:s15+$0x10];
	v14 =	vsel vm8, v11, v14;
	v13 =	vsel vm8, v15, v13  }
.Ltmp2:
0x74: {  	v15 =	vor.u32 $0x3, v9;
	vm8 =	vlt.f32 v12, v14;
	(pc) =	sbr.rel @p0 .LBB2_6-.Ltmp2, $4  }
0x75: {  	v11 =	vld [tilespmem:s15+$0x20];
	v12 =	vsel vm8, v12, v14;
	v13 =	vsel vm8, v15, v13  }
0x76: {  	v9 =	vadd.s32 $0x4, v9;
	vm8 =	vlt.f32 v16, v12  }
0x77: {  	v14 =	vsel vm8, v16, v12;
	v13 =	vsel vm8, v9, v13;
	v12 =	vld [tilespmem:s15+$0x30]  }
0x78: {  	v15 =	vor.u32 $0x1, v9;
	s15 =	sshra.s32 s16, $0x2;
	s16 =	sadd.s32 $0x100, s16;
	vm8 =	vlt.f32 v10, v14  }
0x79: {  	v16 =	vld [tilespmem:s15+$0x0];
	v10 =	vsel vm8, v10, v14  }
0x7a: {  	vm9 =	vlt.f32 v11, v10  }
0x7b: {  	v14 =	vld [tilespmem:s15+$0x10];
	v10 =	vsel vm9, v11, v10  }
0x7c: {  	vm10 =	vlt.f32 v12, v10  }
0x7d: {  	v11 =	vld [tilespmem:s15+$0x20];
	v10 =	vsel vm10, v12, v10  }
0x7e: {  	vm11 =	vlt.f32 v16, v10  }
0x7f: {  	v12 =	vsel vm8, v15, v13;
	v13 =	vor.u32 $0x2, v9;
	v15 =	vld [tilespmem:s15+$0x30];
	v10 =	vsel vm11, v16, v10  }
0x80: {  	v12 =	vsel vm9, v13, v12;
	v13 =	vor.u32 $0x3, v9;
	vm8 =	vlt.f32 v14, v10  }
0x81: {  	v9 =	vadd.s32 $0x4, v9;
	v12 =	vsel vm10, v13, v12;
	v10 =	vsel vm8, v14, v10  }
0x82: {  	v13 =	vor.u32 $0x1, v9;
	v12 =	vsel vm11, v9, v12;
	vm9 =	vlt.f32 v11, v10  }
0x83: {  	v12 =	vsel vm8, v13, v12;
	v13 =	vor.u32 $0x2, v9;
	v10 =	vsel vm9, v11, v10  }
0x84: {  	v9 =	vor.u32 $0x3, v9;
	v11 =	vsel vm9, v13, v12;
	vm8 =	vlt.f32 v15, v10  }
0x85: {  	v9 =	vsel vm8, v9, v11  }
0x86: {  	v10 =	vsel vm8, v15, v10;
	v9 =	vshll.u32 v9, $0x4  }
0x87: {  	[tilespmem:$0x8400] =	vst v10;
	v9 =	vor.u32 v4, v9  }
0x88: {  	[tilespmem:$0x8480] =	vst v9  }
0x89: {  	v11 =	vld.idx.msk [tilespmem:v0+s11+$0x0], $0xffff  }
0x8a: {  	v12 =	vld.idx.msk [tilespmem:v0+s12+$0x0], $0xffff;
	_ =	sdelay $0x4  }
0x8b: {  	vm8 =	veq.f32 v11, v10;
	vm9 =	vlt.s32 v12, v9  }
0x8c: {  	vm10 =	vlt.f32 v11, v10;
	vm8 =	vmand vm8, vm9  }
0x8d: {  	vm8 =	vmor vm10, vm8  }
0x8e: {  	v10 =	vsel vm8, v11, v10  }
0x8f: {  	v9 =	vsel vm8, v12, v9;
	[tilespmem:$0x8400] =	vst v10  }
0x90: {  	[tilespmem:$0x8480] =	vst v9  }
0x91: {  	v11 =	vld.idx.msk [tilespmem:v1+s11+$0x0], $0xffff  }
0x92: {  	v12 =	vld.idx.msk [tilespmem:v1+s12+$0x0], $0xffff;
	_ =	sdelay $0x4  }
0x93: {  	vm8 =	veq.f32 v11, v10;
	vm9 =	vlt.s32 v12, v9  }
0x94: {  	vm10 =	vlt.f32 v11, v10;
	vm8 =	vmand vm8, vm9  }
0x95: {  	vm8 =	vmor vm10, vm8  }
0x96: {  	v10 =	vsel vm8, v11, v10  }
0x97: {  	v9 =	vsel vm8, v12, v9;
	[tilespmem:$0x8400] =	vst v10  }
0x98: {  	[tilespmem:$0x8480] =	vst v9  }
0x99: {  	v11 =	vld.idx.msk [tilespmem:v2+s11+$0x0], $0xffff  }
0x9a: {  	v12 =	vld.idx.msk [tilespmem:v2+s12+$0x0], $0xffff;
	_ =	sdelay $0x4  }
0x9b: {  	vm8 =	veq.f32 v11, v10;
	vm9 =	vlt.s32 v12, v9  }
0x9c: {  	vm10 =	vlt.f32 v11, v10;
	vm8 =	vmand vm8, vm9  }
0x9d: {  	vm8 =	vmor vm10, vm8  }
0x9e: {  	v10 =	vsel vm8, v11, v10  }
0x9f: {  	v9 =	vsel vm8, v12, v9;
	[tilespmem:$0x8400] =	vst v10  }
0xa0: {  	[tilespmem:$0x8480] =	vst v9  }
0xa1: {  	v11 =	vld.idx.msk [tilespmem:v3+s11+$0x0], $0xffff  }
0xa2: {  	v12 =	vld.idx.msk [tilespmem:v3+s12+$0x0], $0xffff;
	_ =	sdelay $0x4  }
0xa3: {  	vm8 =	veq.f32 v11, v10;
	vm9 =	vlt.s32 v12, v9  }
0xa4: {  	vm10 =	vlt.f32 v11, v10;
	vm8 =	vmand vm8, vm9  }
0xa5: {  	vm8 =	vmor vm10, vm8  }
0xa6: {  	v10 =	vsel vm8, v12, v9;
	_ =	sdelay $0x3  }
0xa7: {  	s30 =	simm.s32 $0x0;
	v13 =	vimm.f32 $+Inf  }
0xa8: {  	s31 =	simm.s32 $0x0;
	v9 =	vld.idx.msk [tilespmem:v10+s9+$0x0], $0xffff;
	[tilespmem:v10+s30+$0x0] =	vst.idx.msk $0x1, v13  }
0xa9: {  	v14 =	vld [tilespmem:s31+$0x0];
	_ =	sdelay $0x1  }
0xaa: {  	v11 =	vld [tilespmem:s31+$0x10];
	_ =	sdelay $0x1  }
0xab: {  	v12 =	vld [tilespmem:s31+$0x20]  }
0xac: {  	vm8 =	vlt.f32 v14, v13  }
0xad: {  	v10 =	vimm.s32 $0x0;
	v15 =	vsel vm8, v14, v13;
	v13 =	vld [tilespmem:s31+$0x30]  }
0xae: {  	s16 =	simm.s32 $0x200;
	s15 =	simm.s32 $0x40;
	v16 =	vor.u32 $0x1, v10;
	v14 =	vsel vm8, v10, v10;
	vm8 =	vlt.f32 v11, v15  }
.LBB2_8:
0xaf: {  	p0 =	sne.s32 s16, $0xFF00;
	v17 =	vld [tilespmem:s15+$0x0];
	v15 =	vsel vm8, v11, v15;
	v14 =	vsel vm8, v16, v14  }
0xb0: {  	v16 =	vor.u32 $0x2, v10;
	vm8 =	vlt.f32 v12, v15  }
0xb1: {  	v11 =	vld [tilespmem:s15+$0x10];
	v15 =	vsel vm8, v12, v15;
	v14 =	vsel vm8, v16, v14  }
.Ltmp3:
0xb2: {  	v16 =	vor.u32 $0x3, v10;
	vm8 =	vlt.f32 v13, v15;
	(pc) =	sbr.rel @p0 .LBB2_8-.Ltmp3, $4  }
0xb3: {  	v12 =	vld [tilespmem:s15+$0x20];
	v13 =	vsel vm8, v13, v15;
	v14 =	vsel vm8, v16, v14  }
0xb4: {  	v10 =	vadd.s32 $0x4, v10;
	vm8 =	vlt.f32 v17, v13  }
0xb5: {  	v15 =	vsel vm8, v17, v13;
	v14 =	vsel vm8, v10, v14;
	v13 =	vld [tilespmem:s15+$0x30]  }
0xb6: {  	v16 =	vor.u32 $0x1, v10;
	s15 =	sshra.s32 s16, $0x2;
	s16 =	sadd.s32 $0x100, s16;
	vm8 =	vlt.f32 v11, v15  }
0xb7: {  	v17 =	vld [tilespmem:s15+$0x0];
	v11 =	vsel vm8, v11, v15  }
0xb8: {  	vm9 =	vlt.f32 v12, v11  }
0xb9: {  	v15 =	vld [tilespmem:s15+$0x10];
	v11 =	vsel vm9, v12, v11  }
0xba: {  	vm10 =	vlt.f32 v13, v11  }
0xbb: {  	v12 =	vld [tilespmem:s15+$0x20];
	v11 =	vsel vm10, v13, v11  }
0xbc: {  	vm11 =	vlt.f32 v17, v11  }
0xbd: {  	v13 =	vsel vm8, v16, v14;
	v14 =	vor.u32 $0x2, v10;
	v16 =	vld [tilespmem:s15+$0x30];
	v11 =	vsel vm11, v17, v11  }
0xbe: {  	v13 =	vsel vm9, v14, v13;
	v14 =	vor.u32 $0x3, v10;
	vm8 =	vlt.f32 v15, v11  }
0xbf: {  	v10 =	vadd.s32 $0x4, v10;
	v13 =	vsel vm10, v14, v13;
	v11 =	vsel vm8, v15, v11  }
0xc0: {  	v14 =	vor.u32 $0x1, v10;
	v13 =	vsel vm11, v10, v13;
	vm9 =	vlt.f32 v12, v11  }
0xc1: {  	v13 =	vsel vm8, v14, v13;
	v14 =	vor.u32 $0x2, v10;
	v11 =	vsel vm9, v12, v11  }
0xc2: {  	v10 =	vor.u32 $0x3, v10;
	v12 =	vsel vm9, v14, v13;
	vm8 =	vlt.f32 v16, v11  }
0xc3: {  	v10 =	vsel vm8, v10, v12  }
0xc4: {  	v11 =	vsel vm8, v16, v11;
	v10 =	vshll.u32 v10, $0x4  }
0xc5: {  	[tilespmem:$0x8400] =	vst v11;
	v10 =	vor.u32 v4, v10  }
0xc6: {  	[tilespmem:$0x8480] =	vst v10  }
0xc7: {  	v12 =	vld.idx.msk [tilespmem:v0+s11+$0x0], $0xffff  }
0xc8: {  	v13 =	vld.idx.msk [tilespmem:v0+s12+$0x0], $0xffff;
	_ =	sdelay $0x4  }
0xc9: {  	vm8 =	veq.f32 v12, v11;
	vm9 =	vlt.s32 v13, v10  }
0xca: {  	vm10 =	vlt.f32 v12, v11;
	vm8 =	vmand vm8, vm9  }
0xcb: {  	vm8 =	vmor vm10, vm8  }
0xcc: {  	v11 =	vsel vm8, v12, v11  }
0xcd: {  	v10 =	vsel vm8, v13, v10;
	[tilespmem:$0x8400] =	vst v11  }
0xce: {  	[tilespmem:$0x8480] =	vst v10  }
0xcf: {  	v12 =	vld.idx.msk [tilespmem:v1+s11+$0x0], $0xffff  }
0xd0: {  	v13 =	vld.idx.msk [tilespmem:v1+s12+$0x0], $0xffff;
	_ =	sdelay $0x4  }
0xd1: {  	vm8 =	veq.f32 v12, v11;
	vm9 =	vlt.s32 v13, v10  }
0xd2: {  	vm10 =	vlt.f32 v12, v11;
	vm8 =	vmand vm8, vm9  }
0xd3: {  	vm8 =	vmor vm10, vm8  }
0xd4: {  	v11 =	vsel vm8, v12, v11  }
0xd5: {  	v10 =	vsel vm8, v13, v10;
	[tilespmem:$0x8400] =	vst v11  }
0xd6: {  	[tilespmem:$0x8480] =	vst v10  }
0xd7: {  	v12 =	vld.idx.msk [tilespmem:v2+s11+$0x0], $0xffff  }
0xd8: {  	v13 =	vld.idx.msk [tilespmem:v2+s12+$0x0], $0xffff;
	_ =	sdelay $0x4  }
0xd9: {  	vm8 =	veq.f32 v12, v11;
	vm9 =	vlt.s32 v13, v10  }
0xda: {  	vm10 =	vlt.f32 v12, v11;
	vm8 =	vmand vm8, vm9  }
0xdb: {  	vm8 =	vmor vm10, vm8  }
0xdc: {  	v11 =	vsel vm8, v12, v11  }
0xdd: {  	v10 =	vsel vm8, v13, v10;
	[tilespmem:$0x8400] =	vst v11  }
0xde: {  	[tilespmem:$0x8480] =	vst v10  }
0xdf: {  	v12 =	vld.idx.msk [tilespmem:v3+s11+$0x0], $0xffff  }
0xe0: {  	v13 =	vld.idx.msk [tilespmem:v3+s12+$0x0], $0xffff;
	_ =	sdelay $0x4  }
0xe1: {  	vm8 =	veq.f32 v12, v11;
	vm9 =	vlt.s32 v13, v10  }
0xe2: {  	vm10 =	vlt.f32 v12, v11;
	vm8 =	vmand vm8, vm9  }
0xe3: {  	vm8 =	vmor vm10, vm8  }
0xe4: {  	v11 =	vsel vm8, v13, v10;
	_ =	sdelay $0x3  }
0xe5: {  	s30 =	simm.s32 $0x0;
	v14 =	vimm.f32 $+Inf  }
0xe6: {  	s31 =	simm.s32 $0x0;
	v10 =	vld.idx.msk [tilespmem:v11+s9+$0x0], $0xffff;
	[tilespmem:v11+s30+$0x0] =	vst.idx.msk $0x1, v14  }
0xe7: {  	v15 =	vld [tilespmem:s31+$0x0];
	_ =	sdelay $0x1  }
0xe8: {  	v12 =	vld [tilespmem:s31+$0x10];
	_ =	sdelay $0x1  }
0xe9: {  	v13 =	vld [tilespmem:s31+$0x20]  }
0xea: {  	vm8 =	vlt.f32 v15, v14  }
0xeb: {  	v11 =	vimm.s32 $0x0;
	v16 =	vsel vm8, v15, v14;
	v14 =	vld [tilespmem:s31+$0x30]  }
0xec: {  	s16 =	simm.s32 $0x200;
	s15 =	simm.s32 $0x40;
	v17 =	vor.u32 $0x1, v11;
	v15 =	vsel vm8, v11, v11;
	vm8 =	vlt.f32 v12, v16  }
.LBB2_10:
0xed: {  	p0 =	sne.s32 s16, $0xFF00;
	v18 =	vld [tilespmem:s15+$0x0];
	v16 =	vsel vm8, v12, v16;
	v15 =	vsel vm8, v17, v15  }
0xee: {  	v17 =	vor.u32 $0x2, v11;
	vm8 =	vlt.f32 v13, v16  }
0xef: {  	v12 =	vld [tilespmem:s15+$0x10];
	v16 =	vsel vm8, v13, v16;
	v15 =	vsel vm8, v17, v15  }
.Ltmp4:
0xf0: {  	v17 =	vor.u32 $0x3, v11;
	vm8 =	vlt.f32 v14, v16;
	(pc) =	sbr.rel @p0 .LBB2_10-.Ltmp4, $4  }
0xf1: {  	v13 =	vld [tilespmem:s15+$0x20];
	v14 =	vsel vm8, v14, v16;
	v15 =	vsel vm8, v17, v15  }
0xf2: {  	v11 =	vadd.s32 $0x4, v11;
	vm8 =	vlt.f32 v18, v14  }
0xf3: {  	v16 =	vsel vm8, v18, v14;
	v15 =	vsel vm8, v11, v15;
	v14 =	vld [tilespmem:s15+$0x30]  }
0xf4: {  	v17 =	vor.u32 $0x1, v11;
	s15 =	sshra.s32 s16, $0x2;
	s16 =	sadd.s32 $0x100, s16;
	vm8 =	vlt.f32 v12, v16  }
0xf5: {  	v18 =	vld [tilespmem:s15+$0x0];
	v12 =	vsel vm8, v12, v16  }
0xf6: {  	vm9 =	vlt.f32 v13, v12  }
0xf7: {  	v16 =	vld [tilespmem:s15+$0x10];
	v12 =	vsel vm9, v13, v12  }
0xf8: {  	vm10 =	vlt.f32 v14, v12  }
0xf9: {  	v13 =	vld [tilespmem:s15+$0x20];
	v12 =	vsel vm10, v14, v12  }
0xfa: {  	vm11 =	vlt.f32 v18, v12  }
0xfb: {  	v14 =	vsel vm8, v17, v15;
	v15 =	vor.u32 $0x2, v11;
	v17 =	vld [tilespmem:s15+$0x30];
	v12 =	vsel vm11, v18, v12  }
0xfc: {  	v14 =	vsel vm9, v15, v14;
	v15 =	vor.u32 $0x3, v11;
	vm8 =	vlt.f32 v16, v12  }
0xfd: {  	v11 =	vadd.s32 $0x4, v11;
	v14 =	vsel vm10, v15, v14;
	v12 =	vsel vm8, v16, v12  }
0xfe: {  	v15 =	vor.u32 $0x1, v11;
	v14 =	vsel vm11, v11, v14;
	vm9 =	vlt.f32 v13, v12  }
0xff: {  	v14 =	vsel vm8, v15, v14;
	v15 =	vor.u32 $0x2, v11;
	v12 =	vsel vm9, v13, v12  }
0x100: {  	v11 =	vor.u32 $0x3, v11;
	v13 =	vsel vm9, v15, v14;
	vm8 =	vlt.f32 v17, v12  }
0x101: {  	v11 =	vsel vm8, v11, v13  }
0x102: {  	v12 =	vsel vm8, v17, v12;
	v11 =	vshll.u32 v11, $0x4  }
0x103: {  	[tilespmem:$0x8400] =	vst v12;
	v11 =	vor.u32 v4, v11  }
0x104: {  	[tilespmem:$0x8480] =	vst v11  }
0x105: {  	v13 =	vld.idx.msk [tilespmem:v0+s11+$0x0], $0xffff  }
0x106: {  	v14 =	vld.idx.msk [tilespmem:v0+s12+$0x0], $0xffff;
	_ =	sdelay $0x4  }
0x107: {  	vm8 =	veq.f32 v13, v12;
	vm9 =	vlt.s32 v14, v11  }
0x108: {  	vm10 =	vlt.f32 v13, v12;
	vm8 =	vmand vm8, vm9  }
0x109: {  	vm8 =	vmor vm10, vm8  }
0x10a: {  	v12 =	vsel vm8, v13, v12  }
0x10b: {  	v11 =	vsel vm8, v14, v11;
	[tilespmem:$0x8400] =	vst v12  }
0x10c: {  	[tilespmem:$0x8480] =	vst v11  }
0x10d: {  	v13 =	vld.idx.msk [tilespmem:v1+s11+$0x0], $0xffff  }
0x10e: {  	v14 =	vld.idx.msk [tilespmem:v1+s12+$0x0], $0xffff;
	_ =	sdelay $0x4  }
0x10f: {  	vm8 =	veq.f32 v13, v12;
	vm9 =	vlt.s32 v14, v11  }
0x110: {  	vm10 =	vlt.f32 v13, v12;
	vm8 =	vmand vm8, vm9  }
0x111: {  	vm8 =	vmor vm10, vm8  }
0x112: {  	v12 =	vsel vm8, v13, v12  }
0x113: {  	v11 =	vsel vm8, v14, v11;
	[tilespmem:$0x8400] =	vst v12  }
0x114: {  	[tilespmem:$0x8480] =	vst v11  }
0x115: {  	v13 =	vld.idx.msk [tilespmem:v2+s11+$0x0], $0xffff  }
0x116: {  	v14 =	vld.idx.msk [tilespmem:v2+s12+$0x0], $0xffff;
	_ =	sdelay $0x4  }
0x117: {  	vm8 =	veq.f32 v13, v12;
	vm9 =	vlt.s32 v14, v11  }
0x118: {  	vm10 =	vlt.f32 v13, v12;
	vm8 =	vmand vm8, vm9  }
0x119: {  	vm8 =	vmor vm10, vm8  }
0x11a: {  	v12 =	vsel vm8, v13, v12  }
0x11b: {  	v11 =	vsel vm8, v14, v11;
	[tilespmem:$0x8400] =	vst v12  }
0x11c: {  	[tilespmem:$0x8480] =	vst v11  }
0x11d: {  	v13 =	vld.idx.msk [tilespmem:v3+s11+$0x0], $0xffff  }
0x11e: {  	v14 =	vld.idx.msk [tilespmem:v3+s12+$0x0], $0xffff;
	_ =	sdelay $0x4  }
0x11f: {  	vm8 =	veq.f32 v13, v12;
	vm9 =	vlt.s32 v14, v11  }
0x120: {  	vm10 =	vlt.f32 v13, v12;
	vm8 =	vmand vm8, vm9  }
0x121: {  	vm8 =	vmor vm10, vm8  }
0x122: {  	v12 =	vsel vm8, v14, v11;
	_ =	sdelay $0x3  }
0x123: {  	s30 =	simm.s32 $0x0;
	v15 =	vimm.f32 $+Inf  }
0x124: {  	s31 =	simm.s32 $0x0;
	v11 =	vld.idx.msk [tilespmem:v12+s9+$0x0], $0xffff;
	[tilespmem:v12+s30+$0x0] =	vst.idx.msk $0x1, v15  }
0x125: {  	v16 =	vld [tilespmem:s31+$0x0];
	_ =	sdelay $0x1  }
0x126: {  	v13 =	vld [tilespmem:s31+$0x10];
	_ =	sdelay $0x1  }
0x127: {  	v14 =	vld [tilespmem:s31+$0x20]  }
0x128: {  	vm8 =	vlt.f32 v16, v15  }
0x129: {  	v12 =	vimm.s32 $0x0;
	v17 =	vsel vm8, v16, v15;
	v15 =	vld [tilespmem:s31+$0x30]  }
0x12a: {  	s16 =	simm.s32 $0x200;
	s15 =	simm.s32 $0x40;
	v18 =	vor.u32 $0x1, v12;
	v16 =	vsel vm8, v12, v12;
	vm8 =	vlt.f32 v13, v17  }
.LBB2_12:
0x12b: {  	p0 =	sne.s32 s16, $0xFF00;
	v19 =	vld [tilespmem:s15+$0x0];
	v17 =	vsel vm8, v13, v17;
	v16 =	vsel vm8, v18, v16  }
0x12c: {  	v18 =	vor.u32 $0x2, v12;
	vm8 =	vlt.f32 v14, v17  }
0x12d: {  	v13 =	vld [tilespmem:s15+$0x10];
	v17 =	vsel vm8, v14, v17;
	v16 =	vsel vm8, v18, v16  }
.Ltmp5:
0x12e: {  	v18 =	vor.u32 $0x3, v12;
	vm8 =	vlt.f32 v15, v17;
	(pc) =	sbr.rel @p0 .LBB2_12-.Ltmp5, $4  }
0x12f: {  	v14 =	vld [tilespmem:s15+$0x20];
	v15 =	vsel vm8, v15, v17;
	v16 =	vsel vm8, v18, v16  }
0x130: {  	v12 =	vadd.s32 $0x4, v12;
	vm8 =	vlt.f32 v19, v15  }
0x131: {  	v17 =	vsel vm8, v19, v15;
	v16 =	vsel vm8, v12, v16;
	v15 =	vld [tilespmem:s15+$0x30]  }
0x132: {  	v18 =	vor.u32 $0x1, v12;
	s15 =	sshra.s32 s16, $0x2;
	s16 =	sadd.s32 $0x100, s16;
	vm8 =	vlt.f32 v13, v17  }
0x133: {  	v19 =	vld [tilespmem:s15+$0x0];
	v13 =	vsel vm8, v13, v17  }
0x134: {  	vm9 =	vlt.f32 v14, v13  }
0x135: {  	v17 =	vld [tilespmem:s15+$0x10];
	v13 =	vsel vm9, v14, v13  }
0x136: {  	vm10 =	vlt.f32 v15, v13  }
0x137: {  	v14 =	vld [tilespmem:s15+$0x20];
	v13 =	vsel vm10, v15, v13  }
0x138: {  	vm11 =	vlt.f32 v19, v13  }
0x139: {  	v15 =	vsel vm8, v18, v16;
	v16 =	vor.u32 $0x2, v12;
	v18 =	vld [tilespmem:s15+$0x30];
	v13 =	vsel vm11, v19, v13  }
0x13a: {  	v15 =	vsel vm9, v16, v15;
	v16 =	vor.u32 $0x3, v12;
	vm8 =	vlt.f32 v17, v13  }
0x13b: {  	v12 =	vadd.s32 $0x4, v12;
	v15 =	vsel vm10, v16, v15;
	v13 =	vsel vm8, v17, v13  }
0x13c: {  	v16 =	vor.u32 $0x1, v12;
	v15 =	vsel vm11, v12, v15;
	vm9 =	vlt.f32 v14, v13  }
0x13d: {  	v15 =	vsel vm8, v16, v15;
	v16 =	vor.u32 $0x2, v12;
	v13 =	vsel vm9, v14, v13  }
0x13e: {  	v12 =	vor.u32 $0x3, v12;
	v14 =	vsel vm9, v16, v15;
	vm8 =	vlt.f32 v18, v13  }
0x13f: {  	v12 =	vsel vm8, v12, v14  }
0x140: {  	v13 =	vsel vm8, v18, v13;
	v12 =	vshll.u32 v12, $0x4  }
0x141: {  	[tilespmem:$0x8400] =	vst v13;
	v12 =	vor.u32 v4, v12  }
0x142: {  	[tilespmem:$0x8480] =	vst v12  }
0x143: {  	v14 =	vld.idx.msk [tilespmem:v0+s11+$0x0], $0xffff  }
0x144: {  	v15 =	vld.idx.msk [tilespmem:v0+s12+$0x0], $0xffff;
	_ =	sdelay $0x4  }
0x145: {  	vm8 =	veq.f32 v14, v13;
	vm9 =	vlt.s32 v15, v12  }
0x146: {  	vm10 =	vlt.f32 v14, v13;
	vm8 =	vmand vm8, vm9  }
0x147: {  	vm8 =	vmor vm10, vm8  }
0x148: {  	v13 =	vsel vm8, v14, v13  }
0x149: {  	v12 =	vsel vm8, v15, v12;
	[tilespmem:$0x8400] =	vst v13  }
0x14a: {  	[tilespmem:$0x8480] =	vst v12  }
0x14b: {  	v14 =	vld.idx.msk [tilespmem:v1+s11+$0x0], $0xffff  }
0x14c: {  	v15 =	vld.idx.msk [tilespmem:v1+s12+$0x0], $0xffff;
	_ =	sdelay $0x4  }
0x14d: {  	vm8 =	veq.f32 v14, v13;
	vm9 =	vlt.s32 v15, v12  }
0x14e: {  	vm10 =	vlt.f32 v14, v13;
	vm8 =	vmand vm8, vm9  }
0x14f: {  	vm8 =	vmor vm10, vm8  }
0x150: {  	v13 =	vsel vm8, v14, v13  }
0x151: {  	v12 =	vsel vm8, v15, v12;
	[tilespmem:$0x8400] =	vst v13  }
0x152: {  	[tilespmem:$0x8480] =	vst v12  }
0x153: {  	v14 =	vld.idx.msk [tilespmem:v2+s11+$0x0], $0xffff  }
0x154: {  	v15 =	vld.idx.msk [tilespmem:v2+s12+$0x0], $0xffff;
	_ =	sdelay $0x4  }
0x155: {  	vm8 =	veq.f32 v14, v13;
	vm9 =	vlt.s32 v15, v12  }
0x156: {  	vm10 =	vlt.f32 v14, v13;
	vm8 =	vmand vm8, vm9  }
0x157: {  	vm8 =	vmor vm10, vm8  }
0x158: {  	v13 =	vsel vm8, v14, v13  }
0x159: {  	v12 =	vsel vm8, v15, v12;
	[tilespmem:$0x8400] =	vst v13  }
0x15a: {  	[tilespmem:$0x8480] =	vst v12  }
0x15b: {  	v14 =	vld.idx.msk [tilespmem:v3+s11+$0x0], $0xffff  }
0x15c: {  	v15 =	vld.idx.msk [tilespmem:v3+s12+$0x0], $0xffff;
	_ =	sdelay $0x4  }
0x15d: {  	vm8 =	veq.f32 v14, v13;
	vm9 =	vlt.s32 v15, v12  }
0x15e: {  	vm10 =	vlt.f32 v14, v13;
	vm8 =	vmand vm8, vm9  }
0x15f: {  	vm8 =	vmor vm10, vm8  }
0x160: {  	v13 =	vsel vm8, v15, v12;
	_ =	sdelay $0x3  }
0x161: {  	s30 =	simm.s32 $0x0;
	v16 =	vimm.f32 $+Inf  }
0x162: {  	s31 =	simm.s32 $0x0;
	v12 =	vld.idx.msk [tilespmem:v13+s9+$0x0], $0xffff;
	[tilespmem:v13+s30+$0x0] =	vst.idx.msk $0x1, v16  }
0x163: {  	v17 =	vld [tilespmem:s31+$0x0];
	_ =	sdelay $0x1  }
0x164: {  	v14 =	vld [tilespmem:s31+$0x10];
	_ =	sdelay $0x1  }
0x165: {  	v15 =	vld [tilespmem:s31+$0x20]  }
0x166: {  	vm8 =	vlt.f32 v17, v16  }
0x167: {  	v13 =	vimm.s32 $0x0;
	v18 =	vsel vm8, v17, v16;
	v16 =	vld [tilespmem:s31+$0x30]  }
0x168: {  	s16 =	simm.s32 $0x200;
	s15 =	simm.s32 $0x40;
	v19 =	vor.u32 $0x1, v13;
	v17 =	vsel vm8, v13, v13;
	vm8 =	vlt.f32 v14, v18  }
.LBB2_14:
0x169: {  	p0 =	sne.s32 s16, $0xFF00;
	v20 =	vld [tilespmem:s15+$0x0];
	v18 =	vsel vm8, v14, v18;
	v17 =	vsel vm8, v19, v17  }
0x16a: {  	v19 =	vor.u32 $0x2, v13;
	vm8 =	vlt.f32 v15, v18  }
0x16b: {  	v14 =	vld [tilespmem:s15+$0x10];
	v18 =	vsel vm8, v15, v18;
	v17 =	vsel vm8, v19, v17  }
.Ltmp6:
0x16c: {  	v19 =	vor.u32 $0x3, v13;
	vm8 =	vlt.f32 v16, v18;
	(pc) =	sbr.rel @p0 .LBB2_14-.Ltmp6, $4  }
0x16d: {  	v15 =	vld [tilespmem:s15+$0x20];
	v16 =	vsel vm8, v16, v18;
	v17 =	vsel vm8, v19, v17  }
0x16e: {  	v13 =	vadd.s32 $0x4, v13;
	vm8 =	vlt.f32 v20, v16  }
0x16f: {  	v18 =	vsel vm8, v20, v16;
	v17 =	vsel vm8, v13, v17;
	v16 =	vld [tilespmem:s15+$0x30]  }
0x170: {  	v19 =	vor.u32 $0x1, v13;
	s15 =	sshra.s32 s16, $0x2;
	s16 =	sadd.s32 $0x100, s16;
	vm8 =	vlt.f32 v14, v18  }
0x171: {  	v20 =	vld [tilespmem:s15+$0x0];
	v14 =	vsel vm8, v14, v18  }
0x172: {  	vm9 =	vlt.f32 v15, v14  }
0x173: {  	v18 =	vld [tilespmem:s15+$0x10];
	v14 =	vsel vm9, v15, v14  }
0x174: {  	vm10 =	vlt.f32 v16, v14  }
0x175: {  	v15 =	vld [tilespmem:s15+$0x20];
	v14 =	vsel vm10, v16, v14  }
0x176: {  	vm11 =	vlt.f32 v20, v14  }
0x177: {  	v16 =	vsel vm8, v19, v17;
	v17 =	vor.u32 $0x2, v13;
	v19 =	vld [tilespmem:s15+$0x30];
	v14 =	vsel vm11, v20, v14  }
0x178: {  	v16 =	vsel vm9, v17, v16;
	v17 =	vor.u32 $0x3, v13;
	vm8 =	vlt.f32 v18, v14  }
0x179: {  	v13 =	vadd.s32 $0x4, v13;
	v16 =	vsel vm10, v17, v16;
	v14 =	vsel vm8, v18, v14  }
0x17a: {  	v17 =	vor.u32 $0x1, v13;
	v16 =	vsel vm11, v13, v16;
	vm9 =	vlt.f32 v15, v14  }
0x17b: {  	v16 =	vsel vm8, v17, v16;
	v17 =	vor.u32 $0x2, v13;
	v14 =	vsel vm9, v15, v14  }
0x17c: {  	v13 =	vor.u32 $0x3, v13;
	v15 =	vsel vm9, v17, v16;
	vm8 =	vlt.f32 v19, v14  }
0x17d: {  	v13 =	vsel vm8, v13, v15  }
0x17e: {  	v14 =	vsel vm8, v19, v14;
	v13 =	vshll.u32 v13, $0x4  }
0x17f: {  	[tilespmem:$0x8400] =	vst v14;
	v13 =	vor.u32 v4, v13  }
0x180: {  	[tilespmem:$0x8480] =	vst v13  }
0x181: {  	v15 =	vld.idx.msk [tilespmem:v0+s11+$0x0], $0xffff  }
0x182: {  	v16 =	vld.idx.msk [tilespmem:v0+s12+$0x0], $0xffff;
	_ =	sdelay $0x4  }
0x183: {  	vm8 =	veq.f32 v15, v14;
	vm9 =	vlt.s32 v16, v13  }
0x184: {  	vm10 =	vlt.f32 v15, v14;
	vm8 =	vmand vm8, vm9  }
0x185: {  	vm8 =	vmor vm10, vm8  }
0x186: {  	v14 =	vsel vm8, v15, v14  }
0x187: {  	v13 =	vsel vm8, v16, v13;
	[tilespmem:$0x8400] =	vst v14  }
0x188: {  	[tilespmem:$0x8480] =	vst v13  }
0x189: {  	v15 =	vld.idx.msk [tilespmem:v1+s11+$0x0], $0xffff  }
0x18a: {  	v16 =	vld.idx.msk [tilespmem:v1+s12+$0x0], $0xffff;
	_ =	sdelay $0x4  }
0x18b: {  	vm8 =	veq.f32 v15, v14;
	vm9 =	vlt.s32 v16, v13  }
0x18c: {  	vm10 =	vlt.f32 v15, v14;
	vm8 =	vmand vm8, vm9  }
0x18d: {  	vm8 =	vmor vm10, vm8  }
0x18e: {  	v14 =	vsel vm8, v15, v14  }
0x18f: {  	v13 =	vsel vm8, v16, v13;
	[tilespmem:$0x8400] =	vst v14  }
0x190: {  	[tilespmem:$0x8480] =	vst v13  }
0x191: {  	v15 =	vld.idx.msk [tilespmem:v2+s11+$0x0], $0xffff  }
0x192: {  	v16 =	vld.idx.msk [tilespmem:v2+s12+$0x0], $0xffff;
	_ =	sdelay $0x4  }
0x193: {  	vm8 =	veq.f32 v15, v14;
	vm9 =	vlt.s32 v16, v13  }
0x194: {  	vm10 =	vlt.f32 v15, v14;
	vm8 =	vmand vm8, vm9  }
0x195: {  	vm8 =	vmor vm10, vm8  }
0x196: {  	v14 =	vsel vm8, v15, v14  }
0x197: {  	v13 =	vsel vm8, v16, v13;
	[tilespmem:$0x8400] =	vst v14  }
0x198: {  	[tilespmem:$0x8480] =	vst v13  }
0x199: {  	v15 =	vld.idx.msk [tilespmem:v3+s11+$0x0], $0xffff  }
0x19a: {  	v16 =	vld.idx.msk [tilespmem:v3+s12+$0x0], $0xffff;
	_ =	sdelay $0x4  }
0x19b: {  	vm8 =	veq.f32 v15, v14;
	vm9 =	vlt.s32 v16, v13  }
0x19c: {  	vm10 =	vlt.f32 v15, v14;
	vm8 =	vmand vm8, vm9  }
0x19d: {  	vm8 =	vmor vm10, vm8  }
0x19e: {  	v14 =	vsel vm8, v16, v13;
	_ =	sdelay $0x3  }
0x19f: {  	s30 =	simm.s32 $0x0;
	v17 =	vimm.f32 $+Inf  }
0x1a0: {  	s31 =	simm.s32 $0x0;
	v13 =	vld.idx.msk [tilespmem:v14+s9+$0x0], $0xffff;
	[tilespmem:v14+s30+$0x0] =	vst.idx.msk $0x1, v17  }
0x1a1: {  	v18 =	vld [tilespmem:s31+$0x0];
	_ =	sdelay $0x1  }
0x1a2: {  	v15 =	vld [tilespmem:s31+$0x10];
	_ =	sdelay $0x1  }
0x1a3: {  	v16 =	vld [tilespmem:s31+$0x20]  }
0x1a4: {  	vm8 =	vlt.f32 v18, v17  }
0x1a5: {  	v14 =	vimm.s32 $0x0;
	v19 =	vsel vm8, v18, v17;
	v17 =	vld [tilespmem:s31+$0x30]  }
0x1a6: {  	s16 =	simm.s32 $0x200;
	s15 =	simm.s32 $0x40;
	v20 =	vor.u32 $0x1, v14;
	v18 =	vsel vm8, v14, v14;
	vm8 =	vlt.f32 v15, v19  }
.LBB2_16:
0x1a7: {  	p0 =	sne.s32 s16, $0xFF00;
	v21 =	vld [tilespmem:s15+$0x0];
	v19 =	vsel vm8, v15, v19;
	v18 =	vsel vm8, v20, v18  }
0x1a8: {  	v20 =	vor.u32 $0x2, v14;
	vm8 =	vlt.f32 v16, v19  }
0x1a9: {  	v15 =	vld [tilespmem:s15+$0x10];
	v19 =	vsel vm8, v16, v19;
	v18 =	vsel vm8, v20, v18  }
.Ltmp7:
0x1aa: {  	v20 =	vor.u32 $0x3, v14;
	vm8 =	vlt.f32 v17, v19;
	(pc) =	sbr.rel @p0 .LBB2_16-.Ltmp7, $4  }
0x1ab: {  	v16 =	vld [tilespmem:s15+$0x20];
	v17 =	vsel vm8, v17, v19;
	v18 =	vsel vm8, v20, v18  }
0x1ac: {  	v14 =	vadd.s32 $0x4, v14;
	vm8 =	vlt.f32 v21, v17  }
0x1ad: {  	v19 =	vsel vm8, v21, v17;
	v18 =	vsel vm8, v14, v18;
	v17 =	vld [tilespmem:s15+$0x30]  }
0x1ae: {  	v20 =	vor.u32 $0x1, v14;
	s15 =	sshra.s32 s16, $0x2;
	s16 =	sadd.s32 $0x100, s16;
	vm8 =	vlt.f32 v15, v19  }
0x1af: {  	v21 =	vld [tilespmem:s15+$0x0];
	v15 =	vsel vm8, v15, v19  }
0x1b0: {  	vm9 =	vlt.f32 v16, v15  }
0x1b1: {  	v19 =	vld [tilespmem:s15+$0x10];
	v15 =	vsel vm9, v16, v15  }
0x1b2: {  	vm10 =	vlt.f32 v17, v15  }
0x1b3: {  	v16 =	vld [tilespmem:s15+$0x20];
	v15 =	vsel vm10, v17, v15  }
0x1b4: {  	vm11 =	vlt.f32 v21, v15  }
0x1b5: {  	v17 =	vsel vm8, v20, v18;
	v18 =	vor.u32 $0x2, v14;
	v20 =	vld [tilespmem:s15+$0x30];
	v15 =	vsel vm11, v21, v15  }
0x1b6: {  	v17 =	vsel vm9, v18, v17;
	v18 =	vor.u32 $0x3, v14;
	vm8 =	vlt.f32 v19, v15  }
0x1b7: {  	v14 =	vadd.s32 $0x4, v14;
	v17 =	vsel vm10, v18, v17;
	v15 =	vsel vm8, v19, v15  }
0x1b8: {  	v18 =	vor.u32 $0x1, v14;
	v17 =	vsel vm11, v14, v17;
	vm9 =	vlt.f32 v16, v15  }
0x1b9: {  	v17 =	vsel vm8, v18, v17;
	v18 =	vor.u32 $0x2, v14;
	v15 =	vsel vm9, v16, v15  }
0x1ba: {  	v14 =	vor.u32 $0x3, v14;
	v16 =	vsel vm9, v18, v17;
	vm8 =	vlt.f32 v20, v15  }
0x1bb: {  	v14 =	vsel vm8, v14, v16  }
0x1bc: {  	v15 =	vsel vm8, v20, v15;
	v14 =	vshll.u32 v14, $0x4  }
0x1bd: {  	[tilespmem:$0x8400] =	vst v15;
	v14 =	vor.u32 v4, v14  }
0x1be: {  	[tilespmem:$0x8480] =	vst v14  }
0x1bf: {  	v16 =	vld.idx.msk [tilespmem:v0+s11+$0x0], $0xffff  }
0x1c0: {  	v17 =	vld.idx.msk [tilespmem:v0+s12+$0x0], $0xffff;
	_ =	sdelay $0x4  }
0x1c1: {  	vm8 =	veq.f32 v16, v15;
	vm9 =	vlt.s32 v17, v14  }
0x1c2: {  	vm10 =	vlt.f32 v16, v15;
	vm8 =	vmand vm8, vm9  }
0x1c3: {  	vm8 =	vmor vm10, vm8  }
0x1c4: {  	v15 =	vsel vm8, v16, v15  }
0x1c5: {  	v14 =	vsel vm8, v17, v14;
	[tilespmem:$0x8400] =	vst v15  }
0x1c6: {  	[tilespmem:$0x8480] =	vst v14  }
0x1c7: {  	v16 =	vld.idx.msk [tilespmem:v1+s11+$0x0], $0xffff  }
0x1c8: {  	v17 =	vld.idx.msk [tilespmem:v1+s12+$0x0], $0xffff;
	_ =	sdelay $0x4  }
0x1c9: {  	vm8 =	veq.f32 v16, v15;
	vm9 =	vlt.s32 v17, v14  }
0x1ca: {  	vm10 =	vlt.f32 v16, v15;
	vm8 =	vmand vm8, vm9  }
0x1cb: {  	vm8 =	vmor vm10, vm8  }
0x1cc: {  	v15 =	vsel vm8, v16, v15  }
0x1cd: {  	v14 =	vsel vm8, v17, v14;
	[tilespmem:$0x8400] =	vst v15  }
0x1ce: {  	[tilespmem:$0x8480] =	vst v14  }
0x1cf: {  	v16 =	vld.idx.msk [tilespmem:v2+s11+$0x0], $0xffff  }
0x1d0: {  	v17 =	vld.idx.msk [tilespmem:v2+s12+$0x0], $0xffff;
	_ =	sdelay $0x4  }
0x1d1: {  	vm8 =	veq.f32 v16, v15;
	vm9 =	vlt.s32 v17, v14  }
0x1d2: {  	vm10 =	vlt.f32 v16, v15;
	vm8 =	vmand vm8, vm9  }
0x1d3: {  	vm8 =	vmor vm10, vm8  }
0x1d4: {  	v15 =	vsel vm8, v16, v15  }
0x1d5: {  	v14 =	vsel vm8, v17, v14;
	[tilespmem:$0x8400] =	vst v15  }
0x1d6: {  	[tilespmem:$0x8480] =	vst v14  }
0x1d7: {  	v16 =	vld.idx.msk [tilespmem:v3+s11+$0x0], $0xffff  }
0x1d8: {  	v17 =	vld.idx.msk [tilespmem:v3+s12+$0x0], $0xffff;
	_ =	sdelay $0x4  }
0x1d9: {  	vm8 =	veq.f32 v16, v15;
	vm9 =	vlt.s32 v17, v14  }
0x1da: {  	vm10 =	vlt.f32 v16, v15;
	vm8 =	vmand vm8, vm9  }
0x1db: {  	vm8 =	vmor vm10, vm8  }
0x1dc: {  	v15 =	vsel vm8, v17, v14;
	_ =	sdelay $0x3  }
0x1dd: {  	s30 =	simm.s32 $0x0;
	v18 =	vimm.f32 $+Inf  }
0x1de: {  	s31 =	simm.s32 $0x0;
	v14 =	vld.idx.msk [tilespmem:v15+s9+$0x0], $0xffff;
	[tilespmem:v15+s30+$0x0] =	vst.idx.msk $0x1, v18  }
0x1df: {  	v19 =	vld [tilespmem:s31+$0x0];
	_ =	sdelay $0x1  }
0x1e0: {  	v16 =	vld [tilespmem:s31+$0x10];
	_ =	sdelay $0x1  }
0x1e1: {  	v17 =	vld [tilespmem:s31+$0x20]  }
0x1e2: {  	vm8 =	vlt.f32 v19, v18  }
0x1e3: {  	v15 =	vimm.s32 $0x0;
	v20 =	vsel vm8, v19, v18;
	v18 =	vld [tilespmem:s31+$0x30]  }
0x1e4: {  	s16 =	simm.s32 $0x200;
	s15 =	simm.s32 $0x40;
	v21 =	vor.u32 $0x1, v15;
	v19 =	vsel vm8, v15, v15;
	vm8 =	vlt.f32 v16, v20  }
.LBB2_18:
0x1e5: {  	p0 =	sne.s32 s16, $0xFF00;
	v22 =	vld [tilespmem:s15+$0x0];
	v20 =	vsel vm8, v16, v20;
	v19 =	vsel vm8, v21, v19  }
0x1e6: {  	v21 =	vor.u32 $0x2, v15;
	vm8 =	vlt.f32 v17, v20  }
0x1e7: {  	v16 =	vld [tilespmem:s15+$0x10];
	v20 =	vsel vm8, v17, v20;
	v19 =	vsel vm8, v21, v19  }
.Ltmp8:
0x1e8: {  	v21 =	vor.u32 $0x3, v15;
	vm8 =	vlt.f32 v18, v20;
	(pc) =	sbr.rel @p0 .LBB2_18-.Ltmp8, $4  }
0x1e9: {  	v17 =	vld [tilespmem:s15+$0x20];
	v18 =	vsel vm8, v18, v20;
	v19 =	vsel vm8, v21, v19  }
0x1ea: {  	v15 =	vadd.s32 $0x4, v15;
	vm8 =	vlt.f32 v22, v18  }
0x1eb: {  	v20 =	vsel vm8, v22, v18;
	v19 =	vsel vm8, v15, v19;
	v18 =	vld [tilespmem:s15+$0x30]  }
0x1ec: {  	v21 =	vor.u32 $0x1, v15;
	s15 =	sshra.s32 s16, $0x2;
	s16 =	sadd.s32 $0x100, s16;
	vm8 =	vlt.f32 v16, v20  }
0x1ed: {  	v22 =	vld [tilespmem:s15+$0x0];
	v16 =	vsel vm8, v16, v20  }
0x1ee: {  	vm9 =	vlt.f32 v17, v16  }
0x1ef: {  	v20 =	vld [tilespmem:s15+$0x10];
	v16 =	vsel vm9, v17, v16  }
0x1f0: {  	vm10 =	vlt.f32 v18, v16  }
0x1f1: {  	v17 =	vld [tilespmem:s15+$0x20];
	v16 =	vsel vm10, v18, v16  }
0x1f2: {  	vm11 =	vlt.f32 v22, v16  }
0x1f3: {  	v18 =	vsel vm8, v21, v19;
	v19 =	vor.u32 $0x2, v15;
	v21 =	vld [tilespmem:s15+$0x30];
	v16 =	vsel vm11, v22, v16  }
0x1f4: {  	v18 =	vsel vm9, v19, v18;
	v19 =	vor.u32 $0x3, v15;
	vm8 =	vlt.f32 v20, v16  }
0x1f5: {  	v15 =	vadd.s32 $0x4, v15;
	v18 =	vsel vm10, v19, v18;
	v16 =	vsel vm8, v20, v16  }
0x1f6: {  	v19 =	vor.u32 $0x1, v15;
	v18 =	vsel vm11, v15, v18;
	vm9 =	vlt.f32 v17, v16  }
0x1f7: {  	v18 =	vsel vm8, v19, v18;
	v19 =	vor.u32 $0x2, v15;
	v16 =	vsel vm9, v17, v16  }
0x1f8: {  	v15 =	vor.u32 $0x3, v15;
	v17 =	vsel vm9, v19, v18;
	vm8 =	vlt.f32 v21, v16  }
0x1f9: {  	v15 =	vsel vm8, v15, v17  }
0x1fa: {  	v16 =	vsel vm8, v21, v16;
	v15 =	vshll.u32 v15, $0x4  }
0x1fb: {  	[tilespmem:$0x8400] =	vst v16;
	v15 =	vor.u32 v4, v15  }
0x1fc: {  	[tilespmem:$0x8480] =	vst v15  }
0x1fd: {  	v17 =	vld.idx.msk [tilespmem:v0+s11+$0x0], $0xffff  }
0x1fe: {  	v18 =	vld.idx.msk [tilespmem:v0+s12+$0x0], $0xffff;
	_ =	sdelay $0x4  }
0x1ff: {  	vm8 =	veq.f32 v17, v16;
	vm9 =	vlt.s32 v18, v15  }
0x200: {  	vm10 =	vlt.f32 v17, v16;
	vm8 =	vmand vm8, vm9  }
0x201: {  	vm8 =	vmor vm10, vm8  }
0x202: {  	v16 =	vsel vm8, v17, v16  }
0x203: {  	v15 =	vsel vm8, v18, v15;
	[tilespmem:$0x8400] =	vst v16  }
0x204: {  	[tilespmem:$0x8480] =	vst v15  }
0x205: {  	v17 =	vld.idx.msk [tilespmem:v1+s11+$0x0], $0xffff  }
0x206: {  	v18 =	vld.idx.msk [tilespmem:v1+s12+$0x0], $0xffff;
	_ =	sdelay $0x4  }
0x207: {  	vm8 =	veq.f32 v17, v16;
	vm9 =	vlt.s32 v18, v15  }
0x208: {  	vm10 =	vlt.f32 v17, v16;
	vm8 =	vmand vm8, vm9  }
0x209: {  	vm8 =	vmor vm10, vm8  }
0x20a: {  	v16 =	vsel vm8, v17, v16  }
0x20b: {  	v15 =	vsel vm8, v18, v15;
	[tilespmem:$0x8400] =	vst v16  }
0x20c: {  	[tilespmem:$0x8480] =	vst v15  }
0x20d: {  	v17 =	vld.idx.msk [tilespmem:v2+s11+$0x0], $0xffff  }
0x20e: {  	v18 =	vld.idx.msk [tilespmem:v2+s12+$0x0], $0xffff;
	_ =	sdelay $0x4  }
0x20f: {  	vm8 =	veq.f32 v17, v16;
	vm9 =	vlt.s32 v18, v15  }
0x210: {  	vm10 =	vlt.f32 v17, v16;
	vm8 =	vmand vm8, vm9  }
0x211: {  	vm8 =	vmor vm10, vm8  }
0x212: {  	v16 =	vsel vm8, v17, v16  }
0x213: {  	v15 =	vsel vm8, v18, v15;
	[tilespmem:$0x8400] =	vst v16  }
0x214: {  	[tilespmem:$0x8480] =	vst v15  }
0x215: {  	v17 =	vld.idx.msk [tilespmem:v3+s11+$0x0], $0xffff  }
0x216: {  	v18 =	vld.idx.msk [tilespmem:v3+s12+$0x0], $0xffff;
	_ =	sdelay $0x4  }
0x217: {  	vm8 =	veq.f32 v17, v16;
	vm9 =	vlt.s32 v18, v15  }
0x218: {  	vm10 =	vlt.f32 v17, v16;
	vm8 =	vmand vm8, vm9  }
0x219: {  	vm8 =	vmor vm10, vm8  }
0x21a: {  	v16 =	vsel vm8, v18, v15;
	_ =	sdelay $0x3  }
0x21b: {  	s30 =	simm.s32 $0x0;
	v19 =	vimm.f32 $+Inf  }
0x21c: {  	s31 =	simm.s32 $0x0;
	v15 =	vld.idx.msk [tilespmem:v16+s9+$0x0], $0xffff;
	[tilespmem:v16+s30+$0x0] =	vst.idx.msk $0x1, v19  }
0x21d: {  	v20 =	vld [tilespmem:s31+$0x0];
	_ =	sdelay $0x1  }
0x21e: {  	v17 =	vld [tilespmem:s31+$0x10];
	_ =	sdelay $0x1  }
0x21f: {  	v18 =	vld [tilespmem:s31+$0x20]  }
0x220: {  	vm8 =	vlt.f32 v20, v19  }
0x221: {  	v16 =	vimm.s32 $0x0;
	v21 =	vsel vm8, v20, v19;
	v19 =	vld [tilespmem:s31+$0x30]  }
0x222: {  	s16 =	simm.s32 $0x200;
	s15 =	simm.s32 $0x40;
	v22 =	vor.u32 $0x1, v16;
	v20 =	vsel vm8, v16, v16;
	vm8 =	vlt.f32 v17, v21  }
.LBB2_20:
0x223: {  	p0 =	sne.s32 s16, $0xFF00;
	v23 =	vld [tilespmem:s15+$0x0];
	v21 =	vsel vm8, v17, v21;
	v20 =	vsel vm8, v22, v20  }
0x224: {  	v22 =	vor.u32 $0x2, v16;
	vm8 =	vlt.f32 v18, v21  }
0x225: {  	v17 =	vld [tilespmem:s15+$0x10];
	v21 =	vsel vm8, v18, v21;
	v20 =	vsel vm8, v22, v20  }
.Ltmp9:
0x226: {  	v22 =	vor.u32 $0x3, v16;
	vm8 =	vlt.f32 v19, v21;
	(pc) =	sbr.rel @p0 .LBB2_20-.Ltmp9, $4  }
0x227: {  	v18 =	vld [tilespmem:s15+$0x20];
	v19 =	vsel vm8, v19, v21;
	v20 =	vsel vm8, v22, v20  }
0x228: {  	v16 =	vadd.s32 $0x4, v16;
	vm8 =	vlt.f32 v23, v19  }
0x229: {  	v21 =	vsel vm8, v23, v19;
	v20 =	vsel vm8, v16, v20;
	v19 =	vld [tilespmem:s15+$0x30]  }
0x22a: {  	v22 =	vor.u32 $0x1, v16;
	s15 =	sshra.s32 s16, $0x2;
	s16 =	sadd.s32 $0x100, s16;
	vm8 =	vlt.f32 v17, v21  }
0x22b: {  	v23 =	vld [tilespmem:s15+$0x0];
	v17 =	vsel vm8, v17, v21  }
0x22c: {  	vm9 =	vlt.f32 v18, v17  }
0x22d: {  	v37 =	vld [tilespmem:s15+$0x10];
	v17 =	vsel vm9, v18, v17  }
0x22e: {  	vm10 =	vlt.f32 v19, v17  }
0x22f: {  	v38 =	vld [tilespmem:s15+$0x20];
	v17 =	vsel vm10, v19, v17  }
0x230: {  	vm11 =	vlt.f32 v23, v17  }
0x231: {  	v39 =	vsel vm8, v22, v20;
	v40 =	vor.u32 $0x2, v16;
	v41 =	vld [tilespmem:s15+$0x30];
	v17 =	vsel vm11, v23, v17  }
0x232: {  	v42 =	vor.u32 $0x3, v16;
	v19 =	vsel vm9, v40, v39;
	vm8 =	vlt.f32 v37, v17  }
0x233: {  	v43 =	vadd.s32 $0x4, v16;
	v19 =	vsel vm10, v42, v19;
	v17 =	vsel vm8, v37, v17  }
0x234: {  	v44 =	vor.u32 $0x1, v43;
	v19 =	vsel vm11, v43, v19;
	vm15 =	vlt.f32 v38, v17  }
0x235: {  	v45 =	vor.u32 $0x2, v43;
	v19 =	vsel vm8, v44, v19;
	v17 =	vsel vm15, v38, v17  }
0x236: {  	v16 =	vor.u32 $0x3, v43;
	v46 =	vsel vm15, v45, v19;
	vm8 =	vlt.f32 v41, v17  }
0x237: {  	v16 =	vsel vm8, v16, v46  }
0x238: {  	v17 =	vsel vm8, v41, v17;
	v16 =	vshll.u32 v16, $0x4  }
0x239: {  	[tilespmem:$0x8400] =	vst v17;
	v16 =	vor.u32 v4, v16  }
0x23a: {  	[tilespmem:$0x8480] =	vst v16  }
0x23b: {  	v47 =	vld.idx.msk [tilespmem:v0+s11+$0x0], $0xffff  }
0x23c: {  	v48 =	vld.idx.msk [tilespmem:v0+s12+$0x0], $0xffff;
	_ =	sdelay $0x4  }
0x23d: {  	vm8 =	veq.f32 v47, v17;
	vm12 =	vlt.s32 v48, v16  }
0x23e: {  	vm13 =	vlt.f32 v47, v17;
	vm8 =	vmand vm8, vm12  }
0x23f: {  	vm8 =	vmor vm13, vm8  }
0x240: {  	v17 =	vsel vm8, v47, v17  }
0x241: {  	v16 =	vsel vm8, v48, v16;
	[tilespmem:$0x8400] =	vst v17  }
0x242: {  	[tilespmem:$0x8480] =	vst v16  }
0x243: {  	v49 =	vld.idx.msk [tilespmem:v1+s11+$0x0], $0xffff  }
0x244: {  	v50 =	vld.idx.msk [tilespmem:v1+s12+$0x0], $0xffff;
	_ =	sdelay $0x4  }
0x245: {  	vm8 =	veq.f32 v49, v17;
	vm14 =	vlt.s32 v50, v16  }
0x246: {  	vm15 =	vlt.f32 v49, v17;
	vm8 =	vmand vm8, vm14  }
0x247: {  	vm8 =	vmor vm15, vm8  }
0x248: {  	v17 =	vsel vm8, v49, v17  }
0x249: {  	v16 =	vsel vm8, v50, v16;
	[tilespmem:$0x8400] =	vst v17  }
0x24a: {  	[tilespmem:$0x8480] =	vst v16  }
0x24b: {  	v51 =	vld.idx.msk [tilespmem:v2+s11+$0x0], $0xffff  }
0x24c: {  	v52 =	vld.idx.msk [tilespmem:v2+s12+$0x0], $0xffff;
	_ =	sdelay $0x4  }
0x24d: {  	vm8 =	veq.f32 v51, v17;
	vm12 =	vlt.s32 v52, v16  }
0x24e: {  	vm13 =	vlt.f32 v51, v17;
	vm8 =	vmand vm8, vm12  }
0x24f: {  	vm8 =	vmor vm13, vm8  }
0x250: {  	v17 =	vsel vm8, v51, v17  }
0x251: {  	v16 =	vsel vm8, v52, v16;
	[tilespmem:$0x8400] =	vst v17  }
0x252: {  	[tilespmem:$0x8480] =	vst v16  }
0x253: {  	v53 =	vld.idx.msk [tilespmem:v3+s11+$0x0], $0xffff  }
0x254: {  	v54 =	vld.idx.msk [tilespmem:v3+s12+$0x0], $0xffff;
	_ =	sdelay $0x4  }
0x255: {  	vm8 =	veq.f32 v53, v17;
	vm14 =	vlt.s32 v54, v16  }
0x256: {  	vm15 =	vlt.f32 v53, v17;
	vm8 =	vmand vm8, vm14  }
0x257: {  	vm8 =	vmor vm15, vm8  }
0x258: {  	v16 =	vsel vm8, v54, v16  }
0x259: {  	vm8 =	vmmov $0x1  }
0x25a: {  	v8 =	vnsel vm8, $0x0, v8  }
0x25b: {  	v8 =	vsel vm0, v8, v9  }
0x25c: {  	v8 =	vsel vm1, v8, v10  }
0x25d: {  	v8 =	vsel vm2, v8, v11;
	v55 =	vld.idx.msk [tilespmem:v16+s9+$0x0], $0xffff  }
0x25e: {  	v8 =	vsel vm3, v8, v12  }
0x25f: {  	v8 =	vsel vm4, v8, v13  }
0x260: {  	v8 =	vsel vm5, v8, v14  }
0x261: {  	v8 =	vsel vm6, v8, v15  }
0x262: {  	vm8 =	vmmov $0x1ff;
	v8 =	vsel vm7, v8, v55  }
0x263: {  	[tilespmem:v16+s2+$0x0] =	vst.idx.msk $0x1, v5;
	v9 =	vnsel vm8, $0xFF800000, v8  }
0x264: {  	[tilespmem:$0x8400] =	vst v9  }
0x265: {  	v56 =	vld.idx.msk [tilespmem:v0+s11+$0x0], $0xffff;
	_ =	sdelay $0x4  }
0x266: {  	v9 =	vmax.f32 v9, v56  }
0x267: {  	[tilespmem:$0x8400] =	vst v9  }
0x268: {  	v57 =	vld.idx.msk [tilespmem:v1+s11+$0x0], $0xffff;
	_ =	sdelay $0x4  }
0x269: {  	v9 =	vmax.f32 v9, v57  }
0x26a: {  	[tilespmem:$0x8400] =	vst v9  }
0x26b: {  	v58 =	vld.idx.msk [tilespmem:v2+s11+$0x0], $0xffff;
	_ =	sdelay $0x4  }
0x26c: {  	v9 =	vmax.f32 v9, v58  }
0x26d: {  	[tilespmem:$0x8400] =	vst v9  }
0x26e: {  	v59 =	vld.idx.msk [tilespmem:v3+s11+$0x0], $0xffff;
	_ =	sdelay $0x4  }
0x26f: {  	v9 =	vmax.f32 v9, v59  }
0x270: {  	v8 =	vsub.f32 v8, v9;
	_ =	sdelay $0x1  }
0x271: {  	v8 =	vmul.f32 $1.442695020e+00, v8;
	_ =	sdelay $0x1  }
0x272: {  	(erf) = vpow2.f32 v8;
	_ =	sdelay $0x8  }
0x273: {  	v8 =	vpop (erf)  }
0x274: {  	v8 =	vnsel vm8, $0x0, v8  }
0x275: {  	[tilespmem:$0x8400] =	vst v8  }
0x276: {  	v60 =	vld.idx.msk [tilespmem:v0+s11+$0x0], $0xffff;
	_ =	sdelay $0x4  }
0x277: {  	v9 =	vadd.f32 v8, v60;
	_ =	sdelay $0x1  }
0x278: {  	[tilespmem:$0x8400] =	vst v9  }
0x279: {  	v61 =	vld.idx.msk [tilespmem:v1+s11+$0x0], $0xffff;
	_ =	sdelay $0x4  }
0x27a: {  	v9 =	vadd.f32 v9, v61;
	_ =	sdelay $0x1  }
0x27b: {  	[tilespmem:$0x8400] =	vst v9  }
0x27c: {  	v62 =	vld.idx.msk [tilespmem:v2+s11+$0x0], $0xffff;
	_ =	sdelay $0x4  }
0x27d: {  	v9 =	vadd.f32 v9, v62;
	_ =	sdelay $0x1  }
0x27e: {  	[tilespmem:$0x8400] =	vst v9  }
0x27f: {  	v63 =	vld.idx.msk [tilespmem:v3+s11+$0x0], $0xffff;
	_ =	sdelay $0x4  }
0x280: {  	v9 =	vadd.f32 v63, v9;
	_ =	sdelay $0x1  }
0x281: {  	(erf) = vrcp.f32 v9;
	_ =	sdelay $0x8  }
0x282: {  	v9 =	vpop (erf)  }
0x283: {  	v8 =	vmul.f32 v9, v8;
	_ =	sdelay $0x1  }
0x284: {  	v8 =	vsub.f32 $1.000000000e+00, v8  }
0x285: {  	v6 =	vmax.f32 v6, v7  }
0x286: {  	s14 =	sadd.s32 $0x1, s14;
	v6 =	vmul.f32 v8, v6  }
0x287: {  	p0 =	sne.s32 s14, s7  }
.Ltmp10:
0x288: {  	[tilespmem:$0x8380] =	vst v6;
	(pc) =	sbr.rel @p0 .LBB2_1-.Ltmp10, $4  }
0x289: {  	[hbm4b:s6+s2] =	stream.linear.scatter [tilespmem:s13], [sflag:$0x1], $0x10, $0x38;
	[tilespmem:$0x8500] =	vst v63  }
0x28a: {  	_ =	swait.ge [sflag:s8], $0x10  }
0x28b: {  	[sflag:s8] =	ssyncset.done $0x0  }
0x28c: {  	[sflag:s8] =	ssyncadd.s32 $0xFFFFFFF0  }
0x28d: {  	_ =	sfence.sel $0x180000  }
0x28e: {  	[bflag:$0x0] =	sbarrier.arrive $0xFFFF  }
0x28f: {  	p0 =	sne.s32 s0, $0x0;
	_ =	strace $0x90000047  }
0x290: {  	s0 =	sadd.s32 @!p0 $0x100000, s1;
	[bflag:$0x2] =	sbarrier.arrive $0xFFFF  }
0x291: {  	[sflag:s0] =	ssyncadd.tile.s32 @!p0 $0x1;
	_ =	shalt  }
.Lfunc_end2:
_tile_overlayer_lowered:
.L_overlay_start_2:
0x292: {  	(tag) =	ssettag $0x2  }
0x293: {  	s0 =	rddreg [dreg:$0x0];
	s2 =	stileid.u32  }
0x294: {  	s1 =	rddreg [dreg:$0x1];
	p0 =	sne.s32 s2, $0x0  }
0x295: {  	s3 =	rddreg [dreg:$0x2];
	[bflag:$0x3] =	sbarrier.arrive $0xFFFF;
	s2 =	simm.s32 @!p0 $0x1C01  }
0x296: {  	[timem:s3], [sflag:s2] =	dma.local @!p0 [hbm:s0], s1  }
0x297: {  	s0 =	simm.s32 @!p0 $0x1  }
0x298: {  	_ =	swait.ge @!p0 [sflag:s0], s1  }
0x299: {  	s1 =	ssub.s32 @!p0 $0x0, s1;
	[sflag:s0] =	ssyncset.done @!p0 $0x0  }
0x29a: {  	[sflag:s0] =	ssyncadd.s32 @!p0 s1  }
0x29b: {  	[bflag:$0x3] =	sbarrier.arrive $0xFFFF  }
0x29c: {  	_ =	shalt  }

</sc_bundles>
